<compile_context>
chip_gen: v7x
topology: tpu7x:2x2x1
jax: 0.10.2.dev20260603
libtpu: 0.0.44.dev20260713+nightly
codegen_flags: <defaults>
</compile_context>

<pallas_src>
import functools

import jax
import jax.numpy as jnp
from jax import lax
from jax.experimental import pallas as pl
from jax.experimental.pallas import tpu as pltpu
from jax.experimental.pallas import tpu_sc as plsc

N = 10000
D = 128
E = 320000

NC = 2
NS = 16
NW = NC * NS
EDGES_PER_W = E // NW
CHUNK = 100
NCHUNK = EDGES_PER_W // CHUNK
NBUF = 2
NGROUP = NCHUNK // NBUF
NIDX = 2
N_PAD = 10240
ROWS_PER_S = N_PAD // NS
ZROWS = 128
ZCOPIES = ROWS_PER_S // ZROWS
EZROWS = 16
EZCOPIES = ROWS_PER_S // EZROWS
HW = 16
DCHUNK = 125
DBLK = 16
DNBLK = EDGES_PER_W // (DBLK * DCHUNK)


def _deg_body(dstb_hbm, out_hbm, idx_v, ones_v, zbuf_v, hist_sh, dsem):
    cid = lax.axis_index("c")
    sid = lax.axis_index("s")
    wid = sid * NC + cid

    @pl.loop(0, DCHUNK)
    def _(r):
        ones_v[r, :] = jnp.ones((HW,), jnp.float32)

    @pl.loop(0, ZROWS)
    def _(r):
        zbuf_v[r, :] = jnp.zeros((HW,), jnp.float32)

    @pl.loop(0, ZCOPIES)
    def _(k):
        pltpu.sync_copy(
            zbuf_v, hist_sh.at[pl.ds(sid * ROWS_PER_S + k * ZROWS, ZROWS)])

    plsc.subcore_barrier()

    @pl.loop(0, DNBLK)
    def _(bk):
        pltpu.sync_copy(dstb_hbm.at[wid, bk], idx_v)

        @pl.loop(0, DBLK)
        def _(j):
            pltpu.sync_copy(ones_v, hist_sh.at[idx_v.at[j]], add=True)

    plsc.subcore_barrier()
    r0 = sid * ROWS_PER_S
    pltpu.sync_copy(
        hist_sh.at[pl.ds(r0, ROWS_PER_S)],
        out_hbm.at[cid, pl.ds(r0, ROWS_PER_S)],
    )


def _edge_body(g_hbm, gidx_hbm, out_hbm, idx_v, rows_v, zbuf_v, acc_sh,
               isem, gsem, ssem):
    cid = lax.axis_index("c")
    sid = lax.axis_index("s")
    wid = sid * NC + cid

    @pl.loop(0, EZROWS)
    def _(r):
        for c in range(D // 16):
            zbuf_v[r, pl.ds(c * 16, 16)] = jnp.zeros((16,), jnp.float32)

    @pl.loop(0, EZCOPIES)
    def _(k):
        pltpu.sync_copy(
            zbuf_v, acc_sh.at[pl.ds(sid * ROWS_PER_S + k * EZROWS, EZROWS)])

    plsc.subcore_barrier()

    def start_idx(g, q):
        pltpu.async_copy(gidx_hbm.at[wid, g], idx_v.at[q], isem.at[q])

    def wait_idx(g, q):
        pltpu.make_async_copy(
            gidx_hbm.at[wid, g], idx_v.at[q], isem.at[q]).wait()

    def start_gather(q, b):
        pltpu.async_copy(
            g_hbm.at[idx_v.at[q, 0, b]], rows_v.at[b], gsem.at[b])

    def wait_gather(q, b):
        pltpu.make_async_copy(
            g_hbm.at[idx_v.at[q, 0, b]], rows_v.at[b], gsem.at[b]).wait()

    def start_scatter(q, b):
        pltpu.async_copy(
            rows_v.at[b], acc_sh.at[idx_v.at[q, 1, b]], ssem.at[b],
            add=True)

    def wait_scatter(q, b):
        pltpu.make_async_copy(
            rows_v.at[b], acc_sh.at[idx_v.at[q, 1, b]], ssem.at[b]).wait()

    start_idx(0, 0)
    wait_idx(0, 0)
    for b in range(NBUF):
        start_gather(0, b)
    start_idx(1, 1)

    @pl.loop(0, NGROUP)
    def _(g):
        p = lax.rem(g, 2)
        p1 = 1 - p
        for b in range(NBUF):
            wait_gather(p, b)
        for b in range(NBUF):
            start_scatter(p, b)

        @pl.when(g + 1 < NGROUP)
        def _():
            wait_idx(g + 1, p1)
            for b in range(NBUF):
                wait_scatter(p, b)
            for b in range(NBUF):
                start_gather(p1, b)

            @pl.when(g + 2 < NGROUP)
            def _():
                start_idx(g + 2, p)

        @pl.when(g + 1 >= NGROUP)
        def _():
            for b in range(NBUF):
                wait_scatter(p, b)

    plsc.subcore_barrier()

    @pl.loop(0, ZCOPIES)
    def _(k):
        r0 = sid * ROWS_PER_S + k * ZROWS
        pltpu.sync_copy(acc_sh.at[pl.ds(r0, ZROWS)],
                        out_hbm.at[cid, pl.ds(r0, ZROWS)])


@functools.cache
def _sc_kernels():
    mesh = plsc.VectorSubcoreMesh(
        core_axis_name="c", subcore_axis_name="s",
        num_cores=NC, num_subcores=NS)
    deg_kernel = pl.kernel(
        _deg_body,
        out_type=jax.ShapeDtypeStruct((NC, N_PAD, HW), jnp.float32),
        mesh=mesh,
        scratch_types=[
            pltpu.VMEM((DBLK, DCHUNK), jnp.int32),
            pltpu.VMEM((DCHUNK, HW), jnp.float32),
            pltpu.VMEM((ZROWS, HW), jnp.float32),
            pltpu.VMEM_SHARED((N_PAD, HW), jnp.float32),
            pltpu.SemaphoreType.DMA((5,)),
        ],
    )
    edge_kernel = pl.kernel(
        _edge_body,
        out_type=jax.ShapeDtypeStruct((NC, N_PAD, D), jnp.float32),
        mesh=mesh,
        scratch_types=[
            pltpu.VMEM((NIDX, 2, NBUF, CHUNK), jnp.int32),
            pltpu.VMEM((NBUF, CHUNK, D), jnp.float32),
            pltpu.VMEM((EZROWS, D), jnp.float32),
            pltpu.VMEM_SHARED((N_PAD, D), jnp.float32),
            pltpu.SemaphoreType.DMA((NIDX,)),
            pltpu.SemaphoreType.DMA((NBUF,)),
            pltpu.SemaphoreType.DMA((NBUF,)),
        ],
    )
    return deg_kernel, edge_kernel


_BLK = 400


def _dis(hist_ref):
    deg = hist_ref[0, :, 0:1] + hist_ref[1, :, 0:1] + 1.0
    return lax.rsqrt(deg)


def _scale_mm_body(hist_ref, x_ref, w_ref, o_ref):
    h = jnp.dot(x_ref[...], w_ref[...], preferred_element_type=jnp.float32)
    o_ref[...] = h * _dis(hist_ref)


def _combine_mm_body(hist_ref, s_ref, g_ref, b_ref, w_ref, o_ref):
    dis = _dis(hist_ref)
    h = dis * (s_ref[0] + s_ref[1] + g_ref[...]) + b_ref[...]
    o_ref[...] = jnp.dot(
        h, w_ref[...], preferred_element_type=jnp.float32) * dis


def _combine_body(hist_ref, s_ref, g_ref, b_ref, o_ref):
    o_ref[...] = _dis(hist_ref) * (s_ref[0] + s_ref[1] + g_ref[...]) \
        + b_ref[...]


_HIST_SPEC = pl.BlockSpec((NC, _BLK, HW), lambda i: (0, i, 0))
_ROW_SPEC = pl.BlockSpec((_BLK, D), lambda i: (i, 0))
_S_SPEC = pl.BlockSpec((NC, _BLK, D), lambda i: (0, i, 0))
_W_SPEC = pl.BlockSpec((D, D), lambda i: (0, 0))
_B_SPEC = pl.BlockSpec((1, D), lambda i: (0, 0))
_OUT = jax.ShapeDtypeStruct((N, D), jnp.float32)


def _scale_mm(hist, x, w):
    return pl.pallas_call(
        _scale_mm_body,
        grid=(N // _BLK,),
        in_specs=[_HIST_SPEC, _ROW_SPEC, _W_SPEC],
        out_specs=_ROW_SPEC,
        out_shape=_OUT,
    )(hist, x, w)


def _combine_mm(hist, s, g, b, w):
    return pl.pallas_call(
        _combine_mm_body,
        grid=(N // _BLK,),
        in_specs=[_HIST_SPEC, _S_SPEC, _ROW_SPEC, _B_SPEC, _W_SPEC],
        out_specs=_ROW_SPEC,
        out_shape=_OUT,
    )(hist, s, g, b, w)


def _combine(hist, s, g, b):
    return pl.pallas_call(
        _combine_body,
        grid=(N // _BLK,),
        in_specs=[_HIST_SPEC, _S_SPEC, _ROW_SPEC, _B_SPEC],
        out_specs=_ROW_SPEC,
        out_shape=_OUT,
    )(hist, s, g, b)


def kernel(x, edge_index, W1, b1, W2, b2):
    eidx = edge_index.astype(jnp.int32)
    gidx = jnp.transpose(
        eidx.reshape(2, NW, NGROUP, NBUF, CHUNK), (1, 2, 0, 3, 4))
    dstb = eidx[1].reshape(NW, DNBLK, DBLK, DCHUNK)
    b1r = b1.reshape(1, D)
    b2r = b2.reshape(1, D)

    deg_kernel, edge_kernel = _sc_kernels()
    hist = deg_kernel(dstb)
    g1 = _scale_mm(hist, x, W1)
    s1 = edge_kernel(g1, gidx)
    g2 = _combine_mm(hist, s1, g1, b1r, W2)
    s2 = edge_kernel(g2, gidx)
    return _combine(hist, s2, g2, b2r)

# --- scband reference (transcript-rebuilt; emitter-appended) ---
"""Pipeline reference for scband-mesh-gnn-45268955299958 (READ-ONLY COPY).

The authoritative reference and input builder live on the scoring server;
editing this copy changes nothing except your own understanding.
"""

import jax, jax.numpy as jnp
import numpy as np

N_NODES = 10000
D = 128
N_EDGES = 320000


def gcn_conv(x, edge_index, W, b):
    num_nodes = x.shape[0]
    src = edge_index[0]
    dst = edge_index[1]
    # add self-loops (PyG GCNConv default)
    loop = jnp.arange(num_nodes, dtype=src.dtype)
    src = jnp.concatenate([src, loop])
    dst = jnp.concatenate([dst, loop])
    # linear transform
    h = x @ W
    # symmetric normalization: deg computed on dst with unit edge weights
    ones = jnp.ones(src.shape[0], dtype=x.dtype)
    deg = jax.ops.segment_sum(ones, dst, num_segments=num_nodes)
    deg_inv_sqrt = jnp.where(deg > 0, jax.lax.rsqrt(deg), 0.0)
    norm = deg_inv_sqrt[src] * deg_inv_sqrt[dst]
    # message passing: gather from src, scale, scatter-add to dst
    msgs = h[src] * norm[:, None]
    out = jax.ops.segment_sum(msgs, dst, num_segments=num_nodes)
    return out + b


def setup_inputs(seed: int = 0) -> dict:
    key = jax.random.key(seed)
    k_x, k_e, k_w1, k_b1, k_w2, k_b2 = jax.random.split(key, 6)
    x = jax.random.normal(k_x, (N_NODES, D), dtype=jnp.float32)
    edge_index = jax.random.randint(k_e, (2, N_EDGES), 0, N_NODES, dtype=jnp.int64)
    # glorot-style init for GCN weights
    s1 = (6.0 / (D + D)) ** 0.5
    W1 = jax.random.uniform(k_w1, (D, D), dtype=jnp.float32, minval=-s1, maxval=s1)
    b1 = jnp.zeros((D,), dtype=jnp.float32)
    W2 = jax.random.uniform(k_w2, (D, D), dtype=jnp.float32, minval=-s1, maxval=s1)
    b2 = jnp.zeros((D,), dtype=jnp.float32)
    return {"x": x, "edge_index": edge_index, "W1": W1, "b1": b1, "W2": W2, "b2": b2}


def reference(x, edge_index, W1, b1, W2, b2):
    h = gcn_conv(x, edge_index, W1, b1)
    out = gcn_conv(h, edge_index, W2, b2)
    return out

if __name__ == "__main__":
    import jax
    _d = setup_inputs()
    print(jax.jit(kernel)(*tuple(_d.values())))

</pallas_src>

<mosaic_0001>
#map = affine_map<(d0, d1) -> (0, 0)>
#map1 = affine_map<(d0, d1) -> (0, 0, 0, 0, 0)>
#map2 = affine_map<(d0, d1) -> (0, 0, 0)>
module attributes {stable_mosaic.version = 14 : i64} {
  func.func @_edge_body(%arg0: i32, %arg1: i32, %arg2: memref<10000x128xf32, #tpu.memory_space<hbm>>, %arg3: memref<32x50x2x2x100xi32, #tpu.memory_space<hbm>>, %arg4: memref<2x10240x128xf32, #tpu.memory_space<hbm>>, %arg5: memref<2x2x2x100xi32, #tpu.memory_space<vmem>>, %arg6: memref<2x100x128xf32, #tpu.memory_space<vmem>>, %arg7: memref<16x128xf32, #tpu.memory_space<vmem>>, %arg8: memref<10240x128xf32, #tpu.memory_space<vmem_shared>>, %arg9: memref<2x!tpu.dma_semaphore, #tpu.memory_space<semaphore_mem>>, %arg10: memref<2x!tpu.dma_semaphore, #tpu.memory_space<semaphore_mem>>, %arg11: memref<2x!tpu.dma_semaphore, #tpu.memory_space<semaphore_mem>>) attributes {dimension_semantics = [#tpu.dimension_semantics<core_parallel>, #tpu.dimension_semantics<subcore_parallel>], iteration_bounds = array<i64: 2, 16>, scalar_prefetch = 0 : i64, scratch_operands = 7 : i64, tpu.core_type = #tpu.core_type<sc_vector_subcore>, window_params = [{transform_indices = #map}, {transform_indices = #map1}, {transform_indices = #map2}]} {
    %mul3A = arith.constant 2 : i32
    %mul3A_0 = arith.muli %arg1, %mul3A : i32
    %add3A = arith.addi %mul3A_0, %arg0 : i32
    %scan3A = arith.constant 0 : i32
    %scan3A_1 = arith.constant 16 : i32
    %scan3A_2 = arith.addi %scan3A, %scan3A_1 : i32
    %scan3A_3 = arith.constant 1 : i32
    scf.for %scan3A_128 = %scan3A to %scan3A_2 step %scan3A_3  : i32 {
      %mul3A_129 = arith.constant 1 : i32
      %mul3A_130 = arith.muli %scan3A_128, %mul3A_129 : i32
      %add3A_131 = arith.constant 0 : i32
      %add3A_132 = arith.addi %add3A_131, %mul3A_130 : i32
      %broadcast_in_dim3A = arith.constant 0.000000e+00 : f32
      %broadcast_in_dim3A_133 = vector.broadcast %broadcast_in_dim3A : f32 to vector<16xf32>
      %swap3A = arith.index_cast %add3A_132 : i32 to index
      %swap3A_134 = arith.constant 0 : index
      %swap3A_135 = tpu.vector_load %arg7[%swap3A, %swap3A_134] {strides = array<i32>} : memref<16x128xf32, #tpu.memory_space<vmem>>, vector<1x16xf32>,
      %swap3A_136 = vector.shape_cast %swap3A_135 : vector<1x16xf32> to vector<16xf32>
      %swap3A_137 = vector.shape_cast %broadcast_in_dim3A_133 : vector<16xf32> to vector<1x16xf32>
      tpu.vector_store %arg7[%swap3A, %swap3A_134], %swap3A_137 {strides = array<i32>} : memref<16x128xf32, #tpu.memory_space<vmem>>, vector<1x16xf32>,
      %broadcast_in_dim3A_138 = arith.constant 0.000000e+00 : f32
      %broadcast_in_dim3A_139 = vector.broadcast %broadcast_in_dim3A_138 : f32 to vector<16xf32>
      %swap3A_140 = arith.index_cast %add3A_132 : i32 to index
      %swap3A_141 = arith.constant 16 : index
      %swap3A_142 = tpu.vector_load %arg7[%swap3A_140, %swap3A_141] {strides = array<i32>} : memref<16x128xf32, #tpu.memory_space<vmem>>, vector<1x16xf32>,
      %swap3A_143 = vector.shape_cast %swap3A_142 : vector<1x16xf32> to vector<16xf32>
      %swap3A_144 = vector.shape_cast %broadcast_in_dim3A_139 : vector<16xf32> to vector<1x16xf32>
      tpu.vector_store %arg7[%swap3A_140, %swap3A_141], %swap3A_144 {strides = array<i32>} : memref<16x128xf32, #tpu.memory_space<vmem>>, vector<1x16xf32>,
      %broadcast_in_dim3A_145 = arith.constant 0.000000e+00 : f32
      %broadcast_in_dim3A_146 = vector.broadcast %broadcast_in_dim3A_145 : f32 to vector<16xf32>
      %swap3A_147 = arith.index_cast %add3A_132 : i32 to index
      %swap3A_148 = arith.constant 32 : index
      %swap3A_149 = tpu.vector_load %arg7[%swap3A_147, %swap3A_148] {strides = array<i32>} : memref<16x128xf32, #tpu.memory_space<vmem>>, vector<1x16xf32>,
      %swap3A_150 = vector.shape_cast %swap3A_149 : vector<1x16xf32> to vector<16xf32>
      %swap3A_151 = vector.shape_cast %broadcast_in_dim3A_146 : vector<16xf32> to vector<1x16xf32>
      tpu.vector_store %arg7[%swap3A_147, %swap3A_148], %swap3A_151 {strides = array<i32>} : memref<16x128xf32, #tpu.memory_space<vmem>>, vector<1x16xf32>,
      %broadcast_in_dim3A_152 = arith.constant 0.000000e+00 : f32
      %broadcast_in_dim3A_153 = vector.broadcast %broadcast_in_dim3A_152 : f32 to vector<16xf32>
      %swap3A_154 = arith.index_cast %add3A_132 : i32 to index
      %swap3A_155 = arith.constant 48 : index
      %swap3A_156 = tpu.vector_load %arg7[%swap3A_154, %swap3A_155] {strides = array<i32>} : memref<16x128xf32, #tpu.memory_space<vmem>>, vector<1x16xf32>,
      %swap3A_157 = vector.shape_cast %swap3A_156 : vector<1x16xf32> to vector<16xf32>
      %swap3A_158 = vector.shape_cast %broadcast_in_dim3A_153 : vector<16xf32> to vector<1x16xf32>
      tpu.vector_store %arg7[%swap3A_154, %swap3A_155], %swap3A_158 {strides = array<i32>} : memref<16x128xf32, #tpu.memory_space<vmem>>, vector<1x16xf32>,
      %broadcast_in_dim3A_159 = arith.constant 0.000000e+00 : f32
      %broadcast_in_dim3A_160 = vector.broadcast %broadcast_in_dim3A_159 : f32 to vector<16xf32>
      %swap3A_161 = arith.index_cast %add3A_132 : i32 to index
      %swap3A_162 = arith.constant 64 : index
      %swap3A_163 = tpu.vector_load %arg7[%swap3A_161, %swap3A_162] {strides = array<i32>} : memref<16x128xf32, #tpu.memory_space<vmem>>, vector<1x16xf32>,
      %swap3A_164 = vector.shape_cast %swap3A_163 : vector<1x16xf32> to vector<16xf32>
      %swap3A_165 = vector.shape_cast %broadcast_in_dim3A_160 : vector<16xf32> to vector<1x16xf32>
      tpu.vector_store %arg7[%swap3A_161, %swap3A_162], %swap3A_165 {strides = array<i32>} : memref<16x128xf32, #tpu.memory_space<vmem>>, vector<1x16xf32>,
      %broadcast_in_dim3A_166 = arith.constant 0.000000e+00 : f32
      %broadcast_in_dim3A_167 = vector.broadcast %broadcast_in_dim3A_166 : f32 to vector<16xf32>
      %swap3A_168 = arith.index_cast %add3A_132 : i32 to index
      %swap3A_169 = arith.constant 80 : index
      %swap3A_170 = tpu.vector_load %arg7[%swap3A_168, %swap3A_169] {strides = array<i32>} : memref<16x128xf32, #tpu.memory_space<vmem>>, vector<1x16xf32>,
      %swap3A_171 = vector.shape_cast %swap3A_170 : vector<1x16xf32> to vector<16xf32>
      %swap3A_172 = vector.shape_cast %broadcast_in_dim3A_167 : vector<16xf32> to vector<1x16xf32>
      tpu.vector_store %arg7[%swap3A_168, %swap3A_169], %swap3A_172 {strides = array<i32>} : memref<16x128xf32, #tpu.memory_space<vmem>>, vector<1x16xf32>,
      %broadcast_in_dim3A_173 = arith.constant 0.000000e+00 : f32
      %broadcast_in_dim3A_174 = vector.broadcast %broadcast_in_dim3A_173 : f32 to vector<16xf32>
      %swap3A_175 = arith.index_cast %add3A_132 : i32 to index
      %swap3A_176 = arith.constant 96 : index
      %swap3A_177 = tpu.vector_load %arg7[%swap3A_175, %swap3A_176] {strides = array<i32>} : memref<16x128xf32, #tpu.memory_space<vmem>>, vector<1x16xf32>,
      %swap3A_178 = vector.shape_cast %swap3A_177 : vector<1x16xf32> to vector<16xf32>
      %swap3A_179 = vector.shape_cast %broadcast_in_dim3A_174 : vector<16xf32> to vector<1x16xf32>
      tpu.vector_store %arg7[%swap3A_175, %swap3A_176], %swap3A_179 {strides = array<i32>} : memref<16x128xf32, #tpu.memory_space<vmem>>, vector<1x16xf32>,
      %broadcast_in_dim3A_180 = arith.constant 0.000000e+00 : f32
      %broadcast_in_dim3A_181 = vector.broadcast %broadcast_in_dim3A_180 : f32 to vector<16xf32>
      %swap3A_182 = arith.index_cast %add3A_132 : i32 to index
      %swap3A_183 = arith.constant 112 : index
      %swap3A_184 = tpu.vector_load %arg7[%swap3A_182, %swap3A_183] {strides = array<i32>} : memref<16x128xf32, #tpu.memory_space<vmem>>, vector<1x16xf32>,
      %swap3A_185 = vector.shape_cast %swap3A_184 : vector<1x16xf32> to vector<16xf32>
      %swap3A_186 = vector.shape_cast %broadcast_in_dim3A_181 : vector<16xf32> to vector<1x16xf32>
      tpu.vector_store %arg7[%swap3A_182, %swap3A_183], %swap3A_186 {strides = array<i32>} : memref<16x128xf32, #tpu.memory_space<vmem>>, vector<1x16xf32>,
    }
    %scan3A_4 = arith.constant 16 : i32
    %scan3A_5 = arith.constant 0 : i32
    %scan3A_6 = arith.constant 40 : i32
    %scan3A_7 = arith.addi %scan3A_5, %scan3A_6 : i32
    %scan3A_8 = arith.constant 1 : i32
    scf.for %scan3A_128 = %scan3A_5 to %scan3A_7 step %scan3A_8  : i32 {
      %mul3A_129 = arith.constant 1 : i32
      %mul3A_130 = arith.muli %scan3A_128, %mul3A_129 : i32
      %add3A_131 = arith.constant 0 : i32
      %add3A_132 = arith.addi %add3A_131, %mul3A_130 : i32
      %mul3A_133 = arith.constant 640 : i32
      %mul3A_134 = arith.muli %arg1, %mul3A_133 : i32
      %mul3A_135 = arith.constant 16 : i32
      %mul3A_136 = arith.muli %add3A_132, %mul3A_135 : i32
      %add3A_137 = arith.addi %mul3A_134, %mul3A_136 : i32
      "tpu.region"() ({
        %run_scoped3A = tpu.sem_alloc : memref<!tpu.dma_semaphore, #tpu.memory_space<semaphore_mem>>
        %dma_start3A_138 = arith.constant 0 : i32
        %dma_start3A_139 = tpu.memref_slice %arg8[%add3A_137, %dma_start3A_138] : memref<10240x128xf32, #tpu.memory_space<vmem_shared>> -> memref<16x128xf32, #tpu.memory_space<vmem_shared>>
        %dma_start3A_140 = arith.constant 0 : i32
        %dma_start3A_141 = tpu.memref_slice %arg8[%add3A_137, %dma_start3A_140] : memref<10240x128xf32, #tpu.memory_space<vmem_shared>> -> memref<16x128xf32, #tpu.memory_space<vmem_shared>>
        tpu.enqueue_dma source(%arg7 : memref<16x128xf32, #tpu.memory_space<vmem>>) target(%dma_start3A_141 : memref<16x128xf32, #tpu.memory_space<vmem_shared>>) target_semaphore(%run_scoped3A : memref<!tpu.dma_semaphore, #tpu.memory_space<semaphore_mem>>)
        %dma_wait3A_142 = arith.constant 0 : i32
        %dma_wait3A_143 = tpu.memref_slice %arg8[%add3A_137, %dma_wait3A_142] : memref<10240x128xf32, #tpu.memory_space<vmem_shared>> -> memref<16x128xf32, #tpu.memory_space<vmem_shared>>
        %dma_wait3A_144 = arith.constant 0 : i32
        %dma_wait3A_145 = tpu.memref_slice %arg8[%add3A_137, %dma_wait3A_144] : memref<10240x128xf32, #tpu.memory_space<vmem_shared>> -> memref<16x128xf32, #tpu.memory_space<vmem_shared>>
        tpu.wait_dma2 semaphore(%run_scoped3A : memref<!tpu.dma_semaphore, #tpu.memory_space<semaphore_mem>>) src(%arg7 : memref<16x128xf32, #tpu.memory_space<vmem>>) dst(%dma_wait3A_145 : memref<16x128xf32, #tpu.memory_space<vmem_shared>>)
        tpu.yield
      }) : () -> ()
    }
    %scan3A_9 = arith.constant 40 : i32
    %barrier3A = arith.constant 0 : index
    tpu.barrier barrier_id(%barrier3A)
    %dma_start3A = arith.constant 0 : i32
    %dma_start3A_10 = arith.constant 0 : i32
    %dma_start3A_11 = arith.constant 0 : i32
    %dma_start3A_12 = arith.constant 0 : i32
    %dma_start3A_13 = arith.constant 0 : i32
    %dma_start3A_14 = arith.constant 0 : i32
    %dma_start3A_15 = tpu.memref_slice %arg5[%dma_start3A_10, %dma_start3A_12, %dma_start3A_13, %dma_start3A_14] : memref<2x2x2x100xi32, #tpu.memory_space<vmem>> -> memref<1x2x2x100xi32, #tpu.memory_space<vmem>>
    %dma_start3A_16 = tpu.memref_squeeze %dma_start3A_15 : memref<1x2x2x100xi32, #tpu.memory_space<vmem>> -> memref<2x2x100xi32, #tpu.memory_space<vmem>>
    %dma_start3A_17 = arith.constant 0 : i32
    %dma_start3A_18 = arith.constant 0 : i32
    %dma_start3A_19 = arith.constant 0 : i32
    %dma_start3A_20 = tpu.memref_slice %arg3[%add3A, %dma_start3A, %dma_start3A_17, %dma_start3A_18, %dma_start3A_19] : memref<32x50x2x2x100xi32, #tpu.memory_space<hbm>> -> memref<1x1x2x2x100xi32, #tpu.memory_space<hbm>>
    %dma_start3A_21 = tpu.memref_squeeze %dma_start3A_20 : memref<1x1x2x2x100xi32, #tpu.memory_space<hbm>> -> memref<2x2x100xi32, #tpu.memory_space<hbm>>
    %dma_start3A_22 = tpu.memref_slice %arg9[%dma_start3A_11] : memref<2x!tpu.dma_semaphore, #tpu.memory_space<semaphore_mem>> -> memref<1x!tpu.dma_semaphore, #tpu.memory_space<semaphore_mem>>
    %dma_start3A_23 = tpu.memref_squeeze %dma_start3A_22 : memref<1x!tpu.dma_semaphore, #tpu.memory_space<semaphore_mem>> -> memref<!tpu.dma_semaphore, #tpu.memory_space<semaphore_mem>>
    %dma_start3A_24 = arith.constant 0 : i32
    %dma_start3A_25 = arith.constant 0 : i32
    %dma_start3A_26 = arith.constant 0 : i32
    %dma_start3A_27 = tpu.memref_slice %arg5[%dma_start3A_10, %dma_start3A_24, %dma_start3A_25, %dma_start3A_26] : memref<2x2x2x100xi32, #tpu.memory_space<vmem>> -> memref<1x2x2x100xi32, #tpu.memory_space<vmem>>
    %dma_start3A_28 = tpu.memref_squeeze %dma_start3A_27 : memref<1x2x2x100xi32, #tpu.memory_space<vmem>> -> memref<2x2x100xi32, #tpu.memory_space<vmem>>
    %dma_start3A_29 = arith.constant 0 : i32
    %dma_start3A_30 = arith.constant 0 : i32
    %dma_start3A_31 = arith.constant 0 : i32
    %dma_start3A_32 = tpu.memref_slice %arg3[%add3A, %dma_start3A, %dma_start3A_29, %dma_start3A_30, %dma_start3A_31] : memref<32x50x2x2x100xi32, #tpu.memory_space<hbm>> -> memref<1x1x2x2x100xi32, #tpu.memory_space<hbm>>
    %dma_start3A_33 = tpu.memref_squeeze %dma_start3A_32 : memref<1x1x2x2x100xi32, #tpu.memory_space<hbm>> -> memref<2x2x100xi32, #tpu.memory_space<hbm>>
    tpu.enqueue_dma source(%dma_start3A_33 : memref<2x2x100xi32, #tpu.memory_space<hbm>>) target(%dma_start3A_28 : memref<2x2x100xi32, #tpu.memory_space<vmem>>) target_semaphore(%dma_start3A_23 : memref<!tpu.dma_semaphore, #tpu.memory_space<semaphore_mem>>)
    %dma_wait3A = arith.constant 0 : i32
    %dma_wait3A_34 = arith.constant 0 : i32
    %dma_wait3A_35 = arith.constant 0 : i32
    %dma_wait3A_36 = arith.constant 0 : i32
    %dma_wait3A_37 = arith.constant 0 : i32
    %dma_wait3A_38 = arith.constant 0 : i32
    %dma_wait3A_39 = tpu.memref_slice %arg5[%dma_wait3A_34, %dma_wait3A_36, %dma_wait3A_37, %dma_wait3A_38] : memref<2x2x2x100xi32, #tpu.memory_space<vmem>> -> memref<1x2x2x100xi32, #tpu.memory_space<vmem>>
    %dma_wait3A_40 = tpu.memref_squeeze %dma_wait3A_39 : memref<1x2x2x100xi32, #tpu.memory_space<vmem>> -> memref<2x2x100xi32, #tpu.memory_space<vmem>>
    %dma_wait3A_41 = arith.constant 0 : i32
    %dma_wait3A_42 = arith.constant 0 : i32
    %dma_wait3A_43 = arith.constant 0 : i32
    %dma_wait3A_44 = tpu.memref_slice %arg3[%add3A, %dma_wait3A, %dma_wait3A_41, %dma_wait3A_42, %dma_wait3A_43] : memref<32x50x2x2x100xi32, #tpu.memory_space<hbm>> -> memref<1x1x2x2x100xi32, #tpu.memory_space<hbm>>
    %dma_wait3A_45 = tpu.memref_squeeze %dma_wait3A_44 : memref<1x1x2x2x100xi32, #tpu.memory_space<hbm>> -> memref<2x2x100xi32, #tpu.memory_space<hbm>>
    %dma_wait3A_46 = tpu.memref_slice %arg9[%dma_wait3A_35] : memref<2x!tpu.dma_semaphore, #tpu.memory_space<semaphore_mem>> -> memref<1x!tpu.dma_semaphore, #tpu.memory_space<semaphore_mem>>
    %dma_wait3A_47 = tpu.memref_squeeze %dma_wait3A_46 : memref<1x!tpu.dma_semaphore, #tpu.memory_space<semaphore_mem>> -> memref<!tpu.dma_semaphore, #tpu.memory_space<semaphore_mem>>
    %dma_wait3A_48 = arith.constant 0 : i32
    %dma_wait3A_49 = arith.constant 0 : i32
    %dma_wait3A_50 = arith.constant 0 : i32
    %dma_wait3A_51 = tpu.memref_slice %arg5[%dma_wait3A_34, %dma_wait3A_48, %dma_wait3A_49, %dma_wait3A_50] : memref<2x2x2x100xi32, #tpu.memory_space<vmem>> -> memref<1x2x2x100xi32, #tpu.memory_space<vmem>>
    %dma_wait3A_52 = tpu.memref_squeeze %dma_wait3A_51 : memref<1x2x2x100xi32, #tpu.memory_space<vmem>> -> memref<2x2x100xi32, #tpu.memory_space<vmem>>
    %dma_wait3A_53 = arith.constant 0 : i32
    %dma_wait3A_54 = arith.constant 0 : i32
    %dma_wait3A_55 = arith.constant 0 : i32
    %dma_wait3A_56 = tpu.memref_slice %arg3[%add3A, %dma_wait3A, %dma_wait3A_53, %dma_wait3A_54, %dma_wait3A_55] : memref<32x50x2x2x100xi32, #tpu.memory_space<hbm>> -> memref<1x1x2x2x100xi32, #tpu.memory_space<hbm>>
    %dma_wait3A_57 = tpu.memref_squeeze %dma_wait3A_56 : memref<1x1x2x2x100xi32, #tpu.memory_space<hbm>> -> memref<2x2x100xi32, #tpu.memory_space<hbm>>
    tpu.wait_dma2 semaphore(%dma_wait3A_47 : memref<!tpu.dma_semaphore, #tpu.memory_space<semaphore_mem>>) src(%dma_wait3A_57 : memref<2x2x100xi32, #tpu.memory_space<hbm>>) dst(%dma_wait3A_52 : memref<2x2x100xi32, #tpu.memory_space<vmem>>)
    %dma_start3A_58 = arith.constant 0 : i32
    %dma_start3A_59 = arith.constant 0 : i32
    %dma_start3A_60 = arith.constant 0 : i32
    %dma_start3A_61 = arith.constant 0 : i32
    %dma_start3A_62 = arith.constant 0 : i32
    %dma_start3A_63 = arith.constant 0 : i32
    %dma_start3A_64 = arith.constant 0 : i32
    %dma_start3A_65 = tpu.memref_slice %arg6[%dma_start3A_61, %dma_start3A_63, %dma_start3A_64] : memref<2x100x128xf32, #tpu.memory_space<vmem>> -> memref<1x100x128xf32, #tpu.memory_space<vmem>>
    %dma_start3A_66 = tpu.memref_squeeze %dma_start3A_65 : memref<1x100x128xf32, #tpu.memory_space<vmem>> -> memref<100x128xf32, #tpu.memory_space<vmem>>
    %dma_start3A_67 = arith.constant 0 : i32
    %dma_start3A_68 = tpu.memref_slice %arg5[%dma_start3A_58, %dma_start3A_59, %dma_start3A_60, %dma_start3A_67] : memref<2x2x2x100xi32, #tpu.memory_space<vmem>> -> memref<1x1x1x100xi32, #tpu.memory_space<vmem>>
    %dma_start3A_69 = tpu.memref_squeeze %dma_start3A_68 : memref<1x1x1x100xi32, #tpu.memory_space<vmem>> -> memref<100xi32, #tpu.memory_space<vmem>>
    %dma_start3A_70 = arith.constant 0 : i32
    %dma_start3A_71 = arith.constant 0 : i32
    %dma_start3A_72 = tpu.memref_slice %arg2[%dma_start3A_70, %dma_start3A_71] : memref<10000x128xf32, #tpu.memory_space<hbm>> -> memref<10000x128xf32, #tpu.memory_space<hbm>>
    %dma_start3A_73 = tpu.memref_slice %arg10[%dma_start3A_62] : memref<2x!tpu.dma_semaphore, #tpu.memory_space<semaphore_mem>> -> memref<1x!tpu.dma_semaphore, #tpu.memory_space<semaphore_mem>>
    %dma_start3A_74 = tpu.memref_squeeze %dma_start3A_73 : memref<1x!tpu.dma_semaphore, #tpu.memory_space<semaphore_mem>> -> memref<!tpu.dma_semaphore, #tpu.memory_space<semaphore_mem>>
    tpu.enqueue_indirect_dma source(%dma_start3A_72 : memref<10000x128xf32, #tpu.memory_space<hbm>>) target(%dma_start3A_66 : memref<100x128xf32, #tpu.memory_space<vmem>>) offsets(%dma_start3A_69 : memref<100xi32, #tpu.memory_space<vmem>>) semaphore(%dma_start3A_74 : memref<!tpu.dma_semaphore, #tpu.memory_space<semaphore_mem>>)
    %dma_start3A_75 = arith.constant 0 : i32
    %dma_start3A_76 = arith.constant 0 : i32
    %dma_start3A_77 = arith.constant 1 : i32
    %dma_start3A_78 = arith.constant 1 : i32
    %dma_start3A_79 = arith.constant 1 : i32
    %dma_start3A_80 = arith.constant 0 : i32
    %dma_start3A_81 = arith.constant 0 : i32
    %dma_start3A_82 = tpu.memref_slice %arg6[%dma_start3A_78, %dma_start3A_80, %dma_start3A_81] : memref<2x100x128xf32, #tpu.memory_space<vmem>> -> memref<1x100x128xf32, #tpu.memory_space<vmem>>
    %dma_start3A_83 = tpu.memref_squeeze %dma_start3A_82 : memref<1x100x128xf32, #tpu.memory_space<vmem>> -> memref<100x128xf32, #tpu.memory_space<vmem>>
    %dma_start3A_84 = arith.constant 0 : i32
    %dma_start3A_85 = tpu.memref_slice %arg5[%dma_start3A_75, %dma_start3A_76, %dma_start3A_77, %dma_start3A_84] : memref<2x2x2x100xi32, #tpu.memory_space<vmem>> -> memref<1x1x1x100xi32, #tpu.memory_space<vmem>>
    %dma_start3A_86 = tpu.memref_squeeze %dma_start3A_85 : memref<1x1x1x100xi32, #tpu.memory_space<vmem>> -> memref<100xi32, #tpu.memory_space<vmem>>
    %dma_start3A_87 = arith.constant 0 : i32
    %dma_start3A_88 = arith.constant 0 : i32
    %dma_start3A_89 = tpu.memref_slice %arg2[%dma_start3A_87, %dma_start3A_88] : memref<10000x128xf32, #tpu.memory_space<hbm>> -> memref<10000x128xf32, #tpu.memory_space<hbm>>
    %dma_start3A_90 = tpu.memref_slice %arg10[%dma_start3A_79] : memref<2x!tpu.dma_semaphore, #tpu.memory_space<semaphore_mem>> -> memref<1x!tpu.dma_semaphore, #tpu.memory_space<semaphore_mem>>
    %dma_start3A_91 = tpu.memref_squeeze %dma_start3A_90 : memref<1x!tpu.dma_semaphore, #tpu.memory_space<semaphore_mem>> -> memref<!tpu.dma_semaphore, #tpu.memory_space<semaphore_mem>>
    tpu.enqueue_indirect_dma source(%dma_start3A_89 : memref<10000x128xf32, #tpu.memory_space<hbm>>) target(%dma_start3A_83 : memref<100x128xf32, #tpu.memory_space<vmem>>) offsets(%dma_start3A_86 : memref<100xi32, #tpu.memory_space<vmem>>) semaphore(%dma_start3A_91 : memref<!tpu.dma_semaphore, #tpu.memory_space<semaphore_mem>>)
    %dma_start3A_92 = arith.constant 1 : i32
    %dma_start3A_93 = arith.constant 1 : i32
    %dma_start3A_94 = arith.constant 1 : i32
    %dma_start3A_95 = arith.constant 0 : i32
    %dma_start3A_96 = arith.constant 0 : i32
    %dma_start3A_97 = arith.constant 0 : i32
    %dma_start3A_98 = tpu.memref_slice %arg5[%dma_start3A_93, %dma_start3A_95, %dma_start3A_96, %dma_start3A_97] : memref<2x2x2x100xi32, #tpu.memory_space<vmem>> -> memref<1x2x2x100xi32, #tpu.memory_space<vmem>>
    %dma_start3A_99 = tpu.memref_squeeze %dma_start3A_98 : memref<1x2x2x100xi32, #tpu.memory_space<vmem>> -> memref<2x2x100xi32, #tpu.memory_space<vmem>>
    %dma_start3A_100 = arith.constant 0 : i32
    %dma_start3A_101 = arith.constant 0 : i32
    %dma_start3A_102 = arith.constant 0 : i32
    %dma_start3A_103 = tpu.memref_slice %arg3[%add3A, %dma_start3A_92, %dma_start3A_100, %dma_start3A_101, %dma_start3A_102] : memref<32x50x2x2x100xi32, #tpu.memory_space<hbm>> -> memref<1x1x2x2x100xi32, #tpu.memory_space<hbm>>
    %dma_start3A_104 = tpu.memref_squeeze %dma_start3A_103 : memref<1x1x2x2x100xi32, #tpu.memory_space<hbm>> -> memref<2x2x100xi32, #tpu.memory_space<hbm>>
    %dma_start3A_105 = tpu.memref_slice %arg9[%dma_start3A_94] : memref<2x!tpu.dma_semaphore, #tpu.memory_space<semaphore_mem>> -> memref<1x!tpu.dma_semaphore, #tpu.memory_space<semaphore_mem>>
    %dma_start3A_106 = tpu.memref_squeeze %dma_start3A_105 : memref<1x!tpu.dma_semaphore, #tpu.memory_space<semaphore_mem>> -> memref<!tpu.dma_semaphore, #tpu.memory_space<semaphore_mem>>
    %dma_start3A_107 = arith.constant 0 : i32
    %dma_start3A_108 = arith.constant 0 : i32
    %dma_start3A_109 = arith.constant 0 : i32
    %dma_start3A_110 = tpu.memref_slice %arg5[%dma_start3A_93, %dma_start3A_107, %dma_start3A_108, %dma_start3A_109] : memref<2x2x2x100xi32, #tpu.memory_space<vmem>> -> memref<1x2x2x100xi32, #tpu.memory_space<vmem>>
    %dma_start3A_111 = tpu.memref_squeeze %dma_start3A_110 : memref<1x2x2x100xi32, #tpu.memory_space<vmem>> -> memref<2x2x100xi32, #tpu.memory_space<vmem>>
    %dma_start3A_112 = arith.constant 0 : i32
    %dma_start3A_113 = arith.constant 0 : i32
    %dma_start3A_114 = arith.constant 0 : i32
    %dma_start3A_115 = tpu.memref_slice %arg3[%add3A, %dma_start3A_92, %dma_start3A_112, %dma_start3A_113, %dma_start3A_114] : memref<32x50x2x2x100xi32, #tpu.memory_space<hbm>> -> memref<1x1x2x2x100xi32, #tpu.memory_space<hbm>>
    %dma_start3A_116 = tpu.memref_squeeze %dma_start3A_115 : memref<1x1x2x2x100xi32, #tpu.memory_space<hbm>> -> memref<2x2x100xi32, #tpu.memory_space<hbm>>
    tpu.enqueue_dma source(%dma_start3A_116 : memref<2x2x100xi32, #tpu.memory_space<hbm>>) target(%dma_start3A_111 : memref<2x2x100xi32, #tpu.memory_space<vmem>>) target_semaphore(%dma_start3A_106 : memref<!tpu.dma_semaphore, #tpu.memory_space<semaphore_mem>>)
    %scan3A_117 = arith.constant 0 : i32
    %scan3A_118 = arith.constant 50 : i32
    %scan3A_119 = arith.addi %scan3A_117, %scan3A_118 : i32
    %scan3A_120 = arith.constant 1 : i32
    scf.for %scan3A_128 = %scan3A_117 to %scan3A_119 step %scan3A_120  : i32 {
      %mul3A_129 = arith.constant 1 : i32
      %mul3A_130 = arith.muli %scan3A_128, %mul3A_129 : i32
      %add3A_131 = arith.constant 0 : i32
      %add3A_132 = arith.addi %add3A_131, %mul3A_130 : i32
      %rem3A = arith.constant 2 : i32
      %rem3A_133 = arith.remsi %add3A_132, %rem3A : i32
      %sub3A = arith.constant 1 : i32
      %sub3A_134 = arith.subi %sub3A, %rem3A_133 : i32
      %dma_wait3A_135 = arith.constant 0 : i32
      %dma_wait3A_136 = arith.constant 0 : i32
      %dma_wait3A_137 = arith.constant 0 : i32
      %dma_wait3A_138 = arith.constant 0 : i32
      %dma_wait3A_139 = arith.constant 0 : i32
      %dma_wait3A_140 = arith.constant 0 : i32
      %dma_wait3A_141 = tpu.memref_slice %arg6[%dma_wait3A_137, %dma_wait3A_139, %dma_wait3A_140] : memref<2x100x128xf32, #tpu.memory_space<vmem>> -> memref<1x100x128xf32, #tpu.memory_space<vmem>>
      %dma_wait3A_142 = tpu.memref_squeeze %dma_wait3A_141 : memref<1x100x128xf32, #tpu.memory_space<vmem>> -> memref<100x128xf32, #tpu.memory_space<vmem>>
      %dma_wait3A_143 = arith.constant 0 : i32
      %dma_wait3A_144 = tpu.memref_slice %arg5[%rem3A_133, %dma_wait3A_135, %dma_wait3A_136, %dma_wait3A_143] : memref<2x2x2x100xi32, #tpu.memory_space<vmem>> -> memref<1x1x1x100xi32, #tpu.memory_space<vmem>>
      %dma_wait3A_145 = tpu.memref_squeeze %dma_wait3A_144 : memref<1x1x1x100xi32, #tpu.memory_space<vmem>> -> memref<100xi32, #tpu.memory_space<vmem>>
      %dma_wait3A_146 = arith.constant 0 : i32
      %dma_wait3A_147 = arith.constant 0 : i32
      %dma_wait3A_148 = tpu.memref_slice %arg2[%dma_wait3A_146, %dma_wait3A_147] : memref<10000x128xf32, #tpu.memory_space<hbm>> -> memref<10000x128xf32, #tpu.memory_space<hbm>>
      %dma_wait3A_149 = tpu.memref_slice %arg10[%dma_wait3A_138] : memref<2x!tpu.dma_semaphore, #tpu.memory_space<semaphore_mem>> -> memref<1x!tpu.dma_semaphore, #tpu.memory_space<semaphore_mem>>
      %dma_wait3A_150 = tpu.memref_squeeze %dma_wait3A_149 : memref<1x!tpu.dma_semaphore, #tpu.memory_space<semaphore_mem>> -> memref<!tpu.dma_semaphore, #tpu.memory_space<semaphore_mem>>
      tpu.wait_indirect_dma semaphore(%dma_wait3A_150 : memref<!tpu.dma_semaphore, #tpu.memory_space<semaphore_mem>>) src(%dma_wait3A_148 : memref<10000x128xf32, #tpu.memory_space<hbm>>) dst(%dma_wait3A_142 : memref<100x128xf32, #tpu.memory_space<vmem>>)
      %dma_wait3A_151 = arith.constant 0 : i32
      %dma_wait3A_152 = arith.constant 1 : i32
      %dma_wait3A_153 = arith.constant 1 : i32
      %dma_wait3A_154 = arith.constant 1 : i32
      %dma_wait3A_155 = arith.constant 0 : i32
      %dma_wait3A_156 = arith.constant 0 : i32
      %dma_wait3A_157 = tpu.memref_slice %arg6[%dma_wait3A_153, %dma_wait3A_155, %dma_wait3A_156] : memref<2x100x128xf32, #tpu.memory_space<vmem>> -> memref<1x100x128xf32, #tpu.memory_space<vmem>>
      %dma_wait3A_158 = tpu.memref_squeeze %dma_wait3A_157 : memref<1x100x128xf32, #tpu.memory_space<vmem>> -> memref<100x128xf32, #tpu.memory_space<vmem>>
      %dma_wait3A_159 = arith.constant 0 : i32
      %dma_wait3A_160 = tpu.memref_slice %arg5[%rem3A_133, %dma_wait3A_151, %dma_wait3A_152, %dma_wait3A_159] : memref<2x2x2x100xi32, #tpu.memory_space<vmem>> -> memref<1x1x1x100xi32, #tpu.memory_space<vmem>>
      %dma_wait3A_161 = tpu.memref_squeeze %dma_wait3A_160 : memref<1x1x1x100xi32, #tpu.memory_space<vmem>> -> memref<100xi32, #tpu.memory_space<vmem>>
      %dma_wait3A_162 = arith.constant 0 : i32
      %dma_wait3A_163 = arith.constant 0 : i32
      %dma_wait3A_164 = tpu.memref_slice %arg2[%dma_wait3A_162, %dma_wait3A_163] : memref<10000x128xf32, #tpu.memory_space<hbm>> -> memref<10000x128xf32, #tpu.memory_space<hbm>>
      %dma_wait3A_165 = tpu.memref_slice %arg10[%dma_wait3A_154] : memref<2x!tpu.dma_semaphore, #tpu.memory_space<semaphore_mem>> -> memref<1x!tpu.dma_semaphore, #tpu.memory_space<semaphore_mem>>
      %dma_wait3A_166 = tpu.memref_squeeze %dma_wait3A_165 : memref<1x!tpu.dma_semaphore, #tpu.memory_space<semaphore_mem>> -> memref<!tpu.dma_semaphore, #tpu.memory_space<semaphore_mem>>
      tpu.wait_indirect_dma semaphore(%dma_wait3A_166 : memref<!tpu.dma_semaphore, #tpu.memory_space<semaphore_mem>>) src(%dma_wait3A_164 : memref<10000x128xf32, #tpu.memory_space<hbm>>) dst(%dma_wait3A_158 : memref<100x128xf32, #tpu.memory_space<vmem>>)
      %dma_start3A_167 = arith.constant 0 : i32
      %dma_start3A_168 = arith.constant 1 : i32
      %dma_start3A_169 = arith.constant 0 : i32
      %dma_start3A_170 = arith.constant 0 : i32
      %dma_start3A_171 = arith.constant 0 : i32
      %dma_start3A_172 = arith.constant 0 : i32
      %dma_start3A_173 = tpu.memref_slice %arg6[%dma_start3A_167, %dma_start3A_171, %dma_start3A_172] : memref<2x100x128xf32, #tpu.memory_space<vmem>> -> memref<1x100x128xf32, #tpu.memory_space<vmem>>
      %dma_start3A_174 = tpu.memref_squeeze %dma_start3A_173 : memref<1x100x128xf32, #tpu.memory_space<vmem>> -> memref<100x128xf32, #tpu.memory_space<vmem>>
      %dma_start3A_175 = arith.constant 0 : i32
      %dma_start3A_176 = tpu.memref_slice %arg5[%rem3A_133, %dma_start3A_168, %dma_start3A_169, %dma_start3A_175] : memref<2x2x2x100xi32, #tpu.memory_space<vmem>> -> memref<1x1x1x100xi32, #tpu.memory_space<vmem>>
      %dma_start3A_177 = tpu.memref_squeeze %dma_start3A_176 : memref<1x1x1x100xi32, #tpu.memory_space<vmem>> -> memref<100xi32, #tpu.memory_space<vmem>>
      %dma_start3A_178 = arith.constant 0 : i32
      %dma_start3A_179 = arith.constant 0 : i32
      %dma_start3A_180 = tpu.memref_slice %arg8[%dma_start3A_178, %dma_start3A_179] : memref<10240x128xf32, #tpu.memory_space<vmem_shared>> -> memref<10240x128xf32, #tpu.memory_space<vmem_shared>>
      %dma_start3A_181 = tpu.memref_slice %arg11[%dma_start3A_170] : memref<2x!tpu.dma_semaphore, #tpu.memory_space<semaphore_mem>> -> memref<1x!tpu.dma_semaphore, #tpu.memory_space<semaphore_mem>>
      %dma_start3A_182 = tpu.memref_squeeze %dma_start3A_181 : memref<1x!tpu.dma_semaphore, #tpu.memory_space<semaphore_mem>> -> memref<!tpu.dma_semaphore, #tpu.memory_space<semaphore_mem>>
      tpu.enqueue_indirect_dma source(%dma_start3A_174 : memref<100x128xf32, #tpu.memory_space<vmem>>) target(%dma_start3A_180 : memref<10240x128xf32, #tpu.memory_space<vmem_shared>>) offsets(%dma_start3A_177 : memref<100xi32, #tpu.memory_space<vmem>>) semaphore(%dma_start3A_182 : memref<!tpu.dma_semaphore, #tpu.memory_space<semaphore_mem>>) {add = true}
      %dma_start3A_183 = arith.constant 1 : i32
      %dma_start3A_184 = arith.constant 1 : i32
      %dma_start3A_185 = arith.constant 1 : i32
      %dma_start3A_186 = arith.constant 1 : i32
      %dma_start3A_187 = arith.constant 0 : i32
      %dma_start3A_188 = arith.constant 0 : i32
      %dma_start3A_189 = tpu.memref_slice %arg6[%dma_start3A_183, %dma_start3A_187, %dma_start3A_188] : memref<2x100x128xf32, #tpu.memory_space<vmem>> -> memref<1x100x128xf32, #tpu.memory_space<vmem>>
      %dma_start3A_190 = tpu.memref_squeeze %dma_start3A_189 : memref<1x100x128xf32, #tpu.memory_space<vmem>> -> memref<100x128xf32, #tpu.memory_space<vmem>>
      %dma_start3A_191 = arith.constant 0 : i32
      %dma_start3A_192 = tpu.memref_slice %arg5[%rem3A_133, %dma_start3A_184, %dma_start3A_185, %dma_start3A_191] : memref<2x2x2x100xi32, #tpu.memory_space<vmem>> -> memref<1x1x1x100xi32, #tpu.memory_space<vmem>>
      %dma_start3A_193 = tpu.memref_squeeze %dma_start3A_192 : memref<1x1x1x100xi32, #tpu.memory_space<vmem>> -> memref<100xi32, #tpu.memory_space<vmem>>
      %dma_start3A_194 = arith.constant 0 : i32
      %dma_start3A_195 = arith.constant 0 : i32
      %dma_start3A_196 = tpu.memref_slice %arg8[%dma_start3A_194, %dma_start3A_195] : memref<10240x128xf32, #tpu.memory_space<vmem_shared>> -> memref<10240x128xf32, #tpu.memory_space<vmem_shared>>
      %dma_start3A_197 = tpu.memref_slice %arg11[%dma_start3A_186] : memref<2x!tpu.dma_semaphore, #tpu.memory_space<semaphore_mem>> -> memref<1x!tpu.dma_semaphore, #tpu.memory_space<semaphore_mem>>
      %dma_start3A_198 = tpu.memref_squeeze %dma_start3A_197 : memref<1x!tpu.dma_semaphore, #tpu.memory_space<semaphore_mem>> -> memref<!tpu.dma_semaphore, #tpu.memory_space<semaphore_mem>>
      tpu.enqueue_indirect_dma source(%dma_start3A_190 : memref<100x128xf32, #tpu.memory_space<vmem>>) target(%dma_start3A_196 : memref<10240x128xf32, #tpu.memory_space<vmem_shared>>) offsets(%dma_start3A_193 : memref<100xi32, #tpu.memory_space<vmem>>) semaphore(%dma_start3A_198 : memref<!tpu.dma_semaphore, #tpu.memory_space<semaphore_mem>>) {add = true}
      %add3A_199 = arith.constant 1 : i32
      %add3A_200 = arith.addi %add3A_132, %add3A_199 : i32
      %lt3A = arith.constant 50 : i32
      %lt3A_201 = arith.cmpi slt, %add3A_200, %lt3A : i32
      %convert_element_type3A = arith.extui %lt3A_201 : i1 to i32
      %cond3A = arith.constant 0 : i32
      %cond3A_202 = arith.cmpi ne, %convert_element_type3A, %cond3A : i32
      scf.if %cond3A_202 {
        %add3A_209 = arith.constant 1 : i32
        %add3A_210 = arith.addi %add3A_132, %add3A_209 : i32
        %dma_wait3A_211 = arith.constant 0 : i32
        %dma_wait3A_212 = arith.constant 0 : i32
        %dma_wait3A_213 = arith.constant 0 : i32
        %dma_wait3A_214 = tpu.memref_slice %arg5[%sub3A_134, %dma_wait3A_211, %dma_wait3A_212, %dma_wait3A_213] : memref<2x2x2x100xi32, #tpu.memory_space<vmem>> -> memref<1x2x2x100xi32, #tpu.memory_space<vmem>>
        %dma_wait3A_215 = tpu.memref_squeeze %dma_wait3A_214 : memref<1x2x2x100xi32, #tpu.memory_space<vmem>> -> memref<2x2x100xi32, #tpu.memory_space<vmem>>
        %dma_wait3A_216 = arith.constant 0 : i32
        %dma_wait3A_217 = arith.constant 0 : i32
        %dma_wait3A_218 = arith.constant 0 : i32
        %dma_wait3A_219 = tpu.memref_slice %arg3[%add3A, %add3A_210, %dma_wait3A_216, %dma_wait3A_217, %dma_wait3A_218] : memref<32x50x2x2x100xi32, #tpu.memory_space<hbm>> -> memref<1x1x2x2x100xi32, #tpu.memory_space<hbm>>
        %dma_wait3A_220 = tpu.memref_squeeze %dma_wait3A_219 : memref<1x1x2x2x100xi32, #tpu.memory_space<hbm>> -> memref<2x2x100xi32, #tpu.memory_space<hbm>>
        %dma_wait3A_221 = tpu.memref_slice %arg9[%sub3A_134] : memref<2x!tpu.dma_semaphore, #tpu.memory_space<semaphore_mem>> -> memref<1x!tpu.dma_semaphore, #tpu.memory_space<semaphore_mem>>
        %dma_wait3A_222 = tpu.memref_squeeze %dma_wait3A_221 : memref<1x!tpu.dma_semaphore, #tpu.memory_space<semaphore_mem>> -> memref<!tpu.dma_semaphore, #tpu.memory_space<semaphore_mem>>
        %dma_wait3A_223 = arith.constant 0 : i32
        %dma_wait3A_224 = arith.constant 0 : i32
        %dma_wait3A_225 = arith.constant 0 : i32
        %dma_wait3A_226 = tpu.memref_slice %arg5[%sub3A_134, %dma_wait3A_223, %dma_wait3A_224, %dma_wait3A_225] : memref<2x2x2x100xi32, #tpu.memory_space<vmem>> -> memref<1x2x2x100xi32, #tpu.memory_space<vmem>>
        %dma_wait3A_227 = tpu.memref_squeeze %dma_wait3A_226 : memref<1x2x2x100xi32, #tpu.memory_space<vmem>> -> memref<2x2x100xi32, #tpu.memory_space<vmem>>
        %dma_wait3A_228 = arith.constant 0 : i32
        %dma_wait3A_229 = arith.constant 0 : i32
        %dma_wait3A_230 = arith.constant 0 : i32
        %dma_wait3A_231 = tpu.memref_slice %arg3[%add3A, %add3A_210, %dma_wait3A_228, %dma_wait3A_229, %dma_wait3A_230] : memref<32x50x2x2x100xi32, #tpu.memory_space<hbm>> -> memref<1x1x2x2x100xi32, #tpu.memory_space<hbm>>
        %dma_wait3A_232 = tpu.memref_squeeze %dma_wait3A_231 : memref<1x1x2x2x100xi32, #tpu.memory_space<hbm>> -> memref<2x2x100xi32, #tpu.memory_space<hbm>>
        tpu.wait_dma2 semaphore(%dma_wait3A_222 : memref<!tpu.dma_semaphore, #tpu.memory_space<semaphore_mem>>) src(%dma_wait3A_232 : memref<2x2x100xi32, #tpu.memory_space<hbm>>) dst(%dma_wait3A_227 : memref<2x2x100xi32, #tpu.memory_space<vmem>>)
        %dma_wait3A_233 = arith.constant 0 : i32
        %dma_wait3A_234 = arith.constant 1 : i32
        %dma_wait3A_235 = arith.constant 0 : i32
        %dma_wait3A_236 = arith.constant 0 : i32
        %dma_wait3A_237 = arith.constant 0 : i32
        %dma_wait3A_238 = arith.constant 0 : i32
        %dma_wait3A_239 = tpu.memref_slice %arg6[%dma_wait3A_233, %dma_wait3A_237, %dma_wait3A_238] : memref<2x100x128xf32, #tpu.memory_space<vmem>> -> memref<1x100x128xf32, #tpu.memory_space<vmem>>
        %dma_wait3A_240 = tpu.memref_squeeze %dma_wait3A_239 : memref<1x100x128xf32, #tpu.memory_space<vmem>> -> memref<100x128xf32, #tpu.memory_space<vmem>>
        %dma_wait3A_241 = arith.constant 0 : i32
        %dma_wait3A_242 = tpu.memref_slice %arg5[%rem3A_133, %dma_wait3A_234, %dma_wait3A_235, %dma_wait3A_241] : memref<2x2x2x100xi32, #tpu.memory_space<vmem>> -> memref<1x1x1x100xi32, #tpu.memory_space<vmem>>
        %dma_wait3A_243 = tpu.memref_squeeze %dma_wait3A_242 : memref<1x1x1x100xi32, #tpu.memory_space<vmem>> -> memref<100xi32, #tpu.memory_space<vmem>>
        %dma_wait3A_244 = arith.constant 0 : i32
        %dma_wait3A_245 = arith.constant 0 : i32
        %dma_wait3A_246 = tpu.memref_slice %arg8[%dma_wait3A_244, %dma_wait3A_245] : memref<10240x128xf32, #tpu.memory_space<vmem_shared>> -> memref<10240x128xf32, #tpu.memory_space<vmem_shared>>
        %dma_wait3A_247 = tpu.memref_slice %arg11[%dma_wait3A_236] : memref<2x!tpu.dma_semaphore, #tpu.memory_space<semaphore_mem>> -> memref<1x!tpu.dma_semaphore, #tpu.memory_space<semaphore_mem>>
        %dma_wait3A_248 = tpu.memref_squeeze %dma_wait3A_247 : memref<1x!tpu.dma_semaphore, #tpu.memory_space<semaphore_mem>> -> memref<!tpu.dma_semaphore, #tpu.memory_space<semaphore_mem>>
        tpu.wait_indirect_dma semaphore(%dma_wait3A_248 : memref<!tpu.dma_semaphore, #tpu.memory_space<semaphore_mem>>) src(%dma_wait3A_240 : memref<100x128xf32, #tpu.memory_space<vmem>>) dst(%dma_wait3A_246 : memref<10240x128xf32, #tpu.memory_space<vmem_shared>>)
        %dma_wait3A_249 = arith.constant 1 : i32
        %dma_wait3A_250 = arith.constant 1 : i32
        %dma_wait3A_251 = arith.constant 1 : i32
        %dma_wait3A_252 = arith.constant 1 : i32
        %dma_wait3A_253 = arith.constant 0 : i32
        %dma_wait3A_254 = arith.constant 0 : i32
        %dma_wait3A_255 = tpu.memref_slice %arg6[%dma_wait3A_249, %dma_wait3A_253, %dma_wait3A_254] : memref<2x100x128xf32, #tpu.memory_space<vmem>> -> memref<1x100x128xf32, #tpu.memory_space<vmem>>
        %dma_wait3A_256 = tpu.memref_squeeze %dma_wait3A_255 : memref<1x100x128xf32, #tpu.memory_space<vmem>> -> memref<100x128xf32, #tpu.memory_space<vmem>>
        %dma_wait3A_257 = arith.constant 0 : i32
        %dma_wait3A_258 = tpu.memref_slice %arg5[%rem3A_133, %dma_wait3A_250, %dma_wait3A_251, %dma_wait3A_257] : memref<2x2x2x100xi32, #tpu.memory_space<vmem>> -> memref<1x1x1x100xi32, #tpu.memory_space<vmem>>
        %dma_wait3A_259 = tpu.memref_squeeze %dma_wait3A_258 : memref<1x1x1x100xi32, #tpu.memory_space<vmem>> -> memref<100xi32, #tpu.memory_space<vmem>>
        %dma_wait3A_260 = arith.constant 0 : i32
        %dma_wait3A_261 = arith.constant 0 : i32
        %dma_wait3A_262 = tpu.memref_slice %arg8[%dma_wait3A_260, %dma_wait3A_261] : memref<10240x128xf32, #tpu.memory_space<vmem_shared>> -> memref<10240x128xf32, #tpu.memory_space<vmem_shared>>
        %dma_wait3A_263 = tpu.memref_slice %arg11[%dma_wait3A_252] : memref<2x!tpu.dma_semaphore, #tpu.memory_space<semaphore_mem>> -> memref<1x!tpu.dma_semaphore, #tpu.memory_space<semaphore_mem>>
        %dma_wait3A_264 = tpu.memref_squeeze %dma_wait3A_263 : memref<1x!tpu.dma_semaphore, #tpu.memory_space<semaphore_mem>> -> memref<!tpu.dma_semaphore, #tpu.memory_space<semaphore_mem>>
        tpu.wait_indirect_dma semaphore(%dma_wait3A_264 : memref<!tpu.dma_semaphore, #tpu.memory_space<semaphore_mem>>) src(%dma_wait3A_256 : memref<100x128xf32, #tpu.memory_space<vmem>>) dst(%dma_wait3A_262 : memref<10240x128xf32, #tpu.memory_space<vmem_shared>>)
        %dma_start3A_265 = arith.constant 0 : i32
        %dma_start3A_266 = arith.constant 0 : i32
        %dma_start3A_267 = arith.constant 0 : i32
        %dma_start3A_268 = arith.constant 0 : i32
        %dma_start3A_269 = arith.constant 0 : i32
        %dma_start3A_270 = arith.constant 0 : i32
        %dma_start3A_271 = tpu.memref_slice %arg6[%dma_start3A_267, %dma_start3A_269, %dma_start3A_270] : memref<2x100x128xf32, #tpu.memory_space<vmem>> -> memref<1x100x128xf32, #tpu.memory_space<vmem>>
        %dma_start3A_272 = tpu.memref_squeeze %dma_start3A_271 : memref<1x100x128xf32, #tpu.memory_space<vmem>> -> memref<100x128xf32, #tpu.memory_space<vmem>>
        %dma_start3A_273 = arith.constant 0 : i32
        %dma_start3A_274 = tpu.memref_slice %arg5[%sub3A_134, %dma_start3A_265, %dma_start3A_266, %dma_start3A_273] : memref<2x2x2x100xi32, #tpu.memory_space<vmem>> -> memref<1x1x1x100xi32, #tpu.memory_space<vmem>>
        %dma_start3A_275 = tpu.memref_squeeze %dma_start3A_274 : memref<1x1x1x100xi32, #tpu.memory_space<vmem>> -> memref<100xi32, #tpu.memory_space<vmem>>
        %dma_start3A_276 = arith.constant 0 : i32
        %dma_start3A_277 = arith.constant 0 : i32
        %dma_start3A_278 = tpu.memref_slice %arg2[%dma_start3A_276, %dma_start3A_277] : memref<10000x128xf32, #tpu.memory_space<hbm>> -> memref<10000x128xf32, #tpu.memory_space<hbm>>
        %dma_start3A_279 = tpu.memref_slice %arg10[%dma_start3A_268] : memref<2x!tpu.dma_semaphore, #tpu.memory_space<semaphore_mem>> -> memref<1x!tpu.dma_semaphore, #tpu.memory_space<semaphore_mem>>
        %dma_start3A_280 = tpu.memref_squeeze %dma_start3A_279 : memref<1x!tpu.dma_semaphore, #tpu.memory_space<semaphore_mem>> -> memref<!tpu.dma_semaphore, #tpu.memory_space<semaphore_mem>>
        tpu.enqueue_indirect_dma source(%dma_start3A_278 : memref<10000x128xf32, #tpu.memory_space<hbm>>) target(%dma_start3A_272 : memref<100x128xf32, #tpu.memory_space<vmem>>) offsets(%dma_start3A_275 : memref<100xi32, #tpu.memory_space<vmem>>) semaphore(%dma_start3A_280 : memref<!tpu.dma_semaphore, #tpu.memory_space<semaphore_mem>>)
        %dma_start3A_281 = arith.constant 0 : i32
        %dma_start3A_282 = arith.constant 1 : i32
        %dma_start3A_283 = arith.constant 1 : i32
        %dma_start3A_284 = arith.constant 1 : i32
        %dma_start3A_285 = arith.constant 0 : i32
        %dma_start3A_286 = arith.constant 0 : i32
        %dma_start3A_287 = tpu.memref_slice %arg6[%dma_start3A_283, %dma_start3A_285, %dma_start3A_286] : memref<2x100x128xf32, #tpu.memory_space<vmem>> -> memref<1x100x128xf32, #tpu.memory_space<vmem>>
        %dma_start3A_288 = tpu.memref_squeeze %dma_start3A_287 : memref<1x100x128xf32, #tpu.memory_space<vmem>> -> memref<100x128xf32, #tpu.memory_space<vmem>>
        %dma_start3A_289 = arith.constant 0 : i32
        %dma_start3A_290 = tpu.memref_slice %arg5[%sub3A_134, %dma_start3A_281, %dma_start3A_282, %dma_start3A_289] : memref<2x2x2x100xi32, #tpu.memory_space<vmem>> -> memref<1x1x1x100xi32, #tpu.memory_space<vmem>>
        %dma_start3A_291 = tpu.memref_squeeze %dma_start3A_290 : memref<1x1x1x100xi32, #tpu.memory_space<vmem>> -> memref<100xi32, #tpu.memory_space<vmem>>
        %dma_start3A_292 = arith.constant 0 : i32
        %dma_start3A_293 = arith.constant 0 : i32
        %dma_start3A_294 = tpu.memref_slice %arg2[%dma_start3A_292, %dma_start3A_293] : memref<10000x128xf32, #tpu.memory_space<hbm>> -> memref<10000x128xf32, #tpu.memory_space<hbm>>
        %dma_start3A_295 = tpu.memref_slice %arg10[%dma_start3A_284] : memref<2x!tpu.dma_semaphore, #tpu.memory_space<semaphore_mem>> -> memref<1x!tpu.dma_semaphore, #tpu.memory_space<semaphore_mem>>
        %dma_start3A_296 = tpu.memref_squeeze %dma_start3A_295 : memref<1x!tpu.dma_semaphore, #tpu.memory_space<semaphore_mem>> -> memref<!tpu.dma_semaphore, #tpu.memory_space<semaphore_mem>>
        tpu.enqueue_indirect_dma source(%dma_start3A_294 : memref<10000x128xf32, #tpu.memory_space<hbm>>) target(%dma_start3A_288 : memref<100x128xf32, #tpu.memory_space<vmem>>) offsets(%dma_start3A_291 : memref<100xi32, #tpu.memory_space<vmem>>) semaphore(%dma_start3A_296 : memref<!tpu.dma_semaphore, #tpu.memory_space<semaphore_mem>>)
        %add3A_297 = arith.constant 2 : i32
        %add3A_298 = arith.addi %add3A_132, %add3A_297 : i32
        %lt3A_299 = arith.constant 50 : i32
        %lt3A_300 = arith.cmpi slt, %add3A_298, %lt3A_299 : i32
        %convert_element_type3A_301 = arith.extui %lt3A_300 : i1 to i32
        %cond3A_302 = arith.constant 0 : i32
        %cond3A_303 = arith.cmpi ne, %convert_element_type3A_301, %cond3A_302 : i32
        scf.if %cond3A_303 {
          %add3A_304 = arith.constant 2 : i32
          %add3A_305 = arith.addi %add3A_132, %add3A_304 : i32
          %dma_start3A_306 = arith.constant 0 : i32
          %dma_start3A_307 = arith.constant 0 : i32
          %dma_start3A_308 = arith.constant 0 : i32
          %dma_start3A_309 = tpu.memref_slice %arg5[%rem3A_133, %dma_start3A_306, %dma_start3A_307, %dma_start3A_308] : memref<2x2x2x100xi32, #tpu.memory_space<vmem>> -> memref<1x2x2x100xi32, #tpu.memory_space<vmem>>
          %dma_start3A_310 = tpu.memref_squeeze %dma_start3A_309 : memref<1x2x2x100xi32, #tpu.memory_space<vmem>> -> memref<2x2x100xi32, #tpu.memory_space<vmem>>
          %dma_start3A_311 = arith.constant 0 : i32
          %dma_start3A_312 = arith.constant 0 : i32
          %dma_start3A_313 = arith.constant 0 : i32
          %dma_start3A_314 = tpu.memref_slice %arg3[%add3A, %add3A_305, %dma_start3A_311, %dma_start3A_312, %dma_start3A_313] : memref<32x50x2x2x100xi32, #tpu.memory_space<hbm>> -> memref<1x1x2x2x100xi32, #tpu.memory_space<hbm>>
          %dma_start3A_315 = tpu.memref_squeeze %dma_start3A_314 : memref<1x1x2x2x100xi32, #tpu.memory_space<hbm>> -> memref<2x2x100xi32, #tpu.memory_space<hbm>>
          %dma_start3A_316 = tpu.memref_slice %arg9[%rem3A_133] : memref<2x!tpu.dma_semaphore, #tpu.memory_space<semaphore_mem>> -> memref<1x!tpu.dma_semaphore, #tpu.memory_space<semaphore_mem>>
          %dma_start3A_317 = tpu.memref_squeeze %dma_start3A_316 : memref<1x!tpu.dma_semaphore, #tpu.memory_space<semaphore_mem>> -> memref<!tpu.dma_semaphore, #tpu.memory_space<semaphore_mem>>
          %dma_start3A_318 = arith.constant 0 : i32
          %dma_start3A_319 = arith.constant 0 : i32
          %dma_start3A_320 = arith.constant 0 : i32
          %dma_start3A_321 = tpu.memref_slice %arg5[%rem3A_133, %dma_start3A_318, %dma_start3A_319, %dma_start3A_320] : memref<2x2x2x100xi32, #tpu.memory_space<vmem>> -> memref<1x2x2x100xi32, #tpu.memory_space<vmem>>
          %dma_start3A_322 = tpu.memref_squeeze %dma_start3A_321 : memref<1x2x2x100xi32, #tpu.memory_space<vmem>> -> memref<2x2x100xi32, #tpu.memory_space<vmem>>
          %dma_start3A_323 = arith.constant 0 : i32
          %dma_start3A_324 = arith.constant 0 : i32
          %dma_start3A_325 = arith.constant 0 : i32
          %dma_start3A_326 = tpu.memref_slice %arg3[%add3A, %add3A_305, %dma_start3A_323, %dma_start3A_324, %dma_start3A_325] : memref<32x50x2x2x100xi32, #tpu.memory_space<hbm>> -> memref<1x1x2x2x100xi32, #tpu.memory_space<hbm>>
          %dma_start3A_327 = tpu.memref_squeeze %dma_start3A_326 : memref<1x1x2x2x100xi32, #tpu.memory_space<hbm>> -> memref<2x2x100xi32, #tpu.memory_space<hbm>>
          tpu.enqueue_dma source(%dma_start3A_327 : memref<2x2x100xi32, #tpu.memory_space<hbm>>) target(%dma_start3A_322 : memref<2x2x100xi32, #tpu.memory_space<vmem>>) target_semaphore(%dma_start3A_317 : memref<!tpu.dma_semaphore, #tpu.memory_space<semaphore_mem>>)
        } else {
        }
      } else {
      }
      %add3A_203 = arith.constant 1 : i32
      %add3A_204 = arith.addi %add3A_132, %add3A_203 : i32
      %ge3A = arith.constant 50 : i32
      %ge3A_205 = arith.cmpi sge, %add3A_204, %ge3A : i32
      %convert_element_type3A_206 = arith.extui %ge3A_205 : i1 to i32
      %cond3A_207 = arith.constant 0 : i32
      %cond3A_208 = arith.cmpi ne, %convert_element_type3A_206, %cond3A_207 : i32
      scf.if %cond3A_208 {
        %dma_wait3A_209 = arith.constant 0 : i32
        %dma_wait3A_210 = arith.constant 1 : i32
        %dma_wait3A_211 = arith.constant 0 : i32
        %dma_wait3A_212 = arith.constant 0 : i32
        %dma_wait3A_213 = arith.constant 0 : i32
        %dma_wait3A_214 = arith.constant 0 : i32
        %dma_wait3A_215 = tpu.memref_slice %arg6[%dma_wait3A_209, %dma_wait3A_213, %dma_wait3A_214] : memref<2x100x128xf32, #tpu.memory_space<vmem>> -> memref<1x100x128xf32, #tpu.memory_space<vmem>>
        %dma_wait3A_216 = tpu.memref_squeeze %dma_wait3A_215 : memref<1x100x128xf32, #tpu.memory_space<vmem>> -> memref<100x128xf32, #tpu.memory_space<vmem>>
        %dma_wait3A_217 = arith.constant 0 : i32
        %dma_wait3A_218 = tpu.memref_slice %arg5[%rem3A_133, %dma_wait3A_210, %dma_wait3A_211, %dma_wait3A_217] : memref<2x2x2x100xi32, #tpu.memory_space<vmem>> -> memref<1x1x1x100xi32, #tpu.memory_space<vmem>>
        %dma_wait3A_219 = tpu.memref_squeeze %dma_wait3A_218 : memref<1x1x1x100xi32, #tpu.memory_space<vmem>> -> memref<100xi32, #tpu.memory_space<vmem>>
        %dma_wait3A_220 = arith.constant 0 : i32
        %dma_wait3A_221 = arith.constant 0 : i32
        %dma_wait3A_222 = tpu.memref_slice %arg8[%dma_wait3A_220, %dma_wait3A_221] : memref<10240x128xf32, #tpu.memory_space<vmem_shared>> -> memref<10240x128xf32, #tpu.memory_space<vmem_shared>>
        %dma_wait3A_223 = tpu.memref_slice %arg11[%dma_wait3A_212] : memref<2x!tpu.dma_semaphore, #tpu.memory_space<semaphore_mem>> -> memref<1x!tpu.dma_semaphore, #tpu.memory_space<semaphore_mem>>
        %dma_wait3A_224 = tpu.memref_squeeze %dma_wait3A_223 : memref<1x!tpu.dma_semaphore, #tpu.memory_space<semaphore_mem>> -> memref<!tpu.dma_semaphore, #tpu.memory_space<semaphore_mem>>
        tpu.wait_indirect_dma semaphore(%dma_wait3A_224 : memref<!tpu.dma_semaphore, #tpu.memory_space<semaphore_mem>>) src(%dma_wait3A_216 : memref<100x128xf32, #tpu.memory_space<vmem>>) dst(%dma_wait3A_222 : memref<10240x128xf32, #tpu.memory_space<vmem_shared>>)
        %dma_wait3A_225 = arith.constant 1 : i32
        %dma_wait3A_226 = arith.constant 1 : i32
        %dma_wait3A_227 = arith.constant 1 : i32
        %dma_wait3A_228 = arith.constant 1 : i32
        %dma_wait3A_229 = arith.constant 0 : i32
        %dma_wait3A_230 = arith.constant 0 : i32
        %dma_wait3A_231 = tpu.memref_slice %arg6[%dma_wait3A_225, %dma_wait3A_229, %dma_wait3A_230] : memref<2x100x128xf32, #tpu.memory_space<vmem>> -> memref<1x100x128xf32, #tpu.memory_space<vmem>>
        %dma_wait3A_232 = tpu.memref_squeeze %dma_wait3A_231 : memref<1x100x128xf32, #tpu.memory_space<vmem>> -> memref<100x128xf32, #tpu.memory_space<vmem>>
        %dma_wait3A_233 = arith.constant 0 : i32
        %dma_wait3A_234 = tpu.memref_slice %arg5[%rem3A_133, %dma_wait3A_226, %dma_wait3A_227, %dma_wait3A_233] : memref<2x2x2x100xi32, #tpu.memory_space<vmem>> -> memref<1x1x1x100xi32, #tpu.memory_space<vmem>>
        %dma_wait3A_235 = tpu.memref_squeeze %dma_wait3A_234 : memref<1x1x1x100xi32, #tpu.memory_space<vmem>> -> memref<100xi32, #tpu.memory_space<vmem>>
        %dma_wait3A_236 = arith.constant 0 : i32
        %dma_wait3A_237 = arith.constant 0 : i32
        %dma_wait3A_238 = tpu.memref_slice %arg8[%dma_wait3A_236, %dma_wait3A_237] : memref<10240x128xf32, #tpu.memory_space<vmem_shared>> -> memref<10240x128xf32, #tpu.memory_space<vmem_shared>>
        %dma_wait3A_239 = tpu.memref_slice %arg11[%dma_wait3A_228] : memref<2x!tpu.dma_semaphore, #tpu.memory_space<semaphore_mem>> -> memref<1x!tpu.dma_semaphore, #tpu.memory_space<semaphore_mem>>
        %dma_wait3A_240 = tpu.memref_squeeze %dma_wait3A_239 : memref<1x!tpu.dma_semaphore, #tpu.memory_space<semaphore_mem>> -> memref<!tpu.dma_semaphore, #tpu.memory_space<semaphore_mem>>
        tpu.wait_indirect_dma semaphore(%dma_wait3A_240 : memref<!tpu.dma_semaphore, #tpu.memory_space<semaphore_mem>>) src(%dma_wait3A_232 : memref<100x128xf32, #tpu.memory_space<vmem>>) dst(%dma_wait3A_238 : memref<10240x128xf32, #tpu.memory_space<vmem_shared>>)
      } else {
      }
    }
    %scan3A_121 = arith.constant 50 : i32
    %barrier3A_122 = arith.constant 0 : index
    tpu.barrier barrier_id(%barrier3A_122)
    %scan3A_123 = arith.constant 0 : i32
    %scan3A_124 = arith.constant 5 : i32
    %scan3A_125 = arith.addi %scan3A_123, %scan3A_124 : i32
    %scan3A_126 = arith.constant 1 : i32
    scf.for %scan3A_128 = %scan3A_123 to %scan3A_125 step %scan3A_126  : i32 {
      %mul3A_129 = arith.constant 1 : i32
      %mul3A_130 = arith.muli %scan3A_128, %mul3A_129 : i32
      %add3A_131 = arith.constant 0 : i32
      %add3A_132 = arith.addi %add3A_131, %mul3A_130 : i32
      %mul3A_133 = arith.constant 640 : i32
      %mul3A_134 = arith.muli %arg1, %mul3A_133 : i32
      %mul3A_135 = arith.constant 128 : i32
      %mul3A_136 = arith.muli %add3A_132, %mul3A_135 : i32
      %add3A_137 = arith.addi %mul3A_134, %mul3A_136 : i32
      "tpu.region"() ({
        %run_scoped3A = tpu.sem_alloc : memref<!tpu.dma_semaphore, #tpu.memory_space<semaphore_mem>>
        %dma_start3A_138 = arith.constant 0 : i32
        %dma_start3A_139 = tpu.memref_slice %arg4[%arg0, %add3A_137, %dma_start3A_138] : memref<2x10240x128xf32, #tpu.memory_space<hbm>> -> memref<1x128x128xf32, #tpu.memory_space<hbm>>
        %dma_start3A_140 = tpu.memref_squeeze %dma_start3A_139 : memref<1x128x128xf32, #tpu.memory_space<hbm>> -> memref<128x128xf32, #tpu.memory_space<hbm>>
        %dma_start3A_141 = arith.constant 0 : i32
        %dma_start3A_142 = tpu.memref_slice %arg8[%add3A_137, %dma_start3A_141] : memref<10240x128xf32, #tpu.memory_space<vmem_shared>> -> memref<128x128xf32, #tpu.memory_space<vmem_shared>>
        tpu.enqueue_dma source(%dma_start3A_142 : memref<128x128xf32, #tpu.memory_space<vmem_shared>>) target(%dma_start3A_140 : memref<128x128xf32, #tpu.memory_space<hbm>>) target_semaphore(%run_scoped3A : memref<!tpu.dma_semaphore, #tpu.memory_space<semaphore_mem>>)
        %dma_wait3A_143 = arith.constant 0 : i32
        %dma_wait3A_144 = tpu.memref_slice %arg4[%arg0, %add3A_137, %dma_wait3A_143] : memref<2x10240x128xf32, #tpu.memory_space<hbm>> -> memref<1x128x128xf32, #tpu.memory_space<hbm>>
        %dma_wait3A_145 = tpu.memref_squeeze %dma_wait3A_144 : memref<1x128x128xf32, #tpu.memory_space<hbm>> -> memref<128x128xf32, #tpu.memory_space<hbm>>
        %dma_wait3A_146 = arith.constant 0 : i32
        %dma_wait3A_147 = tpu.memref_slice %arg8[%add3A_137, %dma_wait3A_146] : memref<10240x128xf32, #tpu.memory_space<vmem_shared>> -> memref<128x128xf32, #tpu.memory_space<vmem_shared>>
        tpu.wait_dma2 semaphore(%run_scoped3A : memref<!tpu.dma_semaphore, #tpu.memory_space<semaphore_mem>>) src(%dma_wait3A_147 : memref<128x128xf32, #tpu.memory_space<vmem_shared>>) dst(%dma_wait3A_145 : memref<128x128xf32, #tpu.memory_space<hbm>>)
        tpu.yield
      }) : () -> ()
    }
    %scan3A_127 = arith.constant 5 : i32
    return
  }
}

#map = affine_map<(d0, d1) -> (0, 0, 0, 0)>
#map1 = affine_map<(d0, d1) -> (0, 0, 0)>
module attributes {stable_mosaic.version = 14 : i64} {
  func.func @_deg_body(%arg0: i32, %arg1: i32, %arg2: memref<32x5x16x125xi32, #tpu.memory_space<hbm>>, %arg3: memref<2x10240x16xf32, #tpu.memory_space<hbm>>, %arg4: memref<16x125xi32, #tpu.memory_space<vmem>>, %arg5: memref<125x16xf32, #tpu.memory_space<vmem>>, %arg6: memref<128x16xf32, #tpu.memory_space<vmem>>, %arg7: memref<10240x16xf32, #tpu.memory_space<vmem_shared>>, %arg8: memref<5x!tpu.dma_semaphore, #tpu.memory_space<semaphore_mem>>) attributes {dimension_semantics = [#tpu.dimension_semantics<core_parallel>, #tpu.dimension_semantics<subcore_parallel>], iteration_bounds = array<i64: 2, 16>, scalar_prefetch = 0 : i64, scratch_operands = 5 : i64, tpu.core_type = #tpu.core_type<sc_vector_subcore>, window_params = [{transform_indices = #map}, {transform_indices = #map1}]} {
    %mul3A = arith.constant 2 : i32
    %mul3A_0 = arith.muli %arg1, %mul3A : i32
    %add3A = arith.addi %mul3A_0, %arg0 : i32
    %scan3A = arith.constant 0 : i32
    %scan3A_1 = arith.constant 125 : i32
    %scan3A_2 = arith.addi %scan3A, %scan3A_1 : i32
    %scan3A_3 = arith.constant 1 : i32
    scf.for %scan3A_23 = %scan3A to %scan3A_2 step %scan3A_3  : i32 {
      %mul3A_24 = arith.constant 1 : i32
      %mul3A_25 = arith.muli %scan3A_23, %mul3A_24 : i32
      %add3A_26 = arith.constant 0 : i32
      %add3A_27 = arith.addi %add3A_26, %mul3A_25 : i32
      %broadcast_in_dim3A = arith.constant 1.000000e+00 : f32
      %broadcast_in_dim3A_28 = vector.broadcast %broadcast_in_dim3A : f32 to vector<16xf32>
      %swap3A = arith.index_cast %add3A_27 : i32 to index
      %swap3A_29 = arith.constant 0 : index
      %swap3A_30 = tpu.vector_load %arg5[%swap3A, %swap3A_29] {strides = array<i32>} : memref<125x16xf32, #tpu.memory_space<vmem>>, vector<1x16xf32>,
      %swap3A_31 = vector.shape_cast %swap3A_30 : vector<1x16xf32> to vector<16xf32>
      %swap3A_32 = vector.shape_cast %broadcast_in_dim3A_28 : vector<16xf32> to vector<1x16xf32>
      tpu.vector_store %arg5[%swap3A, %swap3A_29], %swap3A_32 {strides = array<i32>} : memref<125x16xf32, #tpu.memory_space<vmem>>, vector<1x16xf32>,
    }
    %scan3A_4 = arith.constant 125 : i32
    %scan3A_5 = arith.constant 0 : i32
    %scan3A_6 = arith.constant 128 : i32
    %scan3A_7 = arith.addi %scan3A_5, %scan3A_6 : i32
    %scan3A_8 = arith.constant 1 : i32
    scf.for %scan3A_23 = %scan3A_5 to %scan3A_7 step %scan3A_8  : i32 {
      %mul3A_24 = arith.constant 1 : i32
      %mul3A_25 = arith.muli %scan3A_23, %mul3A_24 : i32
      %add3A_26 = arith.constant 0 : i32
      %add3A_27 = arith.addi %add3A_26, %mul3A_25 : i32
      %broadcast_in_dim3A = arith.constant 0.000000e+00 : f32
      %broadcast_in_dim3A_28 = vector.broadcast %broadcast_in_dim3A : f32 to vector<16xf32>
      %swap3A = arith.index_cast %add3A_27 : i32 to index
      %swap3A_29 = arith.constant 0 : index
      %swap3A_30 = tpu.vector_load %arg6[%swap3A, %swap3A_29] {strides = array<i32>} : memref<128x16xf32, #tpu.memory_space<vmem>>, vector<1x16xf32>,
      %swap3A_31 = vector.shape_cast %swap3A_30 : vector<1x16xf32> to vector<16xf32>
      %swap3A_32 = vector.shape_cast %broadcast_in_dim3A_28 : vector<16xf32> to vector<1x16xf32>
      tpu.vector_store %arg6[%swap3A, %swap3A_29], %swap3A_32 {strides = array<i32>} : memref<128x16xf32, #tpu.memory_space<vmem>>, vector<1x16xf32>,
    }
    %scan3A_9 = arith.constant 128 : i32
    %scan3A_10 = arith.constant 0 : i32
    %scan3A_11 = arith.constant 5 : i32
    %scan3A_12 = arith.addi %scan3A_10, %scan3A_11 : i32
    %scan3A_13 = arith.constant 1 : i32
    scf.for %scan3A_23 = %scan3A_10 to %scan3A_12 step %scan3A_13  : i32 {
      %mul3A_24 = arith.constant 1 : i32
      %mul3A_25 = arith.muli %scan3A_23, %mul3A_24 : i32
      %add3A_26 = arith.constant 0 : i32
      %add3A_27 = arith.addi %add3A_26, %mul3A_25 : i32
      %mul3A_28 = arith.constant 640 : i32
      %mul3A_29 = arith.muli %arg1, %mul3A_28 : i32
      %mul3A_30 = arith.constant 128 : i32
      %mul3A_31 = arith.muli %add3A_27, %mul3A_30 : i32
      %add3A_32 = arith.addi %mul3A_29, %mul3A_31 : i32
      "tpu.region"() ({
        %run_scoped3A = tpu.sem_alloc : memref<!tpu.dma_semaphore, #tpu.memory_space<semaphore_mem>>
        %dma_start3A = arith.constant 0 : i32
        %dma_start3A_33 = tpu.memref_slice %arg7[%add3A_32, %dma_start3A] : memref<10240x16xf32, #tpu.memory_space<vmem_shared>> -> memref<128x16xf32, #tpu.memory_space<vmem_shared>>
        %dma_start3A_34 = arith.constant 0 : i32
        %dma_start3A_35 = tpu.memref_slice %arg7[%add3A_32, %dma_start3A_34] : memref<10240x16xf32, #tpu.memory_space<vmem_shared>> -> memref<128x16xf32, #tpu.memory_space<vmem_shared>>
        tpu.enqueue_dma source(%arg6 : memref<128x16xf32, #tpu.memory_space<vmem>>) target(%dma_start3A_35 : memref<128x16xf32, #tpu.memory_space<vmem_shared>>) target_semaphore(%run_scoped3A : memref<!tpu.dma_semaphore, #tpu.memory_space<semaphore_mem>>)
        %dma_wait3A = arith.constant 0 : i32
        %dma_wait3A_36 = tpu.memref_slice %arg7[%add3A_32, %dma_wait3A] : memref<10240x16xf32, #tpu.memory_space<vmem_shared>> -> memref<128x16xf32, #tpu.memory_space<vmem_shared>>
        %dma_wait3A_37 = arith.constant 0 : i32
        %dma_wait3A_38 = tpu.memref_slice %arg7[%add3A_32, %dma_wait3A_37] : memref<10240x16xf32, #tpu.memory_space<vmem_shared>> -> memref<128x16xf32, #tpu.memory_space<vmem_shared>>
        tpu.wait_dma2 semaphore(%run_scoped3A : memref<!tpu.dma_semaphore, #tpu.memory_space<semaphore_mem>>) src(%arg6 : memref<128x16xf32, #tpu.memory_space<vmem>>) dst(%dma_wait3A_38 : memref<128x16xf32, #tpu.memory_space<vmem_shared>>)
        tpu.yield
      }) : () -> ()
    }
    %scan3A_14 = arith.constant 5 : i32
    %barrier3A = arith.constant 0 : index
    tpu.barrier barrier_id(%barrier3A)
    %scan3A_15 = arith.constant 0 : i32
    %scan3A_16 = arith.constant 5 : i32
    %scan3A_17 = arith.addi %scan3A_15, %scan3A_16 : i32
    %scan3A_18 = arith.constant 1 : i32
    scf.for %scan3A_23 = %scan3A_15 to %scan3A_17 step %scan3A_18  : i32 {
      %mul3A_24 = arith.constant 1 : i32
      %mul3A_25 = arith.muli %scan3A_23, %mul3A_24 : i32
      %add3A_26 = arith.constant 0 : i32
      %add3A_27 = arith.addi %add3A_26, %mul3A_25 : i32
      "tpu.region"() ({
        %run_scoped3A = tpu.sem_alloc : memref<!tpu.dma_semaphore, #tpu.memory_space<semaphore_mem>>
        %dma_start3A = arith.constant 0 : i32
        %dma_start3A_33 = arith.constant 0 : i32
        %dma_start3A_34 = tpu.memref_slice %arg2[%add3A, %add3A_27, %dma_start3A, %dma_start3A_33] : memref<32x5x16x125xi32, #tpu.memory_space<hbm>> -> memref<1x1x16x125xi32, #tpu.memory_space<hbm>>
        %dma_start3A_35 = tpu.memref_squeeze %dma_start3A_34 : memref<1x1x16x125xi32, #tpu.memory_space<hbm>> -> memref<16x125xi32, #tpu.memory_space<hbm>>
        %dma_start3A_36 = arith.constant 0 : i32
        %dma_start3A_37 = arith.constant 0 : i32
        %dma_start3A_38 = tpu.memref_slice %arg2[%add3A, %add3A_27, %dma_start3A_36, %dma_start3A_37] : memref<32x5x16x125xi32, #tpu.memory_space<hbm>> -> memref<1x1x16x125xi32, #tpu.memory_space<hbm>>
        %dma_start3A_39 = tpu.memref_squeeze %dma_start3A_38 : memref<1x1x16x125xi32, #tpu.memory_space<hbm>> -> memref<16x125xi32, #tpu.memory_space<hbm>>
        tpu.enqueue_dma source(%dma_start3A_39 : memref<16x125xi32, #tpu.memory_space<hbm>>) target(%arg4 : memref<16x125xi32, #tpu.memory_space<vmem>>) target_semaphore(%run_scoped3A : memref<!tpu.dma_semaphore, #tpu.memory_space<semaphore_mem>>)
        %dma_wait3A = arith.constant 0 : i32
        %dma_wait3A_40 = arith.constant 0 : i32
        %dma_wait3A_41 = tpu.memref_slice %arg2[%add3A, %add3A_27, %dma_wait3A, %dma_wait3A_40] : memref<32x5x16x125xi32, #tpu.memory_space<hbm>> -> memref<1x1x16x125xi32, #tpu.memory_space<hbm>>
        %dma_wait3A_42 = tpu.memref_squeeze %dma_wait3A_41 : memref<1x1x16x125xi32, #tpu.memory_space<hbm>> -> memref<16x125xi32, #tpu.memory_space<hbm>>
        %dma_wait3A_43 = arith.constant 0 : i32
        %dma_wait3A_44 = arith.constant 0 : i32
        %dma_wait3A_45 = tpu.memref_slice %arg2[%add3A, %add3A_27, %dma_wait3A_43, %dma_wait3A_44] : memref<32x5x16x125xi32, #tpu.memory_space<hbm>> -> memref<1x1x16x125xi32, #tpu.memory_space<hbm>>
        %dma_wait3A_46 = tpu.memref_squeeze %dma_wait3A_45 : memref<1x1x16x125xi32, #tpu.memory_space<hbm>> -> memref<16x125xi32, #tpu.memory_space<hbm>>
        tpu.wait_dma2 semaphore(%run_scoped3A : memref<!tpu.dma_semaphore, #tpu.memory_space<semaphore_mem>>) src(%dma_wait3A_46 : memref<16x125xi32, #tpu.memory_space<hbm>>) dst(%arg4 : memref<16x125xi32, #tpu.memory_space<vmem>>)
        tpu.yield
      }) : () -> ()
      %scan3A_28 = arith.constant 0 : i32
      %scan3A_29 = arith.constant 16 : i32
      %scan3A_30 = arith.addi %scan3A_28, %scan3A_29 : i32
      %scan3A_31 = arith.constant 1 : i32
      scf.for %scan3A_33 = %scan3A_28 to %scan3A_30 step %scan3A_31  : i32 {
        %mul3A_34 = arith.constant 1 : i32
        %mul3A_35 = arith.muli %scan3A_33, %mul3A_34 : i32
        %add3A_36 = arith.constant 0 : i32
        %add3A_37 = arith.addi %add3A_36, %mul3A_35 : i32
        "tpu.region"() ({
          %run_scoped3A = tpu.sem_alloc : memref<!tpu.dma_semaphore, #tpu.memory_space<semaphore_mem>>
          %dma_start3A = arith.constant 0 : i32
          %dma_start3A_38 = tpu.memref_slice %arg4[%add3A_37, %dma_start3A] : memref<16x125xi32, #tpu.memory_space<vmem>> -> memref<1x125xi32, #tpu.memory_space<vmem>>
          %dma_start3A_39 = tpu.memref_squeeze %dma_start3A_38 : memref<1x125xi32, #tpu.memory_space<vmem>> -> memref<125xi32, #tpu.memory_space<vmem>>
          %dma_start3A_40 = arith.constant 0 : i32
          %dma_start3A_41 = arith.constant 0 : i32
          %dma_start3A_42 = tpu.memref_slice %arg7[%dma_start3A_40, %dma_start3A_41] : memref<10240x16xf32, #tpu.memory_space<vmem_shared>> -> memref<10240x16xf32, #tpu.memory_space<vmem_shared>>
          tpu.enqueue_indirect_dma source(%arg5 : memref<125x16xf32, #tpu.memory_space<vmem>>) target(%dma_start3A_42 : memref<10240x16xf32, #tpu.memory_space<vmem_shared>>) offsets(%dma_start3A_39 : memref<125xi32, #tpu.memory_space<vmem>>) semaphore(%run_scoped3A : memref<!tpu.dma_semaphore, #tpu.memory_space<semaphore_mem>>) {add = true}
          %dma_wait3A = arith.constant 0 : i32
          %dma_wait3A_43 = tpu.memref_slice %arg4[%add3A_37, %dma_wait3A] : memref<16x125xi32, #tpu.memory_space<vmem>> -> memref<1x125xi32, #tpu.memory_space<vmem>>
          %dma_wait3A_44 = tpu.memref_squeeze %dma_wait3A_43 : memref<1x125xi32, #tpu.memory_space<vmem>> -> memref<125xi32, #tpu.memory_space<vmem>>
          %dma_wait3A_45 = arith.constant 0 : i32
          %dma_wait3A_46 = arith.constant 0 : i32
          %dma_wait3A_47 = tpu.memref_slice %arg7[%dma_wait3A_45, %dma_wait3A_46] : memref<10240x16xf32, #tpu.memory_space<vmem_shared>> -> memref<10240x16xf32, #tpu.memory_space<vmem_shared>>
          tpu.wait_indirect_dma semaphore(%run_scoped3A : memref<!tpu.dma_semaphore, #tpu.memory_space<semaphore_mem>>) src(%arg5 : memref<125x16xf32, #tpu.memory_space<vmem>>) dst(%dma_wait3A_47 : memref<10240x16xf32, #tpu.memory_space<vmem_shared>>)
          tpu.yield
        }) : () -> ()
      }
      %scan3A_32 = arith.constant 16 : i32
    }
    %scan3A_19 = arith.constant 5 : i32
    %barrier3A_20 = arith.constant 0 : index
    tpu.barrier barrier_id(%barrier3A_20)
    %mul3A_21 = arith.constant 640 : i32
    %mul3A_22 = arith.muli %arg1, %mul3A_21 : i32
    "tpu.region"() ({
      %run_scoped3A = tpu.sem_alloc : memref<!tpu.dma_semaphore, #tpu.memory_space<semaphore_mem>>
      %dma_start3A = arith.constant 0 : i32
      %dma_start3A_23 = tpu.memref_slice %arg3[%arg0, %mul3A_22, %dma_start3A] : memref<2x10240x16xf32, #tpu.memory_space<hbm>> -> memref<1x640x16xf32, #tpu.memory_space<hbm>>
      %dma_start3A_24 = tpu.memref_squeeze %dma_start3A_23 : memref<1x640x16xf32, #tpu.memory_space<hbm>> -> memref<640x16xf32, #tpu.memory_space<hbm>>
      %dma_start3A_25 = arith.constant 0 : i32
      %dma_start3A_26 = tpu.memref_slice %arg7[%mul3A_22, %dma_start3A_25] : memref<10240x16xf32, #tpu.memory_space<vmem_shared>> -> memref<640x16xf32, #tpu.memory_space<vmem_shared>>
      tpu.enqueue_dma source(%dma_start3A_26 : memref<640x16xf32, #tpu.memory_space<vmem_shared>>) target(%dma_start3A_24 : memref<640x16xf32, #tpu.memory_space<hbm>>) target_semaphore(%run_scoped3A : memref<!tpu.dma_semaphore, #tpu.memory_space<semaphore_mem>>)
      %dma_wait3A = arith.constant 0 : i32
      %dma_wait3A_27 = tpu.memref_slice %arg3[%arg0, %mul3A_22, %dma_wait3A] : memref<2x10240x16xf32, #tpu.memory_space<hbm>> -> memref<1x640x16xf32, #tpu.memory_space<hbm>>
      %dma_wait3A_28 = tpu.memref_squeeze %dma_wait3A_27 : memref<1x640x16xf32, #tpu.memory_space<hbm>> -> memref<640x16xf32, #tpu.memory_space<hbm>>
      %dma_wait3A_29 = arith.constant 0 : i32
      %dma_wait3A_30 = tpu.memref_slice %arg7[%mul3A_22, %dma_wait3A_29] : memref<10240x16xf32, #tpu.memory_space<vmem_shared>> -> memref<640x16xf32, #tpu.memory_space<vmem_shared>>
      tpu.wait_dma2 semaphore(%run_scoped3A : memref<!tpu.dma_semaphore, #tpu.memory_space<semaphore_mem>>) src(%dma_wait3A_30 : memref<640x16xf32, #tpu.memory_space<vmem_shared>>) dst(%dma_wait3A_28 : memref<640x16xf32, #tpu.memory_space<hbm>>)
      tpu.yield
    }) : () -> ()
    return
  }
}

#map = affine_map<(d0, d1) -> (0, 0)>
#map1 = affine_map<(d0, d1) -> (0, 0, 0, 0, 0)>
#map2 = affine_map<(d0, d1) -> (0, 0, 0)>
module attributes {stable_mosaic.version = 14 : i64} {
  func.func @_edge_body(%arg0: i32, %arg1: i32, %arg2: memref<10000x128xf32, #tpu.memory_space<hbm>>, %arg3: memref<32x50x2x2x100xi32, #tpu.memory_space<hbm>>, %arg4: memref<2x10240x128xf32, #tpu.memory_space<hbm>>, %arg5: memref<2x2x2x100xi32, #tpu.memory_space<vmem>>, %arg6: memref<2x100x128xf32, #tpu.memory_space<vmem>>, %arg7: memref<16x128xf32, #tpu.memory_space<vmem>>, %arg8: memref<10240x128xf32, #tpu.memory_space<vmem_shared>>, %arg9: memref<2x!tpu.dma_semaphore, #tpu.memory_space<semaphore_mem>>, %arg10: memref<2x!tpu.dma_semaphore, #tpu.memory_space<semaphore_mem>>, %arg11: memref<2x!tpu.dma_semaphore, #tpu.memory_space<semaphore_mem>>) attributes {dimension_semantics = [#tpu.dimension_semantics<core_parallel>, #tpu.dimension_semantics<subcore_parallel>], iteration_bounds = array<i64: 2, 16>, scalar_prefetch = 0 : i64, scratch_operands = 7 : i64, tpu.core_type = #tpu.core_type<sc_vector_subcore>, window_params = [{transform_indices = #map}, {transform_indices = #map1}, {transform_indices = #map2}]} {
    %mul3A = arith.constant 2 : i32
    %mul3A_0 = arith.muli %arg1, %mul3A : i32
    %add3A = arith.addi %mul3A_0, %arg0 : i32
    %scan3A = arith.constant 0 : i32
    %scan3A_1 = arith.constant 16 : i32
    %scan3A_2 = arith.addi %scan3A, %scan3A_1 : i32
    %scan3A_3 = arith.constant 1 : i32
    scf.for %scan3A_128 = %scan3A to %scan3A_2 step %scan3A_3  : i32 {
      %mul3A_129 = arith.constant 1 : i32
      %mul3A_130 = arith.muli %scan3A_128, %mul3A_129 : i32
      %add3A_131 = arith.constant 0 : i32
      %add3A_132 = arith.addi %add3A_131, %mul3A_130 : i32
      %broadcast_in_dim3A = arith.constant 0.000000e+00 : f32
      %broadcast_in_dim3A_133 = vector.broadcast %broadcast_in_dim3A : f32 to vector<16xf32>
      %swap3A = arith.index_cast %add3A_132 : i32 to index
      %swap3A_134 = arith.constant 0 : index
      %swap3A_135 = tpu.vector_load %arg7[%swap3A, %swap3A_134] {strides = array<i32>} : memref<16x128xf32, #tpu.memory_space<vmem>>, vector<1x16xf32>,
      %swap3A_136 = vector.shape_cast %swap3A_135 : vector<1x16xf32> to vector<16xf32>
      %swap3A_137 = vector.shape_cast %broadcast_in_dim3A_133 : vector<16xf32> to vector<1x16xf32>
      tpu.vector_store %arg7[%swap3A, %swap3A_134], %swap3A_137 {strides = array<i32>} : memref<16x128xf32, #tpu.memory_space<vmem>>, vector<1x16xf32>,
      %broadcast_in_dim3A_138 = arith.constant 0.000000e+00 : f32
      %broadcast_in_dim3A_139 = vector.broadcast %broadcast_in_dim3A_138 : f32 to vector<16xf32>
      %swap3A_140 = arith.index_cast %add3A_132 : i32 to index
      %swap3A_141 = arith.constant 16 : index
      %swap3A_142 = tpu.vector_load %arg7[%swap3A_140, %swap3A_141] {strides = array<i32>} : memref<16x128xf32, #tpu.memory_space<vmem>>, vector<1x16xf32>,
      %swap3A_143 = vector.shape_cast %swap3A_142 : vector<1x16xf32> to vector<16xf32>
      %swap3A_144 = vector.shape_cast %broadcast_in_dim3A_139 : vector<16xf32> to vector<1x16xf32>
      tpu.vector_store %arg7[%swap3A_140, %swap3A_141], %swap3A_144 {strides = array<i32>} : memref<16x128xf32, #tpu.memory_space<vmem>>, vector<1x16xf32>,
      %broadcast_in_dim3A_145 = arith.constant 0.000000e+00 : f32
      %broadcast_in_dim3A_146 = vector.broadcast %broadcast_in_dim3A_145 : f32 to vector<16xf32>
      %swap3A_147 = arith.index_cast %add3A_132 : i32 to index
      %swap3A_148 = arith.constant 32 : index
      %swap3A_149 = tpu.vector_load %arg7[%swap3A_147, %swap3A_148] {strides = array<i32>} : memref<16x128xf32, #tpu.memory_space<vmem>>, vector<1x16xf32>,
      %swap3A_150 = vector.shape_cast %swap3A_149 : vector<1x16xf32> to vector<16xf32>
      %swap3A_151 = vector.shape_cast %broadcast_in_dim3A_146 : vector<16xf32> to vector<1x16xf32>
      tpu.vector_store %arg7[%swap3A_147, %swap3A_148], %swap3A_151 {strides = array<i32>} : memref<16x128xf32, #tpu.memory_space<vmem>>, vector<1x16xf32>,
      %broadcast_in_dim3A_152 = arith.constant 0.000000e+00 : f32
      %broadcast_in_dim3A_153 = vector.broadcast %broadcast_in_dim3A_152 : f32 to vector<16xf32>
      %swap3A_154 = arith.index_cast %add3A_132 : i32 to index
      %swap3A_155 = arith.constant 48 : index
      %swap3A_156 = tpu.vector_load %arg7[%swap3A_154, %swap3A_155] {strides = array<i32>} : memref<16x128xf32, #tpu.memory_space<vmem>>, vector<1x16xf32>,
      %swap3A_157 = vector.shape_cast %swap3A_156 : vector<1x16xf32> to vector<16xf32>
      %swap3A_158 = vector.shape_cast %broadcast_in_dim3A_153 : vector<16xf32> to vector<1x16xf32>
      tpu.vector_store %arg7[%swap3A_154, %swap3A_155], %swap3A_158 {strides = array<i32>} : memref<16x128xf32, #tpu.memory_space<vmem>>, vector<1x16xf32>,
      %broadcast_in_dim3A_159 = arith.constant 0.000000e+00 : f32
      %broadcast_in_dim3A_160 = vector.broadcast %broadcast_in_dim3A_159 : f32 to vector<16xf32>
      %swap3A_161 = arith.index_cast %add3A_132 : i32 to index
      %swap3A_162 = arith.constant 64 : index
      %swap3A_163 = tpu.vector_load %arg7[%swap3A_161, %swap3A_162] {strides = array<i32>} : memref<16x128xf32, #tpu.memory_space<vmem>>, vector<1x16xf32>,
      %swap3A_164 = vector.shape_cast %swap3A_163 : vector<1x16xf32> to vector<16xf32>
      %swap3A_165 = vector.shape_cast %broadcast_in_dim3A_160 : vector<16xf32> to vector<1x16xf32>
      tpu.vector_store %arg7[%swap3A_161, %swap3A_162], %swap3A_165 {strides = array<i32>} : memref<16x128xf32, #tpu.memory_space<vmem>>, vector<1x16xf32>,
      %broadcast_in_dim3A_166 = arith.constant 0.000000e+00 : f32
      %broadcast_in_dim3A_167 = vector.broadcast %broadcast_in_dim3A_166 : f32 to vector<16xf32>
      %swap3A_168 = arith.index_cast %add3A_132 : i32 to index
      %swap3A_169 = arith.constant 80 : index
      %swap3A_170 = tpu.vector_load %arg7[%swap3A_168, %swap3A_169] {strides = array<i32>} : memref<16x128xf32, #tpu.memory_space<vmem>>, vector<1x16xf32>,
      %swap3A_171 = vector.shape_cast %swap3A_170 : vector<1x16xf32> to vector<16xf32>
      %swap3A_172 = vector.shape_cast %broadcast_in_dim3A_167 : vector<16xf32> to vector<1x16xf32>
      tpu.vector_store %arg7[%swap3A_168, %swap3A_169], %swap3A_172 {strides = array<i32>} : memref<16x128xf32, #tpu.memory_space<vmem>>, vector<1x16xf32>,
      %broadcast_in_dim3A_173 = arith.constant 0.000000e+00 : f32
      %broadcast_in_dim3A_174 = vector.broadcast %broadcast_in_dim3A_173 : f32 to vector<16xf32>
      %swap3A_175 = arith.index_cast %add3A_132 : i32 to index
      %swap3A_176 = arith.constant 96 : index
      %swap3A_177 = tpu.vector_load %arg7[%swap3A_175, %swap3A_176] {strides = array<i32>} : memref<16x128xf32, #tpu.memory_space<vmem>>, vector<1x16xf32>,
      %swap3A_178 = vector.shape_cast %swap3A_177 : vector<1x16xf32> to vector<16xf32>
      %swap3A_179 = vector.shape_cast %broadcast_in_dim3A_174 : vector<16xf32> to vector<1x16xf32>
      tpu.vector_store %arg7[%swap3A_175, %swap3A_176], %swap3A_179 {strides = array<i32>} : memref<16x128xf32, #tpu.memory_space<vmem>>, vector<1x16xf32>,
      %broadcast_in_dim3A_180 = arith.constant 0.000000e+00 : f32
      %broadcast_in_dim3A_181 = vector.broadcast %broadcast_in_dim3A_180 : f32 to vector<16xf32>
      %swap3A_182 = arith.index_cast %add3A_132 : i32 to index
      %swap3A_183 = arith.constant 112 : index
      %swap3A_184 = tpu.vector_load %arg7[%swap3A_182, %swap3A_183] {strides = array<i32>} : memref<16x128xf32, #tpu.memory_space<vmem>>, vector<1x16xf32>,
      %swap3A_185 = vector.shape_cast %swap3A_184 : vector<1x16xf32> to vector<16xf32>
      %swap3A_186 = vector.shape_cast %broadcast_in_dim3A_181 : vector<16xf32> to vector<1x16xf32>
      tpu.vector_store %arg7[%swap3A_182, %swap3A_183], %swap3A_186 {strides = array<i32>} : memref<16x128xf32, #tpu.memory_space<vmem>>, vector<1x16xf32>,
    }
    %scan3A_4 = arith.constant 16 : i32
    %scan3A_5 = arith.constant 0 : i32
    %scan3A_6 = arith.constant 40 : i32
    %scan3A_7 = arith.addi %scan3A_5, %scan3A_6 : i32
    %scan3A_8 = arith.constant 1 : i32
    scf.for %scan3A_128 = %scan3A_5 to %scan3A_7 step %scan3A_8  : i32 {
      %mul3A_129 = arith.constant 1 : i32
      %mul3A_130 = arith.muli %scan3A_128, %mul3A_129 : i32
      %add3A_131 = arith.constant 0 : i32
      %add3A_132 = arith.addi %add3A_131, %mul3A_130 : i32
      %mul3A_133 = arith.constant 640 : i32
      %mul3A_134 = arith.muli %arg1, %mul3A_133 : i32
      %mul3A_135 = arith.constant 16 : i32
      %mul3A_136 = arith.muli %add3A_132, %mul3A_135 : i32
      %add3A_137 = arith.addi %mul3A_134, %mul3A_136 : i32
      "tpu.region"() ({
        %run_scoped3A = tpu.sem_alloc : memref<!tpu.dma_semaphore, #tpu.memory_space<semaphore_mem>>
        %dma_start3A_138 = arith.constant 0 : i32
        %dma_start3A_139 = tpu.memref_slice %arg8[%add3A_137, %dma_start3A_138] : memref<10240x128xf32, #tpu.memory_space<vmem_shared>> -> memref<16x128xf32, #tpu.memory_space<vmem_shared>>
        %dma_start3A_140 = arith.constant 0 : i32
        %dma_start3A_141 = tpu.memref_slice %arg8[%add3A_137, %dma_start3A_140] : memref<10240x128xf32, #tpu.memory_space<vmem_shared>> -> memref<16x128xf32, #tpu.memory_space<vmem_shared>>
        tpu.enqueue_dma source(%arg7 : memref<16x128xf32, #tpu.memory_space<vmem>>) target(%dma_start3A_141 : memref<16x128xf32, #tpu.memory_space<vmem_shared>>) target_semaphore(%run_scoped3A : memref<!tpu.dma_semaphore, #tpu.memory_space<semaphore_mem>>)
        %dma_wait3A_142 = arith.constant 0 : i32
        %dma_wait3A_143 = tpu.memref_slice %arg8[%add3A_137, %dma_wait3A_142] : memref<10240x128xf32, #tpu.memory_space<vmem_shared>> -> memref<16x128xf32, #tpu.memory_space<vmem_shared>>
        %dma_wait3A_144 = arith.constant 0 : i32
        %dma_wait3A_145 = tpu.memref_slice %arg8[%add3A_137, %dma_wait3A_144] : memref<10240x128xf32, #tpu.memory_space<vmem_shared>> -> memref<16x128xf32, #tpu.memory_space<vmem_shared>>
        tpu.wait_dma2 semaphore(%run_scoped3A : memref<!tpu.dma_semaphore, #tpu.memory_space<semaphore_mem>>) src(%arg7 : memref<16x128xf32, #tpu.memory_space<vmem>>) dst(%dma_wait3A_145 : memref<16x128xf32, #tpu.memory_space<vmem_shared>>)
        tpu.yield
      }) : () -> ()
    }
    %scan3A_9 = arith.constant 40 : i32
    %barrier3A = arith.constant 0 : index
    tpu.barrier barrier_id(%barrier3A)
    %dma_start3A = arith.constant 0 : i32
    %dma_start3A_10 = arith.constant 0 : i32
    %dma_start3A_11 = arith.constant 0 : i32
    %dma_start3A_12 = arith.constant 0 : i32
    %dma_start3A_13 = arith.constant 0 : i32
    %dma_start3A_14 = arith.constant 0 : i32
    %dma_start3A_15 = tpu.memref_slice %arg5[%dma_start3A_10, %dma_start3A_12, %dma_start3A_13, %dma_start3A_14] : memref<2x2x2x100xi32, #tpu.memory_space<vmem>> -> memref<1x2x2x100xi32, #tpu.memory_space<vmem>>
    %dma_start3A_16 = tpu.memref_squeeze %dma_start3A_15 : memref<1x2x2x100xi32, #tpu.memory_space<vmem>> -> memref<2x2x100xi32, #tpu.memory_space<vmem>>
    %dma_start3A_17 = arith.constant 0 : i32
    %dma_start3A_18 = arith.constant 0 : i32
    %dma_start3A_19 = arith.constant 0 : i32
    %dma_start3A_20 = tpu.memref_slice %arg3[%add3A, %dma_start3A, %dma_start3A_17, %dma_start3A_18, %dma_start3A_19] : memref<32x50x2x2x100xi32, #tpu.memory_space<hbm>> -> memref<1x1x2x2x100xi32, #tpu.memory_space<hbm>>
    %dma_start3A_21 = tpu.memref_squeeze %dma_start3A_20 : memref<1x1x2x2x100xi32, #tpu.memory_space<hbm>> -> memref<2x2x100xi32, #tpu.memory_space<hbm>>
    %dma_start3A_22 = tpu.memref_slice %arg9[%dma_start3A_11] : memref<2x!tpu.dma_semaphore, #tpu.memory_space<semaphore_mem>> -> memref<1x!tpu.dma_semaphore, #tpu.memory_space<semaphore_mem>>
    %dma_start3A_23 = tpu.memref_squeeze %dma_start3A_22 : memref<1x!tpu.dma_semaphore, #tpu.memory_space<semaphore_mem>> -> memref<!tpu.dma_semaphore, #tpu.memory_space<semaphore_mem>>
    %dma_start3A_24 = arith.constant 0 : i32
    %dma_start3A_25 = arith.constant 0 : i32
    %dma_start3A_26 = arith.constant 0 : i32
    %dma_start3A_27 = tpu.memref_slice %arg5[%dma_start3A_10, %dma_start3A_24, %dma_start3A_25, %dma_start3A_26] : memref<2x2x2x100xi32, #tpu.memory_space<vmem>> -> memref<1x2x2x100xi32, #tpu.memory_space<vmem>>
    %dma_start3A_28 = tpu.memref_squeeze %dma_start3A_27 : memref<1x2x2x100xi32, #tpu.memory_space<vmem>> -> memref<2x2x100xi32, #tpu.memory_space<vmem>>
    %dma_start3A_29 = arith.constant 0 : i32
    %dma_start3A_30 = arith.constant 0 : i32
    %dma_start3A_31 = arith.constant 0 : i32
    %dma_start3A_32 = tpu.memref_slice %arg3[%add3A, %dma_start3A, %dma_start3A_29, %dma_start3A_30, %dma_start3A_31] : memref<32x50x2x2x100xi32, #tpu.memory_space<hbm>> -> memref<1x1x2x2x100xi32, #tpu.memory_space<hbm>>
    %dma_start3A_33 = tpu.memref_squeeze %dma_start3A_32 : memref<1x1x2x2x100xi32, #tpu.memory_space<hbm>> -> memref<2x2x100xi32, #tpu.memory_space<hbm>>
    tpu.enqueue_dma source(%dma_start3A_33 : memref<2x2x100xi32, #tpu.memory_space<hbm>>) target(%dma_start3A_28 : memref<2x2x100xi32, #tpu.memory_space<vmem>>) target_semaphore(%dma_start3A_23 : memref<!tpu.dma_semaphore, #tpu.memory_space<semaphore_mem>>)
    %dma_wait3A = arith.constant 0 : i32
    %dma_wait3A_34 = arith.constant 0 : i32
    %dma_wait3A_35 = arith.constant 0 : i32
    %dma_wait3A_36 = arith.constant 0 : i32
    %dma_wait3A_37 = arith.constant 0 : i32
    %dma_wait3A_38 = arith.constant 0 : i32
    %dma_wait3A_39 = tpu.memref_slice %arg5[%dma_wait3A_34, %dma_wait3A_36, %dma_wait3A_37, %dma_wait3A_38] : memref<2x2x2x100xi32, #tpu.memory_space<vmem>> -> memref<1x2x2x100xi32, #tpu.memory_space<vmem>>
    %dma_wait3A_40 = tpu.memref_squeeze %dma_wait3A_39 : memref<1x2x2x100xi32, #tpu.memory_space<vmem>> -> memref<2x2x100xi32, #tpu.memory_space<vmem>>
    %dma_wait3A_41 = arith.constant 0 : i32
    %dma_wait3A_42 = arith.constant 0 : i32
    %dma_wait3A_43 = arith.constant 0 : i32
    %dma_wait3A_44 = tpu.memref_slice %arg3[%add3A, %dma_wait3A, %dma_wait3A_41, %dma_wait3A_42, %dma_wait3A_43] : memref<32x50x2x2x100xi32, #tpu.memory_space<hbm>> -> memref<1x1x2x2x100xi32, #tpu.memory_space<hbm>>
    %dma_wait3A_45 = tpu.memref_squeeze %dma_wait3A_44 : memref<1x1x2x2x100xi32, #tpu.memory_space<hbm>> -> memref<2x2x100xi32, #tpu.memory_space<hbm>>
    %dma_wait3A_46 = tpu.memref_slice %arg9[%dma_wait3A_35] : memref<2x!tpu.dma_semaphore, #tpu.memory_space<semaphore_mem>> -> memref<1x!tpu.dma_semaphore, #tpu.memory_space<semaphore_mem>>
    %dma_wait3A_47 = tpu.memref_squeeze %dma_wait3A_46 : memref<1x!tpu.dma_semaphore, #tpu.memory_space<semaphore_mem>> -> memref<!tpu.dma_semaphore, #tpu.memory_space<semaphore_mem>>
    %dma_wait3A_48 = arith.constant 0 : i32
    %dma_wait3A_49 = arith.constant 0 : i32
    %dma_wait3A_50 = arith.constant 0 : i32
    %dma_wait3A_51 = tpu.memref_slice %arg5[%dma_wait3A_34, %dma_wait3A_48, %dma_wait3A_49, %dma_wait3A_50] : memref<2x2x2x100xi32, #tpu.memory_space<vmem>> -> memref<1x2x2x100xi32, #tpu.memory_space<vmem>>
    %dma_wait3A_52 = tpu.memref_squeeze %dma_wait3A_51 : memref<1x2x2x100xi32, #tpu.memory_space<vmem>> -> memref<2x2x100xi32, #tpu.memory_space<vmem>>
    %dma_wait3A_53 = arith.constant 0 : i32
    %dma_wait3A_54 = arith.constant 0 : i32
    %dma_wait3A_55 = arith.constant 0 : i32
    %dma_wait3A_56 = tpu.memref_slice %arg3[%add3A, %dma_wait3A, %dma_wait3A_53, %dma_wait3A_54, %dma_wait3A_55] : memref<32x50x2x2x100xi32, #tpu.memory_space<hbm>> -> memref<1x1x2x2x100xi32, #tpu.memory_space<hbm>>
    %dma_wait3A_57 = tpu.memref_squeeze %dma_wait3A_56 : memref<1x1x2x2x100xi32, #tpu.memory_space<hbm>> -> memref<2x2x100xi32, #tpu.memory_space<hbm>>
    tpu.wait_dma2 semaphore(%dma_wait3A_47 : memref<!tpu.dma_semaphore, #tpu.memory_space<semaphore_mem>>) src(%dma_wait3A_57 : memref<2x2x100xi32, #tpu.memory_space<hbm>>) dst(%dma_wait3A_52 : memref<2x2x100xi32, #tpu.memory_space<vmem>>)
    %dma_start3A_58 = arith.constant 0 : i32
    %dma_start3A_59 = arith.constant 0 : i32
    %dma_start3A_60 = arith.constant 0 : i32
    %dma_start3A_61 = arith.constant 0 : i32
    %dma_start3A_62 = arith.constant 0 : i32
    %dma_start3A_63 = arith.constant 0 : i32
    %dma_start3A_64 = arith.constant 0 : i32
    %dma_start3A_65 = tpu.memref_slice %arg6[%dma_start3A_61, %dma_start3A_63, %dma_start3A_64] : memref<2x100x128xf32, #tpu.memory_space<vmem>> -> memref<1x100x128xf32, #tpu.memory_space<vmem>>
    %dma_start3A_66 = tpu.memref_squeeze %dma_start3A_65 : memref<1x100x128xf32, #tpu.memory_space<vmem>> -> memref<100x128xf32, #tpu.memory_space<vmem>>
    %dma_start3A_67 = arith.constant 0 : i32
    %dma_start3A_68 = tpu.memref_slice %arg5[%dma_start3A_58, %dma_start3A_59, %dma_start3A_60, %dma_start3A_67] : memref<2x2x2x100xi32, #tpu.memory_space<vmem>> -> memref<1x1x1x100xi32, #tpu.memory_space<vmem>>
    %dma_start3A_69 = tpu.memref_squeeze %dma_start3A_68 : memref<1x1x1x100xi32, #tpu.memory_space<vmem>> -> memref<100xi32, #tpu.memory_space<vmem>>
    %dma_start3A_70 = arith.constant 0 : i32
    %dma_start3A_71 = arith.constant 0 : i32
    %dma_start3A_72 = tpu.memref_slice %arg2[%dma_start3A_70, %dma_start3A_71] : memref<10000x128xf32, #tpu.memory_space<hbm>> -> memref<10000x128xf32, #tpu.memory_space<hbm>>
    %dma_start3A_73 = tpu.memref_slice %arg10[%dma_start3A_62] : memref<2x!tpu.dma_semaphore, #tpu.memory_space<semaphore_mem>> -> memref<1x!tpu.dma_semaphore, #tpu.memory_space<semaphore_mem>>
    %dma_start3A_74 = tpu.memref_squeeze %dma_start3A_73 : memref<1x!tpu.dma_semaphore, #tpu.memory_space<semaphore_mem>> -> memref<!tpu.dma_semaphore, #tpu.memory_space<semaphore_mem>>
    tpu.enqueue_indirect_dma source(%dma_start3A_72 : memref<10000x128xf32, #tpu.memory_space<hbm>>) target(%dma_start3A_66 : memref<100x128xf32, #tpu.memory_space<vmem>>) offsets(%dma_start3A_69 : memref<100xi32, #tpu.memory_space<vmem>>) semaphore(%dma_start3A_74 : memref<!tpu.dma_semaphore, #tpu.memory_space<semaphore_mem>>)
    %dma_start3A_75 = arith.constant 0 : i32
    %dma_start3A_76 = arith.constant 0 : i32
    %dma_start3A_77 = arith.constant 1 : i32
    %dma_start3A_78 = arith.constant 1 : i32
    %dma_start3A_79 = arith.constant 1 : i32
    %dma_start3A_80 = arith.constant 0 : i32
    %dma_start3A_81 = arith.constant 0 : i32
    %dma_start3A_82 = tpu.memref_slice %arg6[%dma_start3A_78, %dma_start3A_80, %dma_start3A_81] : memref<2x100x128xf32, #tpu.memory_space<vmem>> -> memref<1x100x128xf32, #tpu.memory_space<vmem>>
    %dma_start3A_83 = tpu.memref_squeeze %dma_start3A_82 : memref<1x100x128xf32, #tpu.memory_space<vmem>> -> memref<100x128xf32, #tpu.memory_space<vmem>>
    %dma_start3A_84 = arith.constant 0 : i32
    %dma_start3A_85 = tpu.memref_slice %arg5[%dma_start3A_75, %dma_start3A_76, %dma_start3A_77, %dma_start3A_84] : memref<2x2x2x100xi32, #tpu.memory_space<vmem>> -> memref<1x1x1x100xi32, #tpu.memory_space<vmem>>
    %dma_start3A_86 = tpu.memref_squeeze %dma_start3A_85 : memref<1x1x1x100xi32, #tpu.memory_space<vmem>> -> memref<100xi32, #tpu.memory_space<vmem>>
    %dma_start3A_87 = arith.constant 0 : i32
    %dma_start3A_88 = arith.constant 0 : i32
    %dma_start3A_89 = tpu.memref_slice %arg2[%dma_start3A_87, %dma_start3A_88] : memref<10000x128xf32, #tpu.memory_space<hbm>> -> memref<10000x128xf32, #tpu.memory_space<hbm>>
    %dma_start3A_90 = tpu.memref_slice %arg10[%dma_start3A_79] : memref<2x!tpu.dma_semaphore, #tpu.memory_space<semaphore_mem>> -> memref<1x!tpu.dma_semaphore, #tpu.memory_space<semaphore_mem>>
    %dma_start3A_91 = tpu.memref_squeeze %dma_start3A_90 : memref<1x!tpu.dma_semaphore, #tpu.memory_space<semaphore_mem>> -> memref<!tpu.dma_semaphore, #tpu.memory_space<semaphore_mem>>
    tpu.enqueue_indirect_dma source(%dma_start3A_89 : memref<10000x128xf32, #tpu.memory_space<hbm>>) target(%dma_start3A_83 : memref<100x128xf32, #tpu.memory_space<vmem>>) offsets(%dma_start3A_86 : memref<100xi32, #tpu.memory_space<vmem>>) semaphore(%dma_start3A_91 : memref<!tpu.dma_semaphore, #tpu.memory_space<semaphore_mem>>)
    %dma_start3A_92 = arith.constant 1 : i32
    %dma_start3A_93 = arith.constant 1 : i32
    %dma_start3A_94 = arith.constant 1 : i32
    %dma_start3A_95 = arith.constant 0 : i32
    %dma_start3A_96 = arith.constant 0 : i32
    %dma_start3A_97 = arith.constant 0 : i32
    %dma_start3A_98 = tpu.memref_slice %arg5[%dma_start3A_93, %dma_start3A_95, %dma_start3A_96, %dma_start3A_97] : memref<2x2x2x100xi32, #tpu.memory_space<vmem>> -> memref<1x2x2x100xi32, #tpu.memory_space<vmem>>
    %dma_start3A_99 = tpu.memref_squeeze %dma_start3A_98 : memref<1x2x2x100xi32, #tpu.memory_space<vmem>> -> memref<2x2x100xi32, #tpu.memory_space<vmem>>
    %dma_start3A_100 = arith.constant 0 : i32
    %dma_start3A_101 = arith.constant 0 : i32
    %dma_start3A_102 = arith.constant 0 : i32
    %dma_start3A_103 = tpu.memref_slice %arg3[%add3A, %dma_start3A_92, %dma_start3A_100, %dma_start3A_101, %dma_start3A_102] : memref<32x50x2x2x100xi32, #tpu.memory_space<hbm>> -> memref<1x1x2x2x100xi32, #tpu.memory_space<hbm>>
    %dma_start3A_104 = tpu.memref_squeeze %dma_start3A_103 : memref<1x1x2x2x100xi32, #tpu.memory_space<hbm>> -> memref<2x2x100xi32, #tpu.memory_space<hbm>>
    %dma_start3A_105 = tpu.memref_slice %arg9[%dma_start3A_94] : memref<2x!tpu.dma_semaphore, #tpu.memory_space<semaphore_mem>> -> memref<1x!tpu.dma_semaphore, #tpu.memory_space<semaphore_mem>>
    %dma_start3A_106 = tpu.memref_squeeze %dma_start3A_105 : memref<1x!tpu.dma_semaphore, #tpu.memory_space<semaphore_mem>> -> memref<!tpu.dma_semaphore, #tpu.memory_space<semaphore_mem>>
    %dma_start3A_107 = arith.constant 0 : i32
    %dma_start3A_108 = arith.constant 0 : i32
    %dma_start3A_109 = arith.constant 0 : i32
    %dma_start3A_110 = tpu.memref_slice %arg5[%dma_start3A_93, %dma_start3A_107, %dma_start3A_108, %dma_start3A_109] : memref<2x2x2x100xi32, #tpu.memory_space<vmem>> -> memref<1x2x2x100xi32, #tpu.memory_space<vmem>>
    %dma_start3A_111 = tpu.memref_squeeze %dma_start3A_110 : memref<1x2x2x100xi32, #tpu.memory_space<vmem>> -> memref<2x2x100xi32, #tpu.memory_space<vmem>>
    %dma_start3A_112 = arith.constant 0 : i32
    %dma_start3A_113 = arith.constant 0 : i32
    %dma_start3A_114 = arith.constant 0 : i32
    %dma_start3A_115 = tpu.memref_slice %arg3[%add3A, %dma_start3A_92, %dma_start3A_112, %dma_start3A_113, %dma_start3A_114] : memref<32x50x2x2x100xi32, #tpu.memory_space<hbm>> -> memref<1x1x2x2x100xi32, #tpu.memory_space<hbm>>
    %dma_start3A_116 = tpu.memref_squeeze %dma_start3A_115 : memref<1x1x2x2x100xi32, #tpu.memory_space<hbm>> -> memref<2x2x100xi32, #tpu.memory_space<hbm>>
    tpu.enqueue_dma source(%dma_start3A_116 : memref<2x2x100xi32, #tpu.memory_space<hbm>>) target(%dma_start3A_111 : memref<2x2x100xi32, #tpu.memory_space<vmem>>) target_semaphore(%dma_start3A_106 : memref<!tpu.dma_semaphore, #tpu.memory_space<semaphore_mem>>)
    %scan3A_117 = arith.constant 0 : i32
    %scan3A_118 = arith.constant 50 : i32
    %scan3A_119 = arith.addi %scan3A_117, %scan3A_118 : i32
    %scan3A_120 = arith.constant 1 : i32
    scf.for %scan3A_128 = %scan3A_117 to %scan3A_119 step %scan3A_120  : i32 {
      %mul3A_129 = arith.constant 1 : i32
      %mul3A_130 = arith.muli %scan3A_128, %mul3A_129 : i32
      %add3A_131 = arith.constant 0 : i32
      %add3A_132 = arith.addi %add3A_131, %mul3A_130 : i32
      %rem3A = arith.constant 2 : i32
      %rem3A_133 = arith.remsi %add3A_132, %rem3A : i32
      %sub3A = arith.constant 1 : i32
      %sub3A_134 = arith.subi %sub3A, %rem3A_133 : i32
      %dma_wait3A_135 = arith.constant 0 : i32
      %dma_wait3A_136 = arith.constant 0 : i32
      %dma_wait3A_137 = arith.constant 0 : i32
      %dma_wait3A_138 = arith.constant 0 : i32
      %dma_wait3A_139 = arith.constant 0 : i32
      %dma_wait3A_140 = arith.constant 0 : i32
      %dma_wait3A_141 = tpu.memref_slice %arg6[%dma_wait3A_137, %dma_wait3A_139, %dma_wait3A_140] : memref<2x100x128xf32, #tpu.memory_space<vmem>> -> memref<1x100x128xf32, #tpu.memory_space<vmem>>
      %dma_wait3A_142 = tpu.memref_squeeze %dma_wait3A_141 : memref<1x100x128xf32, #tpu.memory_space<vmem>> -> memref<100x128xf32, #tpu.memory_space<vmem>>
      %dma_wait3A_143 = arith.constant 0 : i32
      %dma_wait3A_144 = tpu.memref_slice %arg5[%rem3A_133, %dma_wait3A_135, %dma_wait3A_136, %dma_wait3A_143] : memref<2x2x2x100xi32, #tpu.memory_space<vmem>> -> memref<1x1x1x100xi32, #tpu.memory_space<vmem>>
      %dma_wait3A_145 = tpu.memref_squeeze %dma_wait3A_144 : memref<1x1x1x100xi32, #tpu.memory_space<vmem>> -> memref<100xi32, #tpu.memory_space<vmem>>
      %dma_wait3A_146 = arith.constant 0 : i32
      %dma_wait3A_147 = arith.constant 0 : i32
      %dma_wait3A_148 = tpu.memref_slice %arg2[%dma_wait3A_146, %dma_wait3A_147] : memref<10000x128xf32, #tpu.memory_space<hbm>> -> memref<10000x128xf32, #tpu.memory_space<hbm>>
      %dma_wait3A_149 = tpu.memref_slice %arg10[%dma_wait3A_138] : memref<2x!tpu.dma_semaphore, #tpu.memory_space<semaphore_mem>> -> memref<1x!tpu.dma_semaphore, #tpu.memory_space<semaphore_mem>>
      %dma_wait3A_150 = tpu.memref_squeeze %dma_wait3A_149 : memref<1x!tpu.dma_semaphore, #tpu.memory_space<semaphore_mem>> -> memref<!tpu.dma_semaphore, #tpu.memory_space<semaphore_mem>>
      tpu.wait_indirect_dma semaphore(%dma_wait3A_150 : memref<!tpu.dma_semaphore, #tpu.memory_space<semaphore_mem>>) src(%dma_wait3A_148 : memref<10000x128xf32, #tpu.memory_space<hbm>>) dst(%dma_wait3A_142 : memref<100x128xf32, #tpu.memory_space<vmem>>)
      %dma_wait3A_151 = arith.constant 0 : i32
      %dma_wait3A_152 = arith.constant 1 : i32
      %dma_wait3A_153 = arith.constant 1 : i32
      %dma_wait3A_154 = arith.constant 1 : i32
      %dma_wait3A_155 = arith.constant 0 : i32
      %dma_wait3A_156 = arith.constant 0 : i32
      %dma_wait3A_157 = tpu.memref_slice %arg6[%dma_wait3A_153, %dma_wait3A_155, %dma_wait3A_156] : memref<2x100x128xf32, #tpu.memory_space<vmem>> -> memref<1x100x128xf32, #tpu.memory_space<vmem>>
      %dma_wait3A_158 = tpu.memref_squeeze %dma_wait3A_157 : memref<1x100x128xf32, #tpu.memory_space<vmem>> -> memref<100x128xf32, #tpu.memory_space<vmem>>
      %dma_wait3A_159 = arith.constant 0 : i32
      %dma_wait3A_160 = tpu.memref_slice %arg5[%rem3A_133, %dma_wait3A_151, %dma_wait3A_152, %dma_wait3A_159] : memref<2x2x2x100xi32, #tpu.memory_space<vmem>> -> memref<1x1x1x100xi32, #tpu.memory_space<vmem>>
      %dma_wait3A_161 = tpu.memref_squeeze %dma_wait3A_160 : memref<1x1x1x100xi32, #tpu.memory_space<vmem>> -> memref<100xi32, #tpu.memory_space<vmem>>
      %dma_wait3A_162 = arith.constant 0 : i32
      %dma_wait3A_163 = arith.constant 0 : i32
      %dma_wait3A_164 = tpu.memref_slice %arg2[%dma_wait3A_162, %dma_wait3A_163] : memref<10000x128xf32, #tpu.memory_space<hbm>> -> memref<10000x128xf32, #tpu.memory_space<hbm>>
      %dma_wait3A_165 = tpu.memref_slice %arg10[%dma_wait3A_154] : memref<2x!tpu.dma_semaphore, #tpu.memory_space<semaphore_mem>> -> memref<1x!tpu.dma_semaphore, #tpu.memory_space<semaphore_mem>>
      %dma_wait3A_166 = tpu.memref_squeeze %dma_wait3A_165 : memref<1x!tpu.dma_semaphore, #tpu.memory_space<semaphore_mem>> -> memref<!tpu.dma_semaphore, #tpu.memory_space<semaphore_mem>>
      tpu.wait_indirect_dma semaphore(%dma_wait3A_166 : memref<!tpu.dma_semaphore, #tpu.memory_space<semaphore_mem>>) src(%dma_wait3A_164 : memref<10000x128xf32, #tpu.memory_space<hbm>>) dst(%dma_wait3A_158 : memref<100x128xf32, #tpu.memory_space<vmem>>)
      %dma_start3A_167 = arith.constant 0 : i32
      %dma_start3A_168 = arith.constant 1 : i32
      %dma_start3A_169 = arith.constant 0 : i32
      %dma_start3A_170 = arith.constant 0 : i32
      %dma_start3A_171 = arith.constant 0 : i32
      %dma_start3A_172 = arith.constant 0 : i32
      %dma_start3A_173 = tpu.memref_slice %arg6[%dma_start3A_167, %dma_start3A_171, %dma_start3A_172] : memref<2x100x128xf32, #tpu.memory_space<vmem>> -> memref<1x100x128xf32, #tpu.memory_space<vmem>>
      %dma_start3A_174 = tpu.memref_squeeze %dma_start3A_173 : memref<1x100x128xf32, #tpu.memory_space<vmem>> -> memref<100x128xf32, #tpu.memory_space<vmem>>
      %dma_start3A_175 = arith.constant 0 : i32
      %dma_start3A_176 = tpu.memref_slice %arg5[%rem3A_133, %dma_start3A_168, %dma_start3A_169, %dma_start3A_175] : memref<2x2x2x100xi32, #tpu.memory_space<vmem>> -> memref<1x1x1x100xi32, #tpu.memory_space<vmem>>
      %dma_start3A_177 = tpu.memref_squeeze %dma_start3A_176 : memref<1x1x1x100xi32, #tpu.memory_space<vmem>> -> memref<100xi32, #tpu.memory_space<vmem>>
      %dma_start3A_178 = arith.constant 0 : i32
      %dma_start3A_179 = arith.constant 0 : i32
      %dma_start3A_180 = tpu.memref_slice %arg8[%dma_start3A_178, %dma_start3A_179] : memref<10240x128xf32, #tpu.memory_space<vmem_shared>> -> memref<10240x128xf32, #tpu.memory_space<vmem_shared>>
      %dma_start3A_181 = tpu.memref_slice %arg11[%dma_start3A_170] : memref<2x!tpu.dma_semaphore, #tpu.memory_space<semaphore_mem>> -> memref<1x!tpu.dma_semaphore, #tpu.memory_space<semaphore_mem>>
      %dma_start3A_182 = tpu.memref_squeeze %dma_start3A_181 : memref<1x!tpu.dma_semaphore, #tpu.memory_space<semaphore_mem>> -> memref<!tpu.dma_semaphore, #tpu.memory_space<semaphore_mem>>
      tpu.enqueue_indirect_dma source(%dma_start3A_174 : memref<100x128xf32, #tpu.memory_space<vmem>>) target(%dma_start3A_180 : memref<10240x128xf32, #tpu.memory_space<vmem_shared>>) offsets(%dma_start3A_177 : memref<100xi32, #tpu.memory_space<vmem>>) semaphore(%dma_start3A_182 : memref<!tpu.dma_semaphore, #tpu.memory_space<semaphore_mem>>) {add = true}
      %dma_start3A_183 = arith.constant 1 : i32
      %dma_start3A_184 = arith.constant 1 : i32
      %dma_start3A_185 = arith.constant 1 : i32
      %dma_start3A_186 = arith.constant 1 : i32
      %dma_start3A_187 = arith.constant 0 : i32
      %dma_start3A_188 = arith.constant 0 : i32
      %dma_start3A_189 = tpu.memref_slice %arg6[%dma_start3A_183, %dma_start3A_187, %dma_start3A_188] : memref<2x100x128xf32, #tpu.memory_space<vmem>> -> memref<1x100x128xf32, #tpu.memory_space<vmem>>
      %dma_start3A_190 = tpu.memref_squeeze %dma_start3A_189 : memref<1x100x128xf32, #tpu.memory_space<vmem>> -> memref<100x128xf32, #tpu.memory_space<vmem>>
      %dma_start3A_191 = arith.constant 0 : i32
      %dma_start3A_192 = tpu.memref_slice %arg5[%rem3A_133, %dma_start3A_184, %dma_start3A_185, %dma_start3A_191] : memref<2x2x2x100xi32, #tpu.memory_space<vmem>> -> memref<1x1x1x100xi32, #tpu.memory_space<vmem>>
      %dma_start3A_193 = tpu.memref_squeeze %dma_start3A_192 : memref<1x1x1x100xi32, #tpu.memory_space<vmem>> -> memref<100xi32, #tpu.memory_space<vmem>>
      %dma_start3A_194 = arith.constant 0 : i32
      %dma_start3A_195 = arith.constant 0 : i32
      %dma_start3A_196 = tpu.memref_slice %arg8[%dma_start3A_194, %dma_start3A_195] : memref<10240x128xf32, #tpu.memory_space<vmem_shared>> -> memref<10240x128xf32, #tpu.memory_space<vmem_shared>>
      %dma_start3A_197 = tpu.memref_slice %arg11[%dma_start3A_186] : memref<2x!tpu.dma_semaphore, #tpu.memory_space<semaphore_mem>> -> memref<1x!tpu.dma_semaphore, #tpu.memory_space<semaphore_mem>>
      %dma_start3A_198 = tpu.memref_squeeze %dma_start3A_197 : memref<1x!tpu.dma_semaphore, #tpu.memory_space<semaphore_mem>> -> memref<!tpu.dma_semaphore, #tpu.memory_space<semaphore_mem>>
      tpu.enqueue_indirect_dma source(%dma_start3A_190 : memref<100x128xf32, #tpu.memory_space<vmem>>) target(%dma_start3A_196 : memref<10240x128xf32, #tpu.memory_space<vmem_shared>>) offsets(%dma_start3A_193 : memref<100xi32, #tpu.memory_space<vmem>>) semaphore(%dma_start3A_198 : memref<!tpu.dma_semaphore, #tpu.memory_space<semaphore_mem>>) {add = true}
      %add3A_199 = arith.constant 1 : i32
      %add3A_200 = arith.addi %add3A_132, %add3A_199 : i32
      %lt3A = arith.constant 50 : i32
      %lt3A_201 = arith.cmpi slt, %add3A_200, %lt3A : i32
      %convert_element_type3A = arith.extui %lt3A_201 : i1 to i32
      %cond3A = arith.constant 0 : i32
      %cond3A_202 = arith.cmpi ne, %convert_element_type3A, %cond3A : i32
      scf.if %cond3A_202 {
        %add3A_209 = arith.constant 1 : i32
        %add3A_210 = arith.addi %add3A_132, %add3A_209 : i32
        %dma_wait3A_211 = arith.constant 0 : i32
        %dma_wait3A_212 = arith.constant 0 : i32
        %dma_wait3A_213 = arith.constant 0 : i32
        %dma_wait3A_214 = tpu.memref_slice %arg5[%sub3A_134, %dma_wait3A_211, %dma_wait3A_212, %dma_wait3A_213] : memref<2x2x2x100xi32, #tpu.memory_space<vmem>> -> memref<1x2x2x100xi32, #tpu.memory_space<vmem>>
        %dma_wait3A_215 = tpu.memref_squeeze %dma_wait3A_214 : memref<1x2x2x100xi32, #tpu.memory_space<vmem>> -> memref<2x2x100xi32, #tpu.memory_space<vmem>>
        %dma_wait3A_216 = arith.constant 0 : i32
        %dma_wait3A_217 = arith.constant 0 : i32
        %dma_wait3A_218 = arith.constant 0 : i32
        %dma_wait3A_219 = tpu.memref_slice %arg3[%add3A, %add3A_210, %dma_wait3A_216, %dma_wait3A_217, %dma_wait3A_218] : memref<32x50x2x2x100xi32, #tpu.memory_space<hbm>> -> memref<1x1x2x2x100xi32, #tpu.memory_space<hbm>>
        %dma_wait3A_220 = tpu.memref_squeeze %dma_wait3A_219 : memref<1x1x2x2x100xi32, #tpu.memory_space<hbm>> -> memref<2x2x100xi32, #tpu.memory_space<hbm>>
        %dma_wait3A_221 = tpu.memref_slice %arg9[%sub3A_134] : memref<2x!tpu.dma_semaphore, #tpu.memory_space<semaphore_mem>> -> memref<1x!tpu.dma_semaphore, #tpu.memory_space<semaphore_mem>>
        %dma_wait3A_222 = tpu.memref_squeeze %dma_wait3A_221 : memref<1x!tpu.dma_semaphore, #tpu.memory_space<semaphore_mem>> -> memref<!tpu.dma_semaphore, #tpu.memory_space<semaphore_mem>>
        %dma_wait3A_223 = arith.constant 0 : i32
        %dma_wait3A_224 = arith.constant 0 : i32
        %dma_wait3A_225 = arith.constant 0 : i32
        %dma_wait3A_226 = tpu.memref_slice %arg5[%sub3A_134, %dma_wait3A_223, %dma_wait3A_224, %dma_wait3A_225] : memref<2x2x2x100xi32, #tpu.memory_space<vmem>> -> memref<1x2x2x100xi32, #tpu.memory_space<vmem>>
        %dma_wait3A_227 = tpu.memref_squeeze %dma_wait3A_226 : memref<1x2x2x100xi32, #tpu.memory_space<vmem>> -> memref<2x2x100xi32, #tpu.memory_space<vmem>>
        %dma_wait3A_228 = arith.constant 0 : i32
        %dma_wait3A_229 = arith.constant 0 : i32
        %dma_wait3A_230 = arith.constant 0 : i32
        %dma_wait3A_231 = tpu.memref_slice %arg3[%add3A, %add3A_210, %dma_wait3A_228, %dma_wait3A_229, %dma_wait3A_230] : memref<32x50x2x2x100xi32, #tpu.memory_space<hbm>> -> memref<1x1x2x2x100xi32, #tpu.memory_space<hbm>>
        %dma_wait3A_232 = tpu.memref_squeeze %dma_wait3A_231 : memref<1x1x2x2x100xi32, #tpu.memory_space<hbm>> -> memref<2x2x100xi32, #tpu.memory_space<hbm>>
        tpu.wait_dma2 semaphore(%dma_wait3A_222 : memref<!tpu.dma_semaphore, #tpu.memory_space<semaphore_mem>>) src(%dma_wait3A_232 : memref<2x2x100xi32, #tpu.memory_space<hbm>>) dst(%dma_wait3A_227 : memref<2x2x100xi32, #tpu.memory_space<vmem>>)
        %dma_wait3A_233 = arith.constant 0 : i32
        %dma_wait3A_234 = arith.constant 1 : i32
        %dma_wait3A_235 = arith.constant 0 : i32
        %dma_wait3A_236 = arith.constant 0 : i32
        %dma_wait3A_237 = arith.constant 0 : i32
        %dma_wait3A_238 = arith.constant 0 : i32
        %dma_wait3A_239 = tpu.memref_slice %arg6[%dma_wait3A_233, %dma_wait3A_237, %dma_wait3A_238] : memref<2x100x128xf32, #tpu.memory_space<vmem>> -> memref<1x100x128xf32, #tpu.memory_space<vmem>>
        %dma_wait3A_240 = tpu.memref_squeeze %dma_wait3A_239 : memref<1x100x128xf32, #tpu.memory_space<vmem>> -> memref<100x128xf32, #tpu.memory_space<vmem>>
        %dma_wait3A_241 = arith.constant 0 : i32
        %dma_wait3A_242 = tpu.memref_slice %arg5[%rem3A_133, %dma_wait3A_234, %dma_wait3A_235, %dma_wait3A_241] : memref<2x2x2x100xi32, #tpu.memory_space<vmem>> -> memref<1x1x1x100xi32, #tpu.memory_space<vmem>>
        %dma_wait3A_243 = tpu.memref_squeeze %dma_wait3A_242 : memref<1x1x1x100xi32, #tpu.memory_space<vmem>> -> memref<100xi32, #tpu.memory_space<vmem>>
        %dma_wait3A_244 = arith.constant 0 : i32
        %dma_wait3A_245 = arith.constant 0 : i32
        %dma_wait3A_246 = tpu.memref_slice %arg8[%dma_wait3A_244, %dma_wait3A_245] : memref<10240x128xf32, #tpu.memory_space<vmem_shared>> -> memref<10240x128xf32, #tpu.memory_space<vmem_shared>>
        %dma_wait3A_247 = tpu.memref_slice %arg11[%dma_wait3A_236] : memref<2x!tpu.dma_semaphore, #tpu.memory_space<semaphore_mem>> -> memref<1x!tpu.dma_semaphore, #tpu.memory_space<semaphore_mem>>
        %dma_wait3A_248 = tpu.memref_squeeze %dma_wait3A_247 : memref<1x!tpu.dma_semaphore, #tpu.memory_space<semaphore_mem>> -> memref<!tpu.dma_semaphore, #tpu.memory_space<semaphore_mem>>
        tpu.wait_indirect_dma semaphore(%dma_wait3A_248 : memref<!tpu.dma_semaphore, #tpu.memory_space<semaphore_mem>>) src(%dma_wait3A_240 : memref<100x128xf32, #tpu.memory_space<vmem>>) dst(%dma_wait3A_246 : memref<10240x128xf32, #tpu.memory_space<vmem_shared>>)
        %dma_wait3A_249 = arith.constant 1 : i32
        %dma_wait3A_250 = arith.constant 1 : i32
        %dma_wait3A_251 = arith.constant 1 : i32
        %dma_wait3A_252 = arith.constant 1 : i32
        %dma_wait3A_253 = arith.constant 0 : i32
        %dma_wait3A_254 = arith.constant 0 : i32
        %dma_wait3A_255 = tpu.memref_slice %arg6[%dma_wait3A_249, %dma_wait3A_253, %dma_wait3A_254] : memref<2x100x128xf32, #tpu.memory_space<vmem>> -> memref<1x100x128xf32, #tpu.memory_space<vmem>>
        %dma_wait3A_256 = tpu.memref_squeeze %dma_wait3A_255 : memref<1x100x128xf32, #tpu.memory_space<vmem>> -> memref<100x128xf32, #tpu.memory_space<vmem>>
        %dma_wait3A_257 = arith.constant 0 : i32
        %dma_wait3A_258 = tpu.memref_slice %arg5[%rem3A_133, %dma_wait3A_250, %dma_wait3A_251, %dma_wait3A_257] : memref<2x2x2x100xi32, #tpu.memory_space<vmem>> -> memref<1x1x1x100xi32, #tpu.memory_space<vmem>>
        %dma_wait3A_259 = tpu.memref_squeeze %dma_wait3A_258 : memref<1x1x1x100xi32, #tpu.memory_space<vmem>> -> memref<100xi32, #tpu.memory_space<vmem>>
        %dma_wait3A_260 = arith.constant 0 : i32
        %dma_wait3A_261 = arith.constant 0 : i32
        %dma_wait3A_262 = tpu.memref_slice %arg8[%dma_wait3A_260, %dma_wait3A_261] : memref<10240x128xf32, #tpu.memory_space<vmem_shared>> -> memref<10240x128xf32, #tpu.memory_space<vmem_shared>>
        %dma_wait3A_263 = tpu.memref_slice %arg11[%dma_wait3A_252] : memref<2x!tpu.dma_semaphore, #tpu.memory_space<semaphore_mem>> -> memref<1x!tpu.dma_semaphore, #tpu.memory_space<semaphore_mem>>
        %dma_wait3A_264 = tpu.memref_squeeze %dma_wait3A_263 : memref<1x!tpu.dma_semaphore, #tpu.memory_space<semaphore_mem>> -> memref<!tpu.dma_semaphore, #tpu.memory_space<semaphore_mem>>
        tpu.wait_indirect_dma semaphore(%dma_wait3A_264 : memref<!tpu.dma_semaphore, #tpu.memory_space<semaphore_mem>>) src(%dma_wait3A_256 : memref<100x128xf32, #tpu.memory_space<vmem>>) dst(%dma_wait3A_262 : memref<10240x128xf32, #tpu.memory_space<vmem_shared>>)
        %dma_start3A_265 = arith.constant 0 : i32
        %dma_start3A_266 = arith.constant 0 : i32
        %dma_start3A_267 = arith.constant 0 : i32
        %dma_start3A_268 = arith.constant 0 : i32
        %dma_start3A_269 = arith.constant 0 : i32
        %dma_start3A_270 = arith.constant 0 : i32
        %dma_start3A_271 = tpu.memref_slice %arg6[%dma_start3A_267, %dma_start3A_269, %dma_start3A_270] : memref<2x100x128xf32, #tpu.memory_space<vmem>> -> memref<1x100x128xf32, #tpu.memory_space<vmem>>
        %dma_start3A_272 = tpu.memref_squeeze %dma_start3A_271 : memref<1x100x128xf32, #tpu.memory_space<vmem>> -> memref<100x128xf32, #tpu.memory_space<vmem>>
        %dma_start3A_273 = arith.constant 0 : i32
        %dma_start3A_274 = tpu.memref_slice %arg5[%sub3A_134, %dma_start3A_265, %dma_start3A_266, %dma_start3A_273] : memref<2x2x2x100xi32, #tpu.memory_space<vmem>> -> memref<1x1x1x100xi32, #tpu.memory_space<vmem>>
        %dma_start3A_275 = tpu.memref_squeeze %dma_start3A_274 : memref<1x1x1x100xi32, #tpu.memory_space<vmem>> -> memref<100xi32, #tpu.memory_space<vmem>>
        %dma_start3A_276 = arith.constant 0 : i32
        %dma_start3A_277 = arith.constant 0 : i32
        %dma_start3A_278 = tpu.memref_slice %arg2[%dma_start3A_276, %dma_start3A_277] : memref<10000x128xf32, #tpu.memory_space<hbm>> -> memref<10000x128xf32, #tpu.memory_space<hbm>>
        %dma_start3A_279 = tpu.memref_slice %arg10[%dma_start3A_268] : memref<2x!tpu.dma_semaphore, #tpu.memory_space<semaphore_mem>> -> memref<1x!tpu.dma_semaphore, #tpu.memory_space<semaphore_mem>>
        %dma_start3A_280 = tpu.memref_squeeze %dma_start3A_279 : memref<1x!tpu.dma_semaphore, #tpu.memory_space<semaphore_mem>> -> memref<!tpu.dma_semaphore, #tpu.memory_space<semaphore_mem>>
        tpu.enqueue_indirect_dma source(%dma_start3A_278 : memref<10000x128xf32, #tpu.memory_space<hbm>>) target(%dma_start3A_272 : memref<100x128xf32, #tpu.memory_space<vmem>>) offsets(%dma_start3A_275 : memref<100xi32, #tpu.memory_space<vmem>>) semaphore(%dma_start3A_280 : memref<!tpu.dma_semaphore, #tpu.memory_space<semaphore_mem>>)
        %dma_start3A_281 = arith.constant 0 : i32
        %dma_start3A_282 = arith.constant 1 : i32
        %dma_start3A_283 = arith.constant 1 : i32
        %dma_start3A_284 = arith.constant 1 : i32
        %dma_start3A_285 = arith.constant 0 : i32
        %dma_start3A_286 = arith.constant 0 : i32
        %dma_start3A_287 = tpu.memref_slice %arg6[%dma_start3A_283, %dma_start3A_285, %dma_start3A_286] : memref<2x100x128xf32, #tpu.memory_space<vmem>> -> memref<1x100x128xf32, #tpu.memory_space<vmem>>
        %dma_start3A_288 = tpu.memref_squeeze %dma_start3A_287 : memref<1x100x128xf32, #tpu.memory_space<vmem>> -> memref<100x128xf32, #tpu.memory_space<vmem>>
        %dma_start3A_289 = arith.constant 0 : i32
        %dma_start3A_290 = tpu.memref_slice %arg5[%sub3A_134, %dma_start3A_281, %dma_start3A_282, %dma_start3A_289] : memref<2x2x2x100xi32, #tpu.memory_space<vmem>> -> memref<1x1x1x100xi32, #tpu.memory_space<vmem>>
        %dma_start3A_291 = tpu.memref_squeeze %dma_start3A_290 : memref<1x1x1x100xi32, #tpu.memory_space<vmem>> -> memref<100xi32, #tpu.memory_space<vmem>>
        %dma_start3A_292 = arith.constant 0 : i32
        %dma_start3A_293 = arith.constant 0 : i32
        %dma_start3A_294 = tpu.memref_slice %arg2[%dma_start3A_292, %dma_start3A_293] : memref<10000x128xf32, #tpu.memory_space<hbm>> -> memref<10000x128xf32, #tpu.memory_space<hbm>>
        %dma_start3A_295 = tpu.memref_slice %arg10[%dma_start3A_284] : memref<2x!tpu.dma_semaphore, #tpu.memory_space<semaphore_mem>> -> memref<1x!tpu.dma_semaphore, #tpu.memory_space<semaphore_mem>>
        %dma_start3A_296 = tpu.memref_squeeze %dma_start3A_295 : memref<1x!tpu.dma_semaphore, #tpu.memory_space<semaphore_mem>> -> memref<!tpu.dma_semaphore, #tpu.memory_space<semaphore_mem>>
        tpu.enqueue_indirect_dma source(%dma_start3A_294 : memref<10000x128xf32, #tpu.memory_space<hbm>>) target(%dma_start3A_288 : memref<100x128xf32, #tpu.memory_space<vmem>>) offsets(%dma_start3A_291 : memref<100xi32, #tpu.memory_space<vmem>>) semaphore(%dma_start3A_296 : memref<!tpu.dma_semaphore, #tpu.memory_space<semaphore_mem>>)
        %add3A_297 = arith.constant 2 : i32
        %add3A_298 = arith.addi %add3A_132, %add3A_297 : i32
        %lt3A_299 = arith.constant 50 : i32
        %lt3A_300 = arith.cmpi slt, %add3A_298, %lt3A_299 : i32
        %convert_element_type3A_301 = arith.extui %lt3A_300 : i1 to i32
        %cond3A_302 = arith.constant 0 : i32
        %cond3A_303 = arith.cmpi ne, %convert_element_type3A_301, %cond3A_302 : i32
        scf.if %cond3A_303 {
          %add3A_304 = arith.constant 2 : i32
          %add3A_305 = arith.addi %add3A_132, %add3A_304 : i32
          %dma_start3A_306 = arith.constant 0 : i32
          %dma_start3A_307 = arith.constant 0 : i32
          %dma_start3A_308 = arith.constant 0 : i32
          %dma_start3A_309 = tpu.memref_slice %arg5[%rem3A_133, %dma_start3A_306, %dma_start3A_307, %dma_start3A_308] : memref<2x2x2x100xi32, #tpu.memory_space<vmem>> -> memref<1x2x2x100xi32, #tpu.memory_space<vmem>>
          %dma_start3A_310 = tpu.memref_squeeze %dma_start3A_309 : memref<1x2x2x100xi32, #tpu.memory_space<vmem>> -> memref<2x2x100xi32, #tpu.memory_space<vmem>>
          %dma_start3A_311 = arith.constant 0 : i32
          %dma_start3A_312 = arith.constant 0 : i32
          %dma_start3A_313 = arith.constant 0 : i32
          %dma_start3A_314 = tpu.memref_slice %arg3[%add3A, %add3A_305, %dma_start3A_311, %dma_start3A_312, %dma_start3A_313] : memref<32x50x2x2x100xi32, #tpu.memory_space<hbm>> -> memref<1x1x2x2x100xi32, #tpu.memory_space<hbm>>
          %dma_start3A_315 = tpu.memref_squeeze %dma_start3A_314 : memref<1x1x2x2x100xi32, #tpu.memory_space<hbm>> -> memref<2x2x100xi32, #tpu.memory_space<hbm>>
          %dma_start3A_316 = tpu.memref_slice %arg9[%rem3A_133] : memref<2x!tpu.dma_semaphore, #tpu.memory_space<semaphore_mem>> -> memref<1x!tpu.dma_semaphore, #tpu.memory_space<semaphore_mem>>
          %dma_start3A_317 = tpu.memref_squeeze %dma_start3A_316 : memref<1x!tpu.dma_semaphore, #tpu.memory_space<semaphore_mem>> -> memref<!tpu.dma_semaphore, #tpu.memory_space<semaphore_mem>>
          %dma_start3A_318 = arith.constant 0 : i32
          %dma_start3A_319 = arith.constant 0 : i32
          %dma_start3A_320 = arith.constant 0 : i32
          %dma_start3A_321 = tpu.memref_slice %arg5[%rem3A_133, %dma_start3A_318, %dma_start3A_319, %dma_start3A_320] : memref<2x2x2x100xi32, #tpu.memory_space<vmem>> -> memref<1x2x2x100xi32, #tpu.memory_space<vmem>>
          %dma_start3A_322 = tpu.memref_squeeze %dma_start3A_321 : memref<1x2x2x100xi32, #tpu.memory_space<vmem>> -> memref<2x2x100xi32, #tpu.memory_space<vmem>>
          %dma_start3A_323 = arith.constant 0 : i32
          %dma_start3A_324 = arith.constant 0 : i32
          %dma_start3A_325 = arith.constant 0 : i32
          %dma_start3A_326 = tpu.memref_slice %arg3[%add3A, %add3A_305, %dma_start3A_323, %dma_start3A_324, %dma_start3A_325] : memref<32x50x2x2x100xi32, #tpu.memory_space<hbm>> -> memref<1x1x2x2x100xi32, #tpu.memory_space<hbm>>
          %dma_start3A_327 = tpu.memref_squeeze %dma_start3A_326 : memref<1x1x2x2x100xi32, #tpu.memory_space<hbm>> -> memref<2x2x100xi32, #tpu.memory_space<hbm>>
          tpu.enqueue_dma source(%dma_start3A_327 : memref<2x2x100xi32, #tpu.memory_space<hbm>>) target(%dma_start3A_322 : memref<2x2x100xi32, #tpu.memory_space<vmem>>) target_semaphore(%dma_start3A_317 : memref<!tpu.dma_semaphore, #tpu.memory_space<semaphore_mem>>)
        } else {
        }
      } else {
      }
      %add3A_203 = arith.constant 1 : i32
      %add3A_204 = arith.addi %add3A_132, %add3A_203 : i32
      %ge3A = arith.constant 50 : i32
      %ge3A_205 = arith.cmpi sge, %add3A_204, %ge3A : i32
      %convert_element_type3A_206 = arith.extui %ge3A_205 : i1 to i32
      %cond3A_207 = arith.constant 0 : i32
      %cond3A_208 = arith.cmpi ne, %convert_element_type3A_206, %cond3A_207 : i32
      scf.if %cond3A_208 {
        %dma_wait3A_209 = arith.constant 0 : i32
        %dma_wait3A_210 = arith.constant 1 : i32
        %dma_wait3A_211 = arith.constant 0 : i32
        %dma_wait3A_212 = arith.constant 0 : i32
        %dma_wait3A_213 = arith.constant 0 : i32
        %dma_wait3A_214 = arith.constant 0 : i32
        %dma_wait3A_215 = tpu.memref_slice %arg6[%dma_wait3A_209, %dma_wait3A_213, %dma_wait3A_214] : memref<2x100x128xf32, #tpu.memory_space<vmem>> -> memref<1x100x128xf32, #tpu.memory_space<vmem>>
        %dma_wait3A_216 = tpu.memref_squeeze %dma_wait3A_215 : memref<1x100x128xf32, #tpu.memory_space<vmem>> -> memref<100x128xf32, #tpu.memory_space<vmem>>
        %dma_wait3A_217 = arith.constant 0 : i32
        %dma_wait3A_218 = tpu.memref_slice %arg5[%rem3A_133, %dma_wait3A_210, %dma_wait3A_211, %dma_wait3A_217] : memref<2x2x2x100xi32, #tpu.memory_space<vmem>> -> memref<1x1x1x100xi32, #tpu.memory_space<vmem>>
        %dma_wait3A_219 = tpu.memref_squeeze %dma_wait3A_218 : memref<1x1x1x100xi32, #tpu.memory_space<vmem>> -> memref<100xi32, #tpu.memory_space<vmem>>
        %dma_wait3A_220 = arith.constant 0 : i32
        %dma_wait3A_221 = arith.constant 0 : i32
        %dma_wait3A_222 = tpu.memref_slice %arg8[%dma_wait3A_220, %dma_wait3A_221] : memref<10240x128xf32, #tpu.memory_space<vmem_shared>> -> memref<10240x128xf32, #tpu.memory_space<vmem_shared>>
        %dma_wait3A_223 = tpu.memref_slice %arg11[%dma_wait3A_212] : memref<2x!tpu.dma_semaphore, #tpu.memory_space<semaphore_mem>> -> memref<1x!tpu.dma_semaphore, #tpu.memory_space<semaphore_mem>>
        %dma_wait3A_224 = tpu.memref_squeeze %dma_wait3A_223 : memref<1x!tpu.dma_semaphore, #tpu.memory_space<semaphore_mem>> -> memref<!tpu.dma_semaphore, #tpu.memory_space<semaphore_mem>>
        tpu.wait_indirect_dma semaphore(%dma_wait3A_224 : memref<!tpu.dma_semaphore, #tpu.memory_space<semaphore_mem>>) src(%dma_wait3A_216 : memref<100x128xf32, #tpu.memory_space<vmem>>) dst(%dma_wait3A_222 : memref<10240x128xf32, #tpu.memory_space<vmem_shared>>)
        %dma_wait3A_225 = arith.constant 1 : i32
        %dma_wait3A_226 = arith.constant 1 : i32
        %dma_wait3A_227 = arith.constant 1 : i32
        %dma_wait3A_228 = arith.constant 1 : i32
        %dma_wait3A_229 = arith.constant 0 : i32
        %dma_wait3A_230 = arith.constant 0 : i32
        %dma_wait3A_231 = tpu.memref_slice %arg6[%dma_wait3A_225, %dma_wait3A_229, %dma_wait3A_230] : memref<2x100x128xf32, #tpu.memory_space<vmem>> -> memref<1x100x128xf32, #tpu.memory_space<vmem>>
        %dma_wait3A_232 = tpu.memref_squeeze %dma_wait3A_231 : memref<1x100x128xf32, #tpu.memory_space<vmem>> -> memref<100x128xf32, #tpu.memory_space<vmem>>
        %dma_wait3A_233 = arith.constant 0 : i32
        %dma_wait3A_234 = tpu.memref_slice %arg5[%rem3A_133, %dma_wait3A_226, %dma_wait3A_227, %dma_wait3A_233] : memref<2x2x2x100xi32, #tpu.memory_space<vmem>> -> memref<1x1x1x100xi32, #tpu.memory_space<vmem>>
        %dma_wait3A_235 = tpu.memref_squeeze %dma_wait3A_234 : memref<1x1x1x100xi32, #tpu.memory_space<vmem>> -> memref<100xi32, #tpu.memory_space<vmem>>
        %dma_wait3A_236 = arith.constant 0 : i32
        %dma_wait3A_237 = arith.constant 0 : i32
        %dma_wait3A_238 = tpu.memref_slice %arg8[%dma_wait3A_236, %dma_wait3A_237] : memref<10240x128xf32, #tpu.memory_space<vmem_shared>> -> memref<10240x128xf32, #tpu.memory_space<vmem_shared>>
        %dma_wait3A_239 = tpu.memref_slice %arg11[%dma_wait3A_228] : memref<2x!tpu.dma_semaphore, #tpu.memory_space<semaphore_mem>> -> memref<1x!tpu.dma_semaphore, #tpu.memory_space<semaphore_mem>>
        %dma_wait3A_240 = tpu.memref_squeeze %dma_wait3A_239 : memref<1x!tpu.dma_semaphore, #tpu.memory_space<semaphore_mem>> -> memref<!tpu.dma_semaphore, #tpu.memory_space<semaphore_mem>>
        tpu.wait_indirect_dma semaphore(%dma_wait3A_240 : memref<!tpu.dma_semaphore, #tpu.memory_space<semaphore_mem>>) src(%dma_wait3A_232 : memref<100x128xf32, #tpu.memory_space<vmem>>) dst(%dma_wait3A_238 : memref<10240x128xf32, #tpu.memory_space<vmem_shared>>)
      } else {
      }
    }
    %scan3A_121 = arith.constant 50 : i32
    %barrier3A_122 = arith.constant 0 : index
    tpu.barrier barrier_id(%barrier3A_122)
    %scan3A_123 = arith.constant 0 : i32
    %scan3A_124 = arith.constant 5 : i32
    %scan3A_125 = arith.addi %scan3A_123, %scan3A_124 : i32
    %scan3A_126 = arith.constant 1 : i32
    scf.for %scan3A_128 = %scan3A_123 to %scan3A_125 step %scan3A_126  : i32 {
      %mul3A_129 = arith.constant 1 : i32
      %mul3A_130 = arith.muli %scan3A_128, %mul3A_129 : i32
      %add3A_131 = arith.constant 0 : i32
      %add3A_132 = arith.addi %add3A_131, %mul3A_130 : i32
      %mul3A_133 = arith.constant 640 : i32
      %mul3A_134 = arith.muli %arg1, %mul3A_133 : i32
      %mul3A_135 = arith.constant 128 : i32
      %mul3A_136 = arith.muli %add3A_132, %mul3A_135 : i32
      %add3A_137 = arith.addi %mul3A_134, %mul3A_136 : i32
      "tpu.region"() ({
        %run_scoped3A = tpu.sem_alloc : memref<!tpu.dma_semaphore, #tpu.memory_space<semaphore_mem>>
        %dma_start3A_138 = arith.constant 0 : i32
        %dma_start3A_139 = tpu.memref_slice %arg4[%arg0, %add3A_137, %dma_start3A_138] : memref<2x10240x128xf32, #tpu.memory_space<hbm>> -> memref<1x128x128xf32, #tpu.memory_space<hbm>>
        %dma_start3A_140 = tpu.memref_squeeze %dma_start3A_139 : memref<1x128x128xf32, #tpu.memory_space<hbm>> -> memref<128x128xf32, #tpu.memory_space<hbm>>
        %dma_start3A_141 = arith.constant 0 : i32
        %dma_start3A_142 = tpu.memref_slice %arg8[%add3A_137, %dma_start3A_141] : memref<10240x128xf32, #tpu.memory_space<vmem_shared>> -> memref<128x128xf32, #tpu.memory_space<vmem_shared>>
        tpu.enqueue_dma source(%dma_start3A_142 : memref<128x128xf32, #tpu.memory_space<vmem_shared>>) target(%dma_start3A_140 : memref<128x128xf32, #tpu.memory_space<hbm>>) target_semaphore(%run_scoped3A : memref<!tpu.dma_semaphore, #tpu.memory_space<semaphore_mem>>)
        %dma_wait3A_143 = arith.constant 0 : i32
        %dma_wait3A_144 = tpu.memref_slice %arg4[%arg0, %add3A_137, %dma_wait3A_143] : memref<2x10240x128xf32, #tpu.memory_space<hbm>> -> memref<1x128x128xf32, #tpu.memory_space<hbm>>
        %dma_wait3A_145 = tpu.memref_squeeze %dma_wait3A_144 : memref<1x128x128xf32, #tpu.memory_space<hbm>> -> memref<128x128xf32, #tpu.memory_space<hbm>>
        %dma_wait3A_146 = arith.constant 0 : i32
        %dma_wait3A_147 = tpu.memref_slice %arg8[%add3A_137, %dma_wait3A_146] : memref<10240x128xf32, #tpu.memory_space<vmem_shared>> -> memref<128x128xf32, #tpu.memory_space<vmem_shared>>
        tpu.wait_dma2 semaphore(%run_scoped3A : memref<!tpu.dma_semaphore, #tpu.memory_space<semaphore_mem>>) src(%dma_wait3A_147 : memref<128x128xf32, #tpu.memory_space<vmem_shared>>) dst(%dma_wait3A_145 : memref<128x128xf32, #tpu.memory_space<hbm>>)
        tpu.yield
      }) : () -> ()
    }
    %scan3A_127 = arith.constant 5 : i32
    return
  }
}

module attributes {stable_mosaic.version = 14 : i64} {
  func.func @_scale_mm_body(%arg0: i32, %arg1: memref<2x400x16xf32, #tpu.memory_space<vmem>>, %arg2: memref<400x128xf32, #tpu.memory_space<vmem>>, %arg3: memref<128x128xf32, #tpu.memory_space<vmem>>, %arg4: memref<400x128xf32, #tpu.memory_space<vmem>>) attributes {dimension_semantics = [#tpu.dimension_semantics<arbitrary>], iteration_bounds = array<i64: 25>, scalar_prefetch = 0 : i64, scratch_operands = 0 : i64, tpu.core_type = #tpu.core_type<tc>, window_params = [{transform_indices = @transform_0, window_bounds = array<i64: 2, 400, 16>}, {transform_indices = @transform_1, window_bounds = array<i64: 400, 128>}, {pipeline_mode = #tpu.pipeline_mode<synchronous>, transform_indices = @transform_2, window_bounds = array<i64: 128, 128>}, {transform_indices = @transform_3, window_bounds = array<i64: 400, 128>}]} {
    %get3A = arith.constant 0 : index
    %get3A_0 = arith.constant 0 : index
    %get3A_1 = vector.load %arg2[%get3A, %get3A_0] : memref<400x128xf32, #tpu.memory_space<vmem>>, vector<400x128xf32>
    %get3A_2 = arith.constant 0 : index
    %get3A_3 = arith.constant 0 : index
    %get3A_4 = vector.load %arg3[%get3A_2, %get3A_3] : memref<128x128xf32, #tpu.memory_space<vmem>>, vector<128x128xf32>
    %dot_general3A = arith.constant dense<0.000000e+00> : vector<400x128xf32>
    %dot_general3A_5 = tpu.matmul %get3A_1, %get3A_4, %dot_general3A {dimension_numbers = #tpu.dot_dimension_numbers<[1], [0], [0], [1], [0, 0, 1, 1], [], []>, transpose_lhs_hint = false} : vector<400x128xf32>, vector<128x128xf32>, vector<400x128xf32> -> vector<400x128xf32>
    %get3A_6 = arith.constant 0 : index
    %get3A_7 = arith.constant 0 : index
    %get3A_8 = arith.constant 0 : index
    %get3A_9 = vector.load %arg1[%get3A_6, %get3A_7, %get3A_8] : memref<2x400x16xf32, #tpu.memory_space<vmem>>, vector<1x400x1xf32>
    %get3A_10 = vector.shape_cast %get3A_9 : vector<1x400x1xf32> to vector<400x1xf32>
    %get3A_11 = arith.constant 1 : index
    %get3A_12 = arith.constant 0 : index
    %get3A_13 = arith.constant 0 : index
    %get3A_14 = vector.load %arg1[%get3A_11, %get3A_12, %get3A_13] : memref<2x400x16xf32, #tpu.memory_space<vmem>>, vector<1x400x1xf32>
    %get3A_15 = vector.shape_cast %get3A_14 : vector<1x400x1xf32> to vector<400x1xf32>
    %add3A = arith.addf %get3A_10, %get3A_15 : vector<400x1xf32>
    %add3A_16 = arith.constant 1.000000e+00 : f32
    %add3A_17 = vector.broadcast %add3A_16 : f32 to vector<400x1xf32>
    %add3A_18 = arith.addf %add3A, %add3A_17 : vector<400x1xf32>
    %rsqrt3A = math.rsqrt %add3A_18 : vector<400x1xf32>
    %mul3A = vector.broadcast %rsqrt3A : vector<400x1xf32> to vector<400x128xf32>
    %mul3A_19 = arith.mulf %dot_general3A_5, %mul3A : vector<400x128xf32>
    %swap3A = arith.constant 0 : index
    %swap3A_20 = arith.constant 0 : index
    %swap3A_21 = vector.load %arg4[%swap3A, %swap3A_20] : memref<400x128xf32, #tpu.memory_space<vmem>>, vector<400x128xf32>
    tpu.vector_store %arg4[%swap3A, %swap3A_20], %mul3A_19 {strides = array<i32>} : memref<400x128xf32, #tpu.memory_space<vmem>>, vector<400x128xf32>,
    return
  }
  func.func @transform_0(%arg0: i32) -> (i32, i32, i32) {
    %c0_i32 = arith.constant 0 : i32
    %c0_i32_0 = arith.constant 0 : i32
    %c0_i32_1 = arith.constant 0 : i32
    return %c0_i32, %arg0, %c0_i32_0 : i32, i32, i32
  }
  func.func @transform_1(%arg0: i32) -> (i32, i32) {
    %c0_i32 = arith.constant 0 : i32
    %c0_i32_0 = arith.constant 0 : i32
    return %arg0, %c0_i32 : i32, i32
  }
  func.func @transform_2(%arg0: i32) -> (i32, i32) {
    %c0_i32 = arith.constant 0 : i32
    %c0_i32_0 = arith.constant 0 : i32
    %c0_i32_1 = arith.constant 0 : i32
    return %c0_i32, %c0_i32_0 : i32, i32
  }
  func.func @transform_3(%arg0: i32) -> (i32, i32) {
    %c0_i32 = arith.constant 0 : i32
    %c0_i32_0 = arith.constant 0 : i32
    return %arg0, %c0_i32 : i32, i32
  }
}

module attributes {stable_mosaic.version = 14 : i64} {
  func.func @_combine_mm_body(%arg0: i32, %arg1: memref<2x400x16xf32, #tpu.memory_space<vmem>>, %arg2: memref<2x400x128xf32, #tpu.memory_space<vmem>>, %arg3: memref<400x128xf32, #tpu.memory_space<vmem>>, %arg4: memref<1x128xf32, #tpu.memory_space<vmem>>, %arg5: memref<128x128xf32, #tpu.memory_space<vmem>>, %arg6: memref<400x128xf32, #tpu.memory_space<vmem>>) attributes {dimension_semantics = [#tpu.dimension_semantics<arbitrary>], iteration_bounds = array<i64: 25>, scalar_prefetch = 0 : i64, scratch_operands = 0 : i64, tpu.core_type = #tpu.core_type<tc>, window_params = [{transform_indices = @transform_0, window_bounds = array<i64: 2, 400, 16>}, {transform_indices = @transform_1, window_bounds = array<i64: 2, 400, 128>}, {transform_indices = @transform_2, window_bounds = array<i64: 400, 128>}, {pipeline_mode = #tpu.pipeline_mode<synchronous>, transform_indices = @transform_3, window_bounds = array<i64: 1, 128>}, {pipeline_mode = #tpu.pipeline_mode<synchronous>, transform_indices = @transform_4, window_bounds = array<i64: 128, 128>}, {transform_indices = @transform_5, window_bounds = array<i64: 400, 128>}]} {
    %get3A = arith.constant 0 : index
    %get3A_0 = arith.constant 0 : index
    %get3A_1 = arith.constant 0 : index
    %get3A_2 = vector.load %arg1[%get3A, %get3A_0, %get3A_1] : memref<2x400x16xf32, #tpu.memory_space<vmem>>, vector<1x400x1xf32>
    %get3A_3 = vector.shape_cast %get3A_2 : vector<1x400x1xf32> to vector<400x1xf32>
    %get3A_4 = arith.constant 1 : index
    %get3A_5 = arith.constant 0 : index
    %get3A_6 = arith.constant 0 : index
    %get3A_7 = vector.load %arg1[%get3A_4, %get3A_5, %get3A_6] : memref<2x400x16xf32, #tpu.memory_space<vmem>>, vector<1x400x1xf32>
    %get3A_8 = vector.shape_cast %get3A_7 : vector<1x400x1xf32> to vector<400x1xf32>
    %add3A = arith.addf %get3A_3, %get3A_8 : vector<400x1xf32>
    %add3A_9 = arith.constant 1.000000e+00 : f32
    %add3A_10 = vector.broadcast %add3A_9 : f32 to vector<400x1xf32>
    %add3A_11 = arith.addf %add3A, %add3A_10 : vector<400x1xf32>
    %rsqrt3A = math.rsqrt %add3A_11 : vector<400x1xf32>
    %get3A_12 = arith.constant 0 : index
    %get3A_13 = arith.constant 0 : index
    %get3A_14 = arith.constant 0 : index
    %get3A_15 = vector.load %arg2[%get3A_12, %get3A_13, %get3A_14] : memref<2x400x128xf32, #tpu.memory_space<vmem>>, vector<1x400x128xf32>
    %get3A_16 = vector.shape_cast %get3A_15 : vector<1x400x128xf32> to vector<400x128xf32>
    %get3A_17 = arith.constant 1 : index
    %get3A_18 = arith.constant 0 : index
    %get3A_19 = arith.constant 0 : index
    %get3A_20 = vector.load %arg2[%get3A_17, %get3A_18, %get3A_19] : memref<2x400x128xf32, #tpu.memory_space<vmem>>, vector<1x400x128xf32>
    %get3A_21 = vector.shape_cast %get3A_20 : vector<1x400x128xf32> to vector<400x128xf32>
    %add3A_22 = arith.addf %get3A_16, %get3A_21 : vector<400x128xf32>
    %get3A_23 = arith.constant 0 : index
    %get3A_24 = arith.constant 0 : index
    %get3A_25 = vector.load %arg3[%get3A_23, %get3A_24] : memref<400x128xf32, #tpu.memory_space<vmem>>, vector<400x128xf32>
    %add3A_26 = arith.addf %add3A_22, %get3A_25 : vector<400x128xf32>
    %mul3A = vector.broadcast %rsqrt3A : vector<400x1xf32> to vector<400x128xf32>
    %mul3A_27 = arith.mulf %mul3A, %add3A_26 : vector<400x128xf32>
    %get3A_28 = arith.constant 0 : index
    %get3A_29 = arith.constant 0 : index
    %get3A_30 = vector.load %arg4[%get3A_28, %get3A_29] : memref<1x128xf32, #tpu.memory_space<vmem>>, vector<1x128xf32>
    %add3A_31 = vector.broadcast %get3A_30 : vector<1x128xf32> to vector<400x128xf32>
    %add3A_32 = arith.addf %mul3A_27, %add3A_31 : vector<400x128xf32>
    %get3A_33 = arith.constant 0 : index
    %get3A_34 = arith.constant 0 : index
    %get3A_35 = vector.load %arg5[%get3A_33, %get3A_34] : memref<128x128xf32, #tpu.memory_space<vmem>>, vector<128x128xf32>
    %dot_general3A = arith.constant dense<0.000000e+00> : vector<400x128xf32>
    %dot_general3A_36 = tpu.matmul %add3A_32, %get3A_35, %dot_general3A {dimension_numbers = #tpu.dot_dimension_numbers<[1], [0], [0], [1], [0, 0, 1, 1], [], []>, transpose_lhs_hint = false} : vector<400x128xf32>, vector<128x128xf32>, vector<400x128xf32> -> vector<400x128xf32>
    %mul3A_37 = vector.broadcast %rsqrt3A : vector<400x1xf32> to vector<400x128xf32>
    %mul3A_38 = arith.mulf %dot_general3A_36, %mul3A_37 : vector<400x128xf32>
    %swap3A = arith.constant 0 : index
    %swap3A_39 = arith.constant 0 : index
    %swap3A_40 = vector.load %arg6[%swap3A, %swap3A_39] : memref<400x128xf32, #tpu.memory_space<vmem>>, vector<400x128xf32>
    tpu.vector_store %arg6[%swap3A, %swap3A_39], %mul3A_38 {strides = array<i32>} : memref<400x128xf32, #tpu.memory_space<vmem>>, vector<400x128xf32>,
    return
  }
  func.func @transform_0(%arg0: i32) -> (i32, i32, i32) {
    %c0_i32 = arith.constant 0 : i32
    %c0_i32_0 = arith.constant 0 : i32
    %c0_i32_1 = arith.constant 0 : i32
    return %c0_i32, %arg0, %c0_i32_0 : i32, i32, i32
  }
  func.func @transform_1(%arg0: i32) -> (i32, i32, i32) {
    %c0_i32 = arith.constant 0 : i32
    %c0_i32_0 = arith.constant 0 : i32
    %c0_i32_1 = arith.constant 0 : i32
    return %c0_i32, %arg0, %c0_i32_0 : i32, i32, i32
  }
  func.func @transform_2(%arg0: i32) -> (i32, i32) {
    %c0_i32 = arith.constant 0 : i32
    %c0_i32_0 = arith.constant 0 : i32
    return %arg0, %c0_i32 : i32, i32
  }
  func.func @transform_3(%arg0: i32) -> (i32, i32) {
    %c0_i32 = arith.constant 0 : i32
    %c0_i32_0 = arith.constant 0 : i32
    %c0_i32_1 = arith.constant 0 : i32
    return %c0_i32, %c0_i32_0 : i32, i32
  }
  func.func @transform_4(%arg0: i32) -> (i32, i32) {
    %c0_i32 = arith.constant 0 : i32
    %c0_i32_0 = arith.constant 0 : i32
    %c0_i32_1 = arith.constant 0 : i32
    return %c0_i32, %c0_i32_0 : i32, i32
  }
  func.func @transform_5(%arg0: i32) -> (i32, i32) {
    %c0_i32 = arith.constant 0 : i32
    %c0_i32_0 = arith.constant 0 : i32
    return %arg0, %c0_i32 : i32, i32
  }
}

module attributes {stable_mosaic.version = 14 : i64} {
  func.func @_combine_body(%arg0: i32, %arg1: memref<2x400x16xf32, #tpu.memory_space<vmem>>, %arg2: memref<2x400x128xf32, #tpu.memory_space<vmem>>, %arg3: memref<400x128xf32, #tpu.memory_space<vmem>>, %arg4: memref<1x128xf32, #tpu.memory_space<vmem>>, %arg5: memref<400x128xf32, #tpu.memory_space<vmem>>) attributes {dimension_semantics = [#tpu.dimension_semantics<arbitrary>], iteration_bounds = array<i64: 25>, scalar_prefetch = 0 : i64, scratch_operands = 0 : i64, tpu.core_type = #tpu.core_type<tc>, window_params = [{transform_indices = @transform_0, window_bounds = array<i64: 2, 400, 16>}, {transform_indices = @transform_1, window_bounds = array<i64: 2, 400, 128>}, {transform_indices = @transform_2, window_bounds = array<i64: 400, 128>}, {pipeline_mode = #tpu.pipeline_mode<synchronous>, transform_indices = @transform_3, window_bounds = array<i64: 1, 128>}, {transform_indices = @transform_4, window_bounds = array<i64: 400, 128>}]} {
    %get3A = arith.constant 0 : index
    %get3A_0 = arith.constant 0 : index
    %get3A_1 = arith.constant 0 : index
    %get3A_2 = vector.load %arg1[%get3A, %get3A_0, %get3A_1] : memref<2x400x16xf32, #tpu.memory_space<vmem>>, vector<1x400x1xf32>
    %get3A_3 = vector.shape_cast %get3A_2 : vector<1x400x1xf32> to vector<400x1xf32>
    %get3A_4 = arith.constant 1 : index
    %get3A_5 = arith.constant 0 : index
    %get3A_6 = arith.constant 0 : index
    %get3A_7 = vector.load %arg1[%get3A_4, %get3A_5, %get3A_6] : memref<2x400x16xf32, #tpu.memory_space<vmem>>, vector<1x400x1xf32>
    %get3A_8 = vector.shape_cast %get3A_7 : vector<1x400x1xf32> to vector<400x1xf32>
    %add3A = arith.addf %get3A_3, %get3A_8 : vector<400x1xf32>
    %add3A_9 = arith.constant 1.000000e+00 : f32
    %add3A_10 = vector.broadcast %add3A_9 : f32 to vector<400x1xf32>
    %add3A_11 = arith.addf %add3A, %add3A_10 : vector<400x1xf32>
    %rsqrt3A = math.rsqrt %add3A_11 : vector<400x1xf32>
    %get3A_12 = arith.constant 0 : index
    %get3A_13 = arith.constant 0 : index
    %get3A_14 = arith.constant 0 : index
    %get3A_15 = vector.load %arg2[%get3A_12, %get3A_13, %get3A_14] : memref<2x400x128xf32, #tpu.memory_space<vmem>>, vector<1x400x128xf32>
    %get3A_16 = vector.shape_cast %get3A_15 : vector<1x400x128xf32> to vector<400x128xf32>
    %get3A_17 = arith.constant 1 : index
    %get3A_18 = arith.constant 0 : index
    %get3A_19 = arith.constant 0 : index
    %get3A_20 = vector.load %arg2[%get3A_17, %get3A_18, %get3A_19] : memref<2x400x128xf32, #tpu.memory_space<vmem>>, vector<1x400x128xf32>
    %get3A_21 = vector.shape_cast %get3A_20 : vector<1x400x128xf32> to vector<400x128xf32>
    %add3A_22 = arith.addf %get3A_16, %get3A_21 : vector<400x128xf32>
    %get3A_23 = arith.constant 0 : index
    %get3A_24 = arith.constant 0 : index
    %get3A_25 = vector.load %arg3[%get3A_23, %get3A_24] : memref<400x128xf32, #tpu.memory_space<vmem>>, vector<400x128xf32>
    %add3A_26 = arith.addf %add3A_22, %get3A_25 : vector<400x128xf32>
    %mul3A = vector.broadcast %rsqrt3A : vector<400x1xf32> to vector<400x128xf32>
    %mul3A_27 = arith.mulf %mul3A, %add3A_26 : vector<400x128xf32>
    %get3A_28 = arith.constant 0 : index
    %get3A_29 = arith.constant 0 : index
    %get3A_30 = vector.load %arg4[%get3A_28, %get3A_29] : memref<1x128xf32, #tpu.memory_space<vmem>>, vector<1x128xf32>
    %add3A_31 = vector.broadcast %get3A_30 : vector<1x128xf32> to vector<400x128xf32>
    %add3A_32 = arith.addf %mul3A_27, %add3A_31 : vector<400x128xf32>
    %swap3A = arith.constant 0 : index
    %swap3A_33 = arith.constant 0 : index
    %swap3A_34 = vector.load %arg5[%swap3A, %swap3A_33] : memref<400x128xf32, #tpu.memory_space<vmem>>, vector<400x128xf32>
    tpu.vector_store %arg5[%swap3A, %swap3A_33], %add3A_32 {strides = array<i32>} : memref<400x128xf32, #tpu.memory_space<vmem>>, vector<400x128xf32>,
    return
  }
  func.func @transform_0(%arg0: i32) -> (i32, i32, i32) {
    %c0_i32 = arith.constant 0 : i32
    %c0_i32_0 = arith.constant 0 : i32
    %c0_i32_1 = arith.constant 0 : i32
    return %c0_i32, %arg0, %c0_i32_0 : i32, i32, i32
  }
  func.func @transform_1(%arg0: i32) -> (i32, i32, i32) {
    %c0_i32 = arith.constant 0 : i32
    %c0_i32_0 = arith.constant 0 : i32
    %c0_i32_1 = arith.constant 0 : i32
    return %c0_i32, %arg0, %c0_i32_0 : i32, i32, i32
  }
  func.func @transform_2(%arg0: i32) -> (i32, i32) {
    %c0_i32 = arith.constant 0 : i32
    %c0_i32_0 = arith.constant 0 : i32
    return %arg0, %c0_i32 : i32, i32
  }
  func.func @transform_3(%arg0: i32) -> (i32, i32) {
    %c0_i32 = arith.constant 0 : i32
    %c0_i32_0 = arith.constant 0 : i32
    %c0_i32_1 = arith.constant 0 : i32
    return %c0_i32, %c0_i32_0 : i32, i32
  }
  func.func @transform_4(%arg0: i32) -> (i32, i32) {
    %c0_i32 = arith.constant 0 : i32
    %c0_i32_0 = arith.constant 0 : i32
    return %arg0, %c0_i32 : i32, i32
  }
}

</mosaic_0001>

<sc_bundles>
// kernel: kernel.11.cloned.1.call-start
scs
__scs_entry_jumppad:
0x0: {  	(pc) =	sbr.rel $0x88, $3  }
0x1: {  	(tag) =	ssettag $0x0;
	lr =	simm.s32 $0x1  }
0x2: {  	[smem:$0x3F9B] =	sst lr;
	_ =	strace $0xD0000000  }
0x3: {  	_ = 	snop  }
0x4: {  	_ = 	snop  }
0x5: {  	_ = 	snop  }
0x6: {  	_ = 	snop  }
0x7: {  	_ = 	snop  }
__scs_overlays_trampoline_lowered:
0x8: {  	[smem:$0x3FAA] =	sst s0  }
0x9: {  	[smem:$0x3FAB] =	sst s1  }
0xa: {  	[smem:$0x3FAC] =	sst s2  }
0xb: {  	[smem:$0x3FAD] =	sst s3  }
0xc: {  	[smem:$0x3FAE] =	sst s4  }
0xd: {  	[smem:$0x3FAF] =	sst s5  }
0xe: {  	[smem:$0x3FB0] =	sst s6  }
0xf: {  	[smem:$0x3FB1] =	sst s7  }
0x10: {  	[smem:$0x3FB2] =	sst s8  }
0x11: {  	[smem:$0x3FB3] =	sst s9;
	s0 =	simm.s32 @!p0 $0x0  }
0x12: {  	s1 =	sld [smem:$0x3F99];
	s0 =	simm.s32 @p0 $0x1  }
0x13: {  	[smem:$0x3FB4] =	sst s0;
	s0 =	simm.s32 @!p1 $0x0  }
0x14: {  	s2 =	sld [smem:$0x3F98];
	s0 =	simm.s32 @p1 $0x1  }
0x15: {  	[smem:$0x3FB5] =	sst s0;
	s0 =	simm.s32 @!p2 $0x0  }
0x16: {  	s3 =	sld [smem:$0x3FDB];
	s0 =	simm.s32 @p2 $0x1  }
0x17: {  	s4 =	simm.s32 $0x1BF5;
	[smem:$0x3FB7] =	sst s0  }
0x18: {  	s0 =	sld [smem:$0x3F9A];
	_ =	swait.ge [sflag:s4], $0x0  }
0x19: {  	s7 =	sld [smem:$0x3F9B]  }
0x1a: {  	s8 =	sadd.s32 $0xFFFFE003, lr  }
0x1b: {  	s9 =	sadd.s32 $0xFFFFFEF7, lr;
	s5 =	simm.s32 $0xFFFFFFFF;
	p2 =	slt.u32 s8, $0xFFFFF086  }
0x1c: {  	p1 =	slt.u32 s9, $0xF7A;
	s5 =	simm.s32 @!p2 $0x0  }
0x1d: {  	s5 =	simm.s32 @p1 $0x1;
	p0 =	seq.s32 s7, s2  }
0x1e: {  	s7 =	smul.u32 @!p0 $0xF7A, s2;
	p2 =	seq.s32 @!p0 s5, $0x0  }
0x1f: {  	s9 =	smul.u32 $0xF7A, s1;
	s8 =	simm.s32 @!p0 $0x1BF5;
	p2 =	por !p2, p0  }
0x20: {  	[sflag:s8] =	ssyncset.s32 @!p0 $0xFFFFF086;
	s6 =	sadd.s32 @!p0 s3, s7;
	s7 =	simm.s32 @!p0 $0x108  }
0x21: {  	s3 =	sadd.s32 s3, s9;
	s6 =	sadd.s32 @!p0 $0x88, s6;
	s7 =	simm.s32 @p2 $0x1082  }
0x22: {  	[simem:s7], [sflag:s8] =	dma.local @!p0 [hbm:s6], $0xF7A  }
0x23: {  	s9 =	sor.u32 $0xD0000000, s2;
	s6 =	simm.s32 $0x108;
	_ =	swait.ge @!p0 [sflag:s8], $0x0  }
0x24: {  	s3 =	sadd.s32 $0x88, s3;
	s6 =	simm.s32 @!p1 $0x1082;
	[sflag:s4] =	ssyncset.s32 $0xFFFFF086  }
0x25: {  	[simem:s6], [sflag:s4] =	dma.local [hbm:s3], $0xF7A  }
0x26: {  	[smem:$0x3F9B] =	sst s1;
	(tag) =	ssettag s2;
	_ =	strace s9  }
0x27: {  	s1 =	sld [smem:$0x3FAB]  }
0x28: {  	s2 =	sld [smem:$0x3FAC]  }
0x29: {  	s4 =	sld [smem:$0x3FAE]  }
0x2a: {  	p0 =	seq.s32 s5, $0x0;
	s5 =	sld [smem:$0x3FAF]  }
0x2b: {  	s6 =	sld [smem:$0x3FB0]  }
0x2c: {  	s7 =	sld [smem:$0x3FB1]  }
0x2d: {  	s3 =	simm.s32 $0x108;
	s8 =	sld [smem:$0x3FB2]  }
0x2e: {  	s3 =	simm.s32 @!p0 $0x1082;
	s9 =	sld [smem:$0x3FB3]  }
0x2f: {  	lr =	sadd.s32 s0, s3;
	s0 =	sld [smem:$0x3FAA]  }
0x30: {  	s3 =	sld [smem:$0x3FAD]  }
0x31: {  	[smem:$0x3FB6] =	sst s10  }
0x32: {  	s10 =	sld [smem:$0x3FB4];
	_ =	sdelay $0x3  }
0x33: {  	p0 =	seq.s32 s10, $0x1;
	s10 =	sld [smem:$0x3FB6];
	_ =	sdelay $0x3  }
0x34: {  	[smem:$0x3FB6] =	sst s10  }
0x35: {  	s10 =	sld [smem:$0x3FB5];
	_ =	sdelay $0x3  }
0x36: {  	p1 =	seq.s32 s10, $0x1;
	s10 =	sld [smem:$0x3FB6];
	_ =	sdelay $0x3  }
0x37: {  	[smem:$0x3FB6] =	sst s10  }
0x38: {  	s10 =	sld [smem:$0x3FB7]  }
0x39: {  	_ = 	snop;
	(pc) =	sbr.ind lr, $3  }
0x3a: {  	_ = 	snop  }
0x3b: {  	_ = 	snop  }
0x3c: {  	p2 =	seq.s32 s10, $0x1;
	s10 =	sld [smem:$0x3FB6]  }
0x3d: {  	_ =	shalt  }
0x3e: {  	_ =	shalt  }
0x3f: {  	_ =	shalt  }
0x40: {  	_ =	shalt  }
0x41: {  	_ =	shalt  }
0x42: {  	_ =	shalt  }
0x43: {  	_ =	shalt  }
0x44: {  	_ =	shalt  }
0x45: {  	_ =	shalt  }
0x46: {  	_ =	shalt  }
0x47: {  	_ =	shalt  }
0x48: {  	_ =	shalt  }
0x49: {  	_ =	shalt  }
0x4a: {  	_ =	shalt  }
0x4b: {  	_ =	shalt  }
0x4c: {  	_ =	shalt  }
0x4d: {  	_ =	shalt  }
0x4e: {  	_ =	shalt  }
0x4f: {  	_ =	shalt  }
0x50: {  	_ =	shalt  }
0x51: {  	_ =	shalt  }
0x52: {  	_ =	shalt  }
0x53: {  	_ =	shalt  }
0x54: {  	_ =	shalt  }
0x55: {  	_ =	shalt  }
0x56: {  	_ =	shalt  }
0x57: {  	_ =	shalt  }
0x58: {  	_ =	shalt  }
0x59: {  	_ =	shalt  }
0x5a: {  	_ =	shalt  }
0x5b: {  	_ =	shalt  }
0x5c: {  	_ =	shalt  }
0x5d: {  	_ =	shalt  }
0x5e: {  	_ =	shalt  }
0x5f: {  	_ =	shalt  }
0x60: {  	_ =	shalt  }
0x61: {  	_ =	shalt  }
0x62: {  	_ =	shalt  }
0x63: {  	_ =	shalt  }
0x64: {  	_ =	shalt  }
0x65: {  	_ =	shalt  }
0x66: {  	_ =	shalt  }
0x67: {  	_ =	shalt  }
0x68: {  	_ =	shalt  }
0x69: {  	_ =	shalt  }
0x6a: {  	_ =	shalt  }
0x6b: {  	_ =	shalt  }
0x6c: {  	_ =	shalt  }
0x6d: {  	_ =	shalt  }
0x6e: {  	_ =	shalt  }
0x6f: {  	_ =	shalt  }
0x70: {  	_ =	shalt  }
0x71: {  	_ =	shalt  }
0x72: {  	_ =	shalt  }
0x73: {  	_ =	shalt  }
0x74: {  	_ =	shalt  }
0x75: {  	_ =	shalt  }
0x76: {  	_ =	shalt  }
0x77: {  	_ =	shalt  }
0x78: {  	_ =	shalt  }
0x79: {  	_ =	shalt  }
0x7a: {  	_ =	shalt  }
0x7b: {  	_ =	shalt  }
0x7c: {  	_ =	shalt  }
0x7d: {  	_ =	shalt  }
0x7e: {  	_ =	shalt  }
0x7f: {  	_ =	shalt  }
0x80: {  	_ =	shalt  }
0x81: {  	_ =	shalt  }
0x82: {  	_ =	shalt  }
0x83: {  	_ =	shalt  }
0x84: {  	_ =	shalt  }
0x85: {  	_ =	shalt  }
0x86: {  	_ =	shalt  }
0x87: {  	_ =	shalt  }
.Lfunc_end0:
.L_simem_size_0:
called_computation.1_lowered:
.L_overlay_start_0:
0x88: {  	s2 =	sld [smem:$0x3FD9]  }
0x89: {  	s3 =	sld [smem:$0x3FFE];
	_ =	sdelay $0x1  }
0x8a: {  	s1 =	srdreg.scid  }
0x8b: {  	s0 =	sand.u32 $0x1, s1  }
0x8c: {  	s17 =	sshll.u32 s0, $0xA;
	s2 =	sadd.s32 s3, s2  }
0x8d: {  	s2 =	sadd.s32 s2, s17  }
0x8e: {  	[smem:$0x3FC2] =	sst s2  }
0x8f: {  	_ = 	snop  }
0x90: {  	s2 =	sld [smem:$0x3FD0];
	(tm) =	ssettm $0x1  }
0x91: {  	s18 =	sld [smem:$0x3FFB];
	_ =	sdelay $0x3  }
0x92: {  	_ =	strace s18  }
0x93: {  	s3 =	sld [smem:$0x3FFC];
	_ =	sdelay $0x3  }
0x94: {  	_ =	strace s3  }
0x95: {  	s3 =	sld [smem:$0x3FFD];
	_ =	sdelay $0x3  }
0x96: {  	_ =	strace s3  }
0x97: {  	_ =	strace $0x8FFFFFFF  }
0x98: {  	s19 =	sld [smem:$0x3FDB];
	_ =	sdelay $0x1  }
0x99: {  	s4 =	simm.s32 $_scs_section_size  }
0x9a: {  	s5 =	simm.s32 $_size__tile_overlayer_lowered;
	s6 =	simm.s32 $_tile_overlayer_lowered  }
0x9b: {  	s22 =	simm.s32 $0x1BFF;
	s21 =	sshll.u32 s6, $0x1;
	s3 =	sadd.s32 s4, s19  }
0x9c: {  	s7 =	simm.s32 $0x0;
	s20 =	sshll.u32 s5, $0x1;
	s5 =	sadd.s32 s21, s3  }
0x9d: {  	[timem:s7], [sflag:s22] =	dma.local [hbm:s5], s20  }
0x9e: {  	_ =	swait.ge [sflag:s22], s20  }
0x9f: {  	s4 =	ssub.s32 $0x0, s20;
	[sflag:s22] =	ssyncset.done $0x0  }
0xa0: {  	[sflag:s22] =	ssyncadd.s32 s4;
	_ =	sdelay $0x1  }
0xa1: {  	s23 =	simm.s32 $0x1B8B  }
0xa2: {  	_ =	swait.ge [sflag:s23], $0x1  }
0xa3: {  	[sflag:s23] =	ssyncset.done $0x0  }
0xa4: {  	s25 =	simm.s32 $0x1B8E;
	s24 =	sld [smem:$0x3FFE];
	[sflag:s23] =	ssyncadd.s32 $0xFFFFFFFF  }
0xa5: {  	s26 =	simm.s32 $execute0_lowered;
	[smem:$0x3FD2] =	sst s25  }
0xa6: {  	s5 =	sshll.u32 s26, $0x1;
	_ =	strace $0x80000049;
	[dreg:$0x1] =	wrdreg $0xFFFFFFFF  }
0xa7: {  	s28 =	simm.s32 $_size_execute0_lowered;
	s3 =	sadd.s32 s3, s5;
	[dreg:$0x0] =	wrdreg $0x0  }
0xa8: {  	s5 =	sshll.u32 s28, $0x1;
	[dreg:$0x2] =	wrdreg s3  }
0xa9: {  	[dreg:$0x3] =	wrdreg s5  }
0xaa: {  	[dreg:$0x4] =	wrdreg $0xC0  }
0xab: {  	_ =	task [dreg:s7], $0x5FFFF  }
0xac: {  	[dreg:$0x1] =	wrdreg $0xFFFFFFFF  }
0xad: {  	[dreg:$0x0] =	wrdreg $0x60  }
0xae: {  	[dreg:$0x2] =	wrdreg s2  }
0xaf: {  	[dreg:$0x3] =	wrdreg s24  }
0xb0: {  	[dreg:$0x4] =	wrdreg $0x74000  }
0xb1: {  	[dreg:$0x5] =	wrdreg $0x9  }
0xb2: {  	_ =	task.clear_ibuf [dreg:s7], $0x6FFFF;
	_ =	strace $0x90000049  }
0xb3: {  	s29 =	simm.s32 $0x9;
	_ =	strace $0x8000004B  }
0xb4: {  	_ =	swait.ge [sflag:s29], $0x1  }
0xb5: {  	[sflag:s29] =	ssyncadd.s32 $0xFFFFFFFF  }
0xb6: {  	_ =	strace $0x9000004B  }
0xb7: {  	_ =	sfence  }
0xb8: {  	s30 =	sld [smem:$0x0];
	_ =	sdelay $0x2  }
0xb9: {  	s31 =	sshll.u32 s1, $0xD;
	s1 =	sshrl.u32 s1, $0x2  }
0xba: {  	s3 =	sand.u32 $0x4000, s31;
	s1 =	sadd.s32 s1, s30  }
0xbb: {  	s0 =	sor.u32 s3, s0;
	s1 =	sshll.u32 s1, $0x11  }
0xbc: {  	s0 =	sor.u32 s1, s0  }
0xbd: {  	s0 =	sadd.s32 $0x8F2B, s0  }
0xbe: {  	[sflag:s0] =	ssyncadd.remote.s32 $0x1  }
0xbf: {  	_ =	sfence.sel $0xFFFF  }
0xc0: {  	[dreg:$0x0] =	wrdreg $0xFFFFFFFF;
	(pc) =	sbr.abs _section_cstart, $3  }
0xc1: {  	[dreg:$0x1] =	wrdreg $0xFFFFFFFF  }
0xc2: {  	_ =	task.clear_ibuf [dreg:s7], $0x2FFFF;
	_ =	strace $0x9FFFFFFF  }
0xc3: {  	(tm) =	ssettm $0x7FFFFFFF  }
tec
execute0_lowered:
.L_overlay_start_1:
0x0: {  	(tag) =	ssettag $0x1  }
0x1: {  	s2 =	rddreg [dreg:$0x0]  }
0x2: {  	s0 =	rddreg [dreg:$0x1]  }
0x3: {  	s3 =	rddreg [dreg:$0x2];
	s1 =	srdreg.scid  }
0x4: {  	s11 =	stileid.u32;
	s4 =	simm.s32 $0x0;
	s17 =	simm.s32 $0x1  }
0x5: {  	s18 =	simm.s32 $0x64;
	s28 =	simm.s32 $0x3;
	s29 =	simm.s32 $0x4  }
0x6: {  	s30 =	simm.s32 $0x5;
	s31 =	simm.s32 $0x6;
	s6 =	smul.u32 $0x50000, s11  }
0x7: {  	s1 =	sand.u32 $0x1, s1;
	s5 =	sshll.u32 s11, $0x1;
	s12 =	smul.u32 $0x14000, s11  }
0x8: {  	[smem:$0x7FF] =	sst s4;
	s9 =	sadd.s32 $0x52A00, s0;
	s15 =	smul.u32 $0xC800, s11  }
0x9: {  	s0 =	sadd.s32 $0x2A00, s0;
	s5 =	sor.u32 s1, s5;
	s8 =	smul.u32 $0x140000, s1  }
0xa: {  	_ =	strace $0x8000004A;
	s19 =	ssub.s32 $0x2, s1;
	s1 =	smul.u32 $0x6400, s1  }
0xb: {  	s7 =	smul.u32 $0x6400, s5;
	s10 =	sshrl.u32 s19, $0x1;
	s20 =	sshrl.u32 s6, $0x2  }
0xc: {  	s24 =	sadd.s32 $0x4000, s12;
	s26 =	sadd.s32 $0x8000, s12;
	s14 =	sadd.s32 $0xC000, s12  }
0xd: {  	s16 =	sadd.s32 $0x10000, s12;
	s10 =	ssub.s32 s19, s10;
	s5 =	sadd.s32 s20, s3  }
0xe: {  	s22 =	sadd.s32 s8, s12;
	s25 =	sadd.s32 s8, s24;
	s20 =	sadd.s32 s26, s3  }
0xf: {  	s1 =	sadd.s32 s1, s15;
	s15 =	simm.s32 $0x6C00;
	s19 =	simm.s32 $0x400  }
0x10: {  	s21 =	sshrl.u32 s7, $0x3;
	s23 =	sshrl.u32 s22, $0x3;
	s10 =	smax.u32 s10, $0x1  }
0x11: {  	s22 =	sadd.s32 s8, s26;
	s1 =	sadd.s32 $0x400, s1;
	s26 =	sadd.s32 s16, s3  }
0x12: {  	s13 =	sadd.s32 s9, s21;
	s6 =	sadd.s32 s0, s23;
	[dreg:$0x7] =	wrdreg s10  }
0x13: {  	s10 =	sadd.s32 s24, s3;
	s7 =	sshrl.u32 s22, $0x3;
	s23 =	sadd.s32 s8, s14  }
0x14: {  	s24 =	sadd.s32 s8, s16;
	s1 =	sshrl.u32 s1, $0x3;
	s16 =	simm.s32 $0x7  }
0x15: {  	s21 =	simm.s32 $0x3800;
	[dreg:$0x4] =	wrdreg s13;
	s13 =	sadd.s32 $0x40, s13  }
0x16: {  	[dreg:$0x6] =	wrdreg s6;
	s6 =	sshrl.u32 s25, $0x3;
	s7 =	sadd.s32 s0, s7  }
0x17: {  	s25 =	sadd.s32 s14, s3;
	s9 =	sadd.s32 s1, s9;
	s22 =	sshrl.u32 s10, $0x3  }
0x18: {  	s1 =	simm.s32 $0x0;
	[dreg:$0x5] =	wrdreg s13;
	s6 =	sadd.s32 s0, s6  }
0x19: {  	[dreg:$0x9] =	wrdreg s7;
	s7 =	sshrl.u32 s23, $0x3;
	s23 =	sshrl.u32 s20, $0x3  }
0x1a: {  	s20 =	simm.s32 $0x2;
	[dreg:$0x8] =	wrdreg s6;
	s7 =	sadd.s32 s0, s7  }
0x1b: {  	[dreg:$0xa] =	wrdreg s7;
	s7 =	sshrl.u32 s24, $0x3;
	s24 =	sshrl.u32 s25, $0x3  }
0x1c: {  	v0 =	vimm.f32 $0.0e+00;
	s25 =	sshrl.u32 s26, $0x3;
	s26 =	simm.s32 $0x200;
	s13 =	sadd.s32 s0, s7  }
.LBB2_1:
0x1d: {  	s0 =	simm.s32 $0x0;
	s7 =	simm.s32 $0x200  }
.LBB2_2:
0x1e: {  	p0 =	sne.s32 s7, $0x1E00;
	[tilespmem:s0+$0x6C70] =	vst v0  }
0x1f: {  	[tilespmem:s0+$0x6C00] =	vst v0  }
0x20: {  	[tilespmem:s0+$0x6C10] =	vst v0  }
.Ltmp0:
0x21: {  	[tilespmem:s0+$0x6C20] =	vst v0;
	(pc) =	sbr.rel @p0 .LBB2_2-.Ltmp0, $4  }
0x22: {  	[tilespmem:s0+$0x6C30] =	vst v0  }
0x23: {  	[tilespmem:s0+$0x6C40] =	vst v0  }
0x24: {  	[tilespmem:s0+$0x6C50] =	vst v0  }
0x25: {  	[tilespmem:s0+$0x6C60] =	vst v0;
	s0 =	sshra.s32 s7, $0x2;
	s7 =	sadd.s32 $0x200, s7  }
0x26: {  	[tilespmem:s0+$0x6C70] =	vst v0  }
0x27: {  	[tilespmem:s0+$0x6C00] =	vst v0  }
0x28: {  	[tilespmem:s0+$0x6C10] =	vst v0  }
0x29: {  	[tilespmem:s0+$0x6C20] =	vst v0  }
0x2a: {  	[tilespmem:s0+$0x6C30] =	vst v0  }
0x2b: {  	[tilespmem:s0+$0x6C40] =	vst v0  }
0x2c: {  	[tilespmem:s0+$0x6C50] =	vst v0  }
0x2d: {  	[tilespmem:s0+$0x6C60] =	vst v0;
	s14 =	sadd.s32 $0x0, s5  }
0x2e: {  	[spmem:s14] =	stream.linear.scatter [tilespmem:s15], [sflag:$0x7], $0x800, $0x38;
	[tilespmem:$0x1B400] =	vst v63  }
0x2f: {  	s0 =	simm.s32 $0x2000;
	_ =	swait.ge [sflag:s16], $0x800  }
.LBB2_4:
0x30: {  	s6 =	sshra.s32 s0, $0x2;
	[sflag:s16] =	ssyncset.done $0x0;
	p0 =	sne.s32 s0, $0x4E000  }
.Ltmp1:
0x31: {  	s6 =	sadd.s32 s6, s5;
	[sflag:s16] =	ssyncadd.s32 $0xFFFFF800;
	(pc) =	sbr.rel @p0 .LBB2_4-.Ltmp1, $3  }
0x32: {  	[spmem:s6] =	stream.linear.scatter [tilespmem:s15], [sflag:$0x7], $0x800, $0x38;
	[tilespmem:$0x1B400] =	vst v63  }
0x33: {  	s0 =	sadd.s32 $0x2000, s0;
	_ =	sdelay $0x1  }
0x34: {  	_ =	swait.ge [sflag:s16], $0x800  }
0x35: {  	[sflag:s16] =	ssyncset.done $0x0  }
0x36: {  	[sflag:s16] =	ssyncadd.s32 $0xFFFFF800  }
0x37: {  	[bflag:$0x0] =	sbarrier.arrive $0xFFFF  }
0x38: {  	s0 =	simm.s32 $0x0;
	s6 =	rddreg [dreg:$0x4]  }
0x39: {  	[tilespmem:s0], [sflag:$0x1] =	stream.linear.gather [hbm4b:s6+s0], $0x200, $0x38;
	[tilespmem:$0x1B400] =	vst v63  }
0x3a: {  	_ =	swait.ge [sflag:s17], $0x200  }
0x3b: {  	[sflag:s17] =	ssyncset.done $0x0  }
0x3c: {  	[sflag:s17] =	ssyncadd.s32 $0xFFFFFE00  }
0x3d: {  	[tilespmem:s19], [sflag:$0x3] =	stream.indirect.gather [hbm4b:s2+s18], $0x80, s0, s18, $0xb8;
	[tilespmem:$0x1B400] =	vst v63  }
0x3e: {  	s8 =	simm.s32 $0x80  }
0x3f: {  	[tilespmem:s21], [sflag:$0x4] =	stream.indirect.gather [hbm4b:s2+s18], $0x80, s8, s18, $0xb8;
	[tilespmem:$0x1B400] =	vst v63  }
0x40: {  	s10 =	rddreg [dreg:$0x5]  }
0x41: {  	[tilespmem:s26], [sflag:$0x2] =	stream.linear.gather [hbm4b:s10+s0], $0x200, $0x38;
	[tilespmem:$0x1B400] =	vst v63  }
0x42: {  	_ =	swait.ge [sflag:s28], $0x3200  }
0x43: {  	[sflag:s28] =	ssyncset.done $0x0  }
0x44: {  	[sflag:s28] =	ssyncadd.s32 $0xFFFFCE00  }
0x45: {  	s11 =	sand.u32 $0x1, s0;
	_ =	swait.ge [sflag:s29], $0x3200  }
0x46: {  	s0 =	sshll.u32 s11, $0x9;
	[sflag:s29] =	ssyncset.done $0x0  }
0x47: {  	s7 =	sxor.u32 $0x1, s11;
	s8 =	sor.u32 $0x100, s0;
	[sflag:s29] =	ssyncadd.s32 $0xFFFFCE00  }
0x48: {  	[spmem:s3] =	stream.indirect.scatter.add.f32 [tilespmem:s19], [sflag:$0x5], $0x80, s8, s18, $0xb8;
	[tilespmem:$0x1B400] =	vst v63  }
0x49: {  	s14 =	sadd.s32 $0x1, s7;
	s12 =	sor.u32 $0x180, s0  }
0x4a: {  	[spmem:s3] =	stream.indirect.scatter.add.f32 [tilespmem:s21], [sflag:$0x6], $0x80, s12, s18, $0xb8;
	[tilespmem:$0x1B400] =	vst v63  }
0x4b: {  	_ =	swait.ge [sflag:s14], $0x200  }
0x4c: {  	[sflag:s14] =	ssyncset.done $0x0  }
0x4d: {  	[sflag:s14] =	ssyncadd.s32 $0xFFFFFE00  }
0x4e: {  	_ =	swait.ge [sflag:s30], $0x3200  }
0x4f: {  	[sflag:s30] =	ssyncset.done $0x0  }
0x50: {  	[sflag:s30] =	ssyncadd.s32 $0xFFFFCE00  }
0x51: {  	_ =	swait.ge [sflag:s31], $0x3200  }
0x52: {  	[sflag:s31] =	ssyncset.done $0x0  }
0x53: {  	s7 =	sshll.u32 s7, $0x9;
	[sflag:s31] =	ssyncadd.s32 $0xFFFFCE00  }
0x54: {  	[tilespmem:s19], [sflag:$0x3] =	stream.indirect.gather [hbm4b:s2+s18], $0x80, s7, s18, $0xb8;
	[tilespmem:$0x1B400] =	vst v63  }
0x55: {  	s6 =	sadd.s32 $0x1, s11;
	s7 =	sor.u32 $0x80, s7  }
0x56: {  	[tilespmem:s21], [sflag:$0x4] =	stream.indirect.gather [hbm4b:s2+s18], $0x80, s7, s18, $0xb8;
	[tilespmem:$0x1B400] =	vst v63  }
0x57: {  	s8 =	sadd.s32 $0x40, s9;
	s14 =	smov.u32 s9;
	s7 =	simm.s32 $0x1  }
.LBB2_6:
0x58: {  	[tilespmem:s0], [sflag:s6] =	stream.linear.gather [hbm4b:s14+s4], $0x200, $0x38;
	[tilespmem:$0x1B400] =	vst v63  }
0x59: {  	s0 =	smov.u32 s7;
	s14 =	smov.u32 s8  }
0x5a: {  	p0 =	sne.s32 s7, $0x2F;
	s7 =	sadd.s32 $0x1, s7;
	_ =	swait.ge [sflag:s28], $0x3200  }
0x5b: {  	[sflag:s28] =	ssyncset.done $0x0  }
0x5c: {  	[sflag:s28] =	ssyncadd.s32 $0xFFFFCE00  }
0x5d: {  	s6 =	sand.u32 $0x1, s0;
	_ =	swait.ge [sflag:s29], $0x3200  }
0x5e: {  	s0 =	sshll.u32 s6, $0x9;
	s10 =	sxor.u32 $0x1, s6;
	[sflag:s29] =	ssyncset.done $0x0  }
0x5f: {  	s11 =	sor.u32 $0x100, s0;
	[sflag:s29] =	ssyncadd.s32 $0xFFFFCE00  }
0x60: {  	[spmem:s3] =	stream.indirect.scatter.add.f32 [tilespmem:s19], [sflag:$0x5], $0x80, s11, s18, $0xb8;
	[tilespmem:$0x1B400] =	vst v63  }
0x61: {  	s12 =	sadd.s32 $0x1, s10;
	s11 =	sor.u32 $0x180, s0  }
0x62: {  	[spmem:s3] =	stream.indirect.scatter.add.f32 [tilespmem:s21], [sflag:$0x6], $0x80, s11, s18, $0xb8;
	[tilespmem:$0x1B400] =	vst v63  }
0x63: {  	_ =	swait.ge [sflag:s12], $0x200  }
0x64: {  	[sflag:s12] =	ssyncset.done $0x0  }
0x65: {  	[sflag:s12] =	ssyncadd.s32 $0xFFFFFE00  }
0x66: {  	_ =	swait.ge [sflag:s30], $0x3200  }
0x67: {  	[sflag:s30] =	ssyncset.done $0x0  }
0x68: {  	[sflag:s30] =	ssyncadd.s32 $0xFFFFCE00  }
0x69: {  	_ =	swait.ge [sflag:s31], $0x3200  }
0x6a: {  	[sflag:s31] =	ssyncset.done $0x0  }
.Ltmp2:
0x6b: {  	s10 =	sshll.u32 s10, $0x9;
	[sflag:s31] =	ssyncadd.s32 $0xFFFFCE00;
	(pc) =	sbr.rel @p0 .LBB2_6-.Ltmp2, $4  }
0x6c: {  	[tilespmem:s19], [sflag:$0x3] =	stream.indirect.gather [hbm4b:s2+s18], $0x80, s10, s18, $0xb8;
	[tilespmem:$0x1B400] =	vst v63  }
0x6d: {  	s10 =	sor.u32 $0x80, s10  }
0x6e: {  	[tilespmem:s21], [sflag:$0x4] =	stream.indirect.gather [hbm4b:s2+s18], $0x80, s10, s18, $0xb8;
	[tilespmem:$0x1B400] =	vst v63  }
0x6f: {  	s8 =	sadd.s32 $0x40, s8;
	s6 =	sadd.s32 $0x1, s6  }
0x70: {  	[tilespmem:s0], [sflag:s6] =	stream.linear.gather [hbm4b:s14+s4], $0x200, $0x38;
	[tilespmem:$0x1B400] =	vst v63  }
0x71: {  	_ =	swait.ge [sflag:s28], $0x3200  }
0x72: {  	[sflag:s28] =	ssyncset.done $0x0  }
0x73: {  	[sflag:s28] =	ssyncadd.s32 $0xFFFFCE00  }
0x74: {  	_ =	swait.ge [sflag:s29], $0x3200  }
0x75: {  	[sflag:s29] =	ssyncset.done $0x0  }
0x76: {  	s10 =	simm.s32 $0x100;
	[sflag:s29] =	ssyncadd.s32 $0xFFFFCE00  }
0x77: {  	[spmem:s3] =	stream.indirect.scatter.add.f32 [tilespmem:s19], [sflag:$0x5], $0x80, s10, s18, $0xb8;
	[tilespmem:$0x1B400] =	vst v63  }
0x78: {  	s11 =	simm.s32 $0x180  }
0x79: {  	[spmem:s3] =	stream.indirect.scatter.add.f32 [tilespmem:s21], [sflag:$0x6], $0x80, s11, s18, $0xb8;
	[tilespmem:$0x1B400] =	vst v63  }
0x7a: {  	_ =	swait.ge [sflag:s20], $0x200  }
0x7b: {  	[sflag:s20] =	ssyncset.done $0x0  }
0x7c: {  	[sflag:s20] =	ssyncadd.s32 $0xFFFFFE00  }
0x7d: {  	_ =	swait.ge [sflag:s30], $0x3200  }
0x7e: {  	[sflag:s30] =	ssyncset.done $0x0  }
0x7f: {  	[sflag:s30] =	ssyncadd.s32 $0xFFFFCE00  }
0x80: {  	_ =	swait.ge [sflag:s31], $0x3200  }
0x81: {  	[sflag:s31] =	ssyncset.done $0x0  }
0x82: {  	[sflag:s31] =	ssyncadd.s32 $0xFFFFCE00  }
0x83: {  	[tilespmem:s19], [sflag:$0x3] =	stream.indirect.gather [hbm4b:s2+s18], $0x80, s26, s18, $0xb8;
	[tilespmem:$0x1B400] =	vst v63  }
0x84: {  	s12 =	simm.s32 $0x280  }
0x85: {  	[tilespmem:s21], [sflag:$0x4] =	stream.indirect.gather [hbm4b:s2+s18], $0x80, s12, s18, $0xb8;
	[tilespmem:$0x1B400] =	vst v63  }
0x86: {  	_ =	swait.ge [sflag:s28], $0x3200  }
0x87: {  	[sflag:s28] =	ssyncset.done $0x0  }
0x88: {  	[sflag:s28] =	ssyncadd.s32 $0xFFFFCE00  }
0x89: {  	_ =	swait.ge [sflag:s29], $0x3200  }
0x8a: {  	[sflag:s29] =	ssyncset.done $0x0  }
0x8b: {  	s14 =	simm.s32 $0x300;
	[sflag:s29] =	ssyncadd.s32 $0xFFFFCE00  }
0x8c: {  	[spmem:s3] =	stream.indirect.scatter.add.f32 [tilespmem:s19], [sflag:$0x5], $0x80, s14, s18, $0xb8;
	[tilespmem:$0x1B400] =	vst v63  }
0x8d: {  	s6 =	simm.s32 $0x380  }
0x8e: {  	[spmem:s3] =	stream.indirect.scatter.add.f32 [tilespmem:s21], [sflag:$0x6], $0x80, s6, s18, $0xb8;
	[tilespmem:$0x1B400] =	vst v63  }
0x8f: {  	_ =	swait.ge [sflag:s30], $0x3200  }
0x90: {  	[sflag:s30] =	ssyncset.done $0x0  }
0x91: {  	[sflag:s30] =	ssyncadd.s32 $0xFFFFCE00  }
0x92: {  	_ =	swait.ge [sflag:s31], $0x3200  }
0x93: {  	[sflag:s31] =	ssyncset.done $0x0  }
0x94: {  	s7 =	stileid.u32;
	[sflag:s31] =	ssyncadd.s32 $0xFFFFCE00  }
0x95: {  	s0 =	sshll.u32 s7, $0x6;
	[bflag:$0x0] =	sbarrier.arrive $0xFFFF  }
0x96: {  	s8 =	sshrl.u32 s5, $0x3;
	s0 =	sor.u32 $0x1C07, s0;
	s7 =	rddreg [dreg:$0x6]  }
0x97: {  	[hbm:s7], [sflag:s0] =	dma.local [spmem:s8], $0x800  }
0x98: {  	_ =	swait.ge [sflag:s16], $0x800  }
0x99: {  	[sflag:s16] =	ssyncset.done $0x0  }
0x9a: {  	s10 =	rddreg [dreg:$0x8];
	[sflag:s16] =	ssyncadd.s32 $0xFFFFF800  }
0x9b: {  	[hbm:s10], [sflag:s0] =	dma.local [spmem:s22], $0x800  }
0x9c: {  	_ =	swait.ge [sflag:s16], $0x800  }
0x9d: {  	[sflag:s16] =	ssyncset.done $0x0  }
0x9e: {  	s11 =	rddreg [dreg:$0x9];
	[sflag:s16] =	ssyncadd.s32 $0xFFFFF800  }
0x9f: {  	[hbm:s11], [sflag:s0] =	dma.local [spmem:s23], $0x800  }
0xa0: {  	_ =	swait.ge [sflag:s16], $0x800  }
0xa1: {  	[sflag:s16] =	ssyncset.done $0x0  }
0xa2: {  	s12 =	rddreg [dreg:$0xa];
	[sflag:s16] =	ssyncadd.s32 $0xFFFFF800  }
0xa3: {  	[hbm:s12], [sflag:s0] =	dma.local [spmem:s24], $0x800  }
0xa4: {  	_ =	swait.ge [sflag:s16], $0x800  }
0xa5: {  	[sflag:s16] =	ssyncset.done $0x0  }
0xa6: {  	[sflag:s16] =	ssyncadd.s32 $0xFFFFF800  }
0xa7: {  	[hbm:s13], [sflag:s0] =	dma.local [spmem:s25], $0x800  }
0xa8: {  	_ =	swait.ge [sflag:s16], $0x800  }
0xa9: {  	s1 =	sadd.s32 $0x1, s1;
	s14 =	rddreg [dreg:$0x7]  }
0xaa: {  	p0 =	sne.s32 s1, s14  }
.Ltmp3:
0xab: {  	_ = 	snop;
	(pc) =	sbr.rel @p0 .LBB2_1-.Ltmp3, $3  }
0xac: {  	_ =	sdelay $0x1  }
0xad: {  	[sflag:s16] =	ssyncset.done $0x0  }
0xae: {  	[sflag:s16] =	ssyncadd.s32 $0xFFFFF800  }
0xaf: {  	_ =	sfence.sel $0x180000  }
0xb0: {  	[bflag:$0x0] =	sbarrier.arrive $0xFFFF  }
0xb1: {  	_ =	strace $0x9000004A  }
0xb2: {  	s0 =	stileid.u32;
	[bflag:$0x2] =	sbarrier.arrive $0xFFFF  }
0xb3: {  	p0 =	sne.s32 s0, $0x0;
	s0 =	rddreg [dreg:$0x3]  }
0xb4: {  	s0 =	sadd.s32 @!p0 $0x100000, s0  }
0xb5: {  	[sflag:s0] =	ssyncadd.tile.s32 @!p0 $0x1;
	_ =	shalt  }
.Lfunc_end2:
_tile_overlayer_lowered:
.L_overlay_start_2:
0xb6: {  	(tag) =	ssettag $0x2  }
0xb7: {  	s0 =	rddreg [dreg:$0x0];
	s2 =	stileid.u32  }
0xb8: {  	s1 =	rddreg [dreg:$0x1];
	p0 =	sne.s32 s2, $0x0  }
0xb9: {  	s3 =	rddreg [dreg:$0x2];
	[bflag:$0x3] =	sbarrier.arrive $0xFFFF;
	s2 =	simm.s32 @!p0 $0x1C07  }
0xba: {  	[timem:s3], [sflag:s2] =	dma.local @!p0 [hbm:s0], s1  }
0xbb: {  	s0 =	simm.s32 @!p0 $0x7  }
0xbc: {  	_ =	swait.ge @!p0 [sflag:s0], s1  }
0xbd: {  	s1 =	ssub.s32 @!p0 $0x0, s1;
	[sflag:s0] =	ssyncset.done @!p0 $0x0  }
0xbe: {  	[sflag:s0] =	ssyncadd.s32 @!p0 s1  }
0xbf: {  	[bflag:$0x3] =	sbarrier.arrive $0xFFFF  }
0xc0: {  	_ =	shalt  }

// kernel: kernel.14.cloned.1.call-start
scs
__scs_entry_jumppad:
0x0: {  	(pc) =	sbr.rel $0x88, $3  }
0x1: {  	(tag) =	ssettag $0x0;
	lr =	simm.s32 $0x1  }
0x2: {  	[smem:$0x3F9B] =	sst lr;
	_ =	strace $0xD0000000  }
0x3: {  	_ = 	snop  }
0x4: {  	_ = 	snop  }
0x5: {  	_ = 	snop  }
0x6: {  	_ = 	snop  }
0x7: {  	_ = 	snop  }
__scs_overlays_trampoline_lowered:
0x8: {  	[smem:$0x3FAA] =	sst s0  }
0x9: {  	[smem:$0x3FAB] =	sst s1  }
0xa: {  	[smem:$0x3FAC] =	sst s2  }
0xb: {  	[smem:$0x3FAD] =	sst s3  }
0xc: {  	[smem:$0x3FAE] =	sst s4  }
0xd: {  	[smem:$0x3FAF] =	sst s5  }
0xe: {  	[smem:$0x3FB0] =	sst s6  }
0xf: {  	[smem:$0x3FB1] =	sst s7  }
0x10: {  	[smem:$0x3FB2] =	sst s8  }
0x11: {  	[smem:$0x3FB3] =	sst s9;
	s0 =	simm.s32 @!p0 $0x0  }
0x12: {  	s1 =	sld [smem:$0x3F99];
	s0 =	simm.s32 @p0 $0x1  }
0x13: {  	[smem:$0x3FB4] =	sst s0;
	s0 =	simm.s32 @!p1 $0x0  }
0x14: {  	s2 =	sld [smem:$0x3F98];
	s0 =	simm.s32 @p1 $0x1  }
0x15: {  	[smem:$0x3FB5] =	sst s0;
	s0 =	simm.s32 @!p2 $0x0  }
0x16: {  	s3 =	sld [smem:$0x3FDB];
	s0 =	simm.s32 @p2 $0x1  }
0x17: {  	s4 =	simm.s32 $0x1BF5;
	[smem:$0x3FB7] =	sst s0  }
0x18: {  	s0 =	sld [smem:$0x3F9A];
	_ =	swait.ge [sflag:s4], $0x0  }
0x19: {  	s7 =	sld [smem:$0x3F9B]  }
0x1a: {  	s8 =	sadd.s32 $0xFFFFE003, lr  }
0x1b: {  	s9 =	sadd.s32 $0xFFFFFEF7, lr;
	s5 =	simm.s32 $0xFFFFFFFF;
	p2 =	slt.u32 s8, $0xFFFFF086  }
0x1c: {  	p1 =	slt.u32 s9, $0xF7A;
	s5 =	simm.s32 @!p2 $0x0  }
0x1d: {  	s5 =	simm.s32 @p1 $0x1;
	p0 =	seq.s32 s7, s2  }
0x1e: {  	s7 =	smul.u32 @!p0 $0xF7A, s2;
	p2 =	seq.s32 @!p0 s5, $0x0  }
0x1f: {  	s9 =	smul.u32 $0xF7A, s1;
	s8 =	simm.s32 @!p0 $0x1BF5;
	p2 =	por !p2, p0  }
0x20: {  	[sflag:s8] =	ssyncset.s32 @!p0 $0xFFFFF086;
	s6 =	sadd.s32 @!p0 s3, s7;
	s7 =	simm.s32 @!p0 $0x108  }
0x21: {  	s3 =	sadd.s32 s3, s9;
	s6 =	sadd.s32 @!p0 $0x88, s6;
	s7 =	simm.s32 @p2 $0x1082  }
0x22: {  	[simem:s7], [sflag:s8] =	dma.local @!p0 [hbm:s6], $0xF7A  }
0x23: {  	s9 =	sor.u32 $0xD0000000, s2;
	s6 =	simm.s32 $0x108;
	_ =	swait.ge @!p0 [sflag:s8], $0x0  }
0x24: {  	s3 =	sadd.s32 $0x88, s3;
	s6 =	simm.s32 @!p1 $0x1082;
	[sflag:s4] =	ssyncset.s32 $0xFFFFF086  }
0x25: {  	[simem:s6], [sflag:s4] =	dma.local [hbm:s3], $0xF7A  }
0x26: {  	[smem:$0x3F9B] =	sst s1;
	(tag) =	ssettag s2;
	_ =	strace s9  }
0x27: {  	s1 =	sld [smem:$0x3FAB]  }
0x28: {  	s2 =	sld [smem:$0x3FAC]  }
0x29: {  	s4 =	sld [smem:$0x3FAE]  }
0x2a: {  	p0 =	seq.s32 s5, $0x0;
	s5 =	sld [smem:$0x3FAF]  }
0x2b: {  	s6 =	sld [smem:$0x3FB0]  }
0x2c: {  	s7 =	sld [smem:$0x3FB1]  }
0x2d: {  	s3 =	simm.s32 $0x108;
	s8 =	sld [smem:$0x3FB2]  }
0x2e: {  	s3 =	simm.s32 @!p0 $0x1082;
	s9 =	sld [smem:$0x3FB3]  }
0x2f: {  	lr =	sadd.s32 s0, s3;
	s0 =	sld [smem:$0x3FAA]  }
0x30: {  	s3 =	sld [smem:$0x3FAD]  }
0x31: {  	[smem:$0x3FB6] =	sst s10  }
0x32: {  	s10 =	sld [smem:$0x3FB4];
	_ =	sdelay $0x3  }
0x33: {  	p0 =	seq.s32 s10, $0x1;
	s10 =	sld [smem:$0x3FB6];
	_ =	sdelay $0x3  }
0x34: {  	[smem:$0x3FB6] =	sst s10  }
0x35: {  	s10 =	sld [smem:$0x3FB5];
	_ =	sdelay $0x3  }
0x36: {  	p1 =	seq.s32 s10, $0x1;
	s10 =	sld [smem:$0x3FB6];
	_ =	sdelay $0x3  }
0x37: {  	[smem:$0x3FB6] =	sst s10  }
0x38: {  	s10 =	sld [smem:$0x3FB7]  }
0x39: {  	_ = 	snop;
	(pc) =	sbr.ind lr, $3  }
0x3a: {  	_ = 	snop  }
0x3b: {  	_ = 	snop  }
0x3c: {  	p2 =	seq.s32 s10, $0x1;
	s10 =	sld [smem:$0x3FB6]  }
0x3d: {  	_ =	shalt  }
0x3e: {  	_ =	shalt  }
0x3f: {  	_ =	shalt  }
0x40: {  	_ =	shalt  }
0x41: {  	_ =	shalt  }
0x42: {  	_ =	shalt  }
0x43: {  	_ =	shalt  }
0x44: {  	_ =	shalt  }
0x45: {  	_ =	shalt  }
0x46: {  	_ =	shalt  }
0x47: {  	_ =	shalt  }
0x48: {  	_ =	shalt  }
0x49: {  	_ =	shalt  }
0x4a: {  	_ =	shalt  }
0x4b: {  	_ =	shalt  }
0x4c: {  	_ =	shalt  }
0x4d: {  	_ =	shalt  }
0x4e: {  	_ =	shalt  }
0x4f: {  	_ =	shalt  }
0x50: {  	_ =	shalt  }
0x51: {  	_ =	shalt  }
0x52: {  	_ =	shalt  }
0x53: {  	_ =	shalt  }
0x54: {  	_ =	shalt  }
0x55: {  	_ =	shalt  }
0x56: {  	_ =	shalt  }
0x57: {  	_ =	shalt  }
0x58: {  	_ =	shalt  }
0x59: {  	_ =	shalt  }
0x5a: {  	_ =	shalt  }
0x5b: {  	_ =	shalt  }
0x5c: {  	_ =	shalt  }
0x5d: {  	_ =	shalt  }
0x5e: {  	_ =	shalt  }
0x5f: {  	_ =	shalt  }
0x60: {  	_ =	shalt  }
0x61: {  	_ =	shalt  }
0x62: {  	_ =	shalt  }
0x63: {  	_ =	shalt  }
0x64: {  	_ =	shalt  }
0x65: {  	_ =	shalt  }
0x66: {  	_ =	shalt  }
0x67: {  	_ =	shalt  }
0x68: {  	_ =	shalt  }
0x69: {  	_ =	shalt  }
0x6a: {  	_ =	shalt  }
0x6b: {  	_ =	shalt  }
0x6c: {  	_ =	shalt  }
0x6d: {  	_ =	shalt  }
0x6e: {  	_ =	shalt  }
0x6f: {  	_ =	shalt  }
0x70: {  	_ =	shalt  }
0x71: {  	_ =	shalt  }
0x72: {  	_ =	shalt  }
0x73: {  	_ =	shalt  }
0x74: {  	_ =	shalt  }
0x75: {  	_ =	shalt  }
0x76: {  	_ =	shalt  }
0x77: {  	_ =	shalt  }
0x78: {  	_ =	shalt  }
0x79: {  	_ =	shalt  }
0x7a: {  	_ =	shalt  }
0x7b: {  	_ =	shalt  }
0x7c: {  	_ =	shalt  }
0x7d: {  	_ =	shalt  }
0x7e: {  	_ =	shalt  }
0x7f: {  	_ =	shalt  }
0x80: {  	_ =	shalt  }
0x81: {  	_ =	shalt  }
0x82: {  	_ =	shalt  }
0x83: {  	_ =	shalt  }
0x84: {  	_ =	shalt  }
0x85: {  	_ =	shalt  }
0x86: {  	_ =	shalt  }
0x87: {  	_ =	shalt  }
.Lfunc_end0:
.L_simem_size_0:
called_computation.2_lowered:
.L_overlay_start_0:
0x88: {  	s2 =	sld [smem:$0x3FD9]  }
0x89: {  	s3 =	sld [smem:$0x3FFE];
	_ =	sdelay $0x1  }
0x8a: {  	s1 =	srdreg.scid  }
0x8b: {  	s0 =	sand.u32 $0x1, s1  }
0x8c: {  	s17 =	sshll.u32 s0, $0xA;
	s2 =	sadd.s32 s3, s2  }
0x8d: {  	s2 =	sadd.s32 s2, s17  }
0x8e: {  	[smem:$0x3FC2] =	sst s2  }
0x8f: {  	_ = 	snop  }
0x90: {  	s2 =	sld [smem:$0x3FD0];
	(tm) =	ssettm $0x1  }
0x91: {  	s18 =	sld [smem:$0x3FFB];
	_ =	sdelay $0x3  }
0x92: {  	_ =	strace s18  }
0x93: {  	s3 =	sld [smem:$0x3FFC];
	_ =	sdelay $0x3  }
0x94: {  	_ =	strace s3  }
0x95: {  	s3 =	sld [smem:$0x3FFD];
	_ =	sdelay $0x3  }
0x96: {  	_ =	strace s3  }
0x97: {  	_ =	strace $0x8FFFFFFF  }
0x98: {  	s19 =	sld [smem:$0x3FDB];
	_ =	sdelay $0x1  }
0x99: {  	s4 =	simm.s32 $_scs_section_size  }
0x9a: {  	s5 =	simm.s32 $_size__tile_overlayer_lowered;
	s6 =	simm.s32 $_tile_overlayer_lowered  }
0x9b: {  	s22 =	simm.s32 $0x1BFF;
	s21 =	sshll.u32 s6, $0x1;
	s3 =	sadd.s32 s4, s19  }
0x9c: {  	s7 =	simm.s32 $0x0;
	s20 =	sshll.u32 s5, $0x1;
	s5 =	sadd.s32 s21, s3  }
0x9d: {  	[timem:s7], [sflag:s22] =	dma.local [hbm:s5], s20  }
0x9e: {  	_ =	swait.ge [sflag:s22], s20  }
0x9f: {  	s4 =	ssub.s32 $0x0, s20;
	[sflag:s22] =	ssyncset.done $0x0  }
0xa0: {  	[sflag:s22] =	ssyncadd.s32 s4;
	_ =	sdelay $0x1  }
0xa1: {  	s23 =	simm.s32 $0x1B8B  }
0xa2: {  	_ =	swait.ge [sflag:s23], $0x1  }
0xa3: {  	[sflag:s23] =	ssyncset.done $0x0  }
0xa4: {  	s25 =	simm.s32 $0x1B8E;
	s24 =	sld [smem:$0x3FFE];
	[sflag:s23] =	ssyncadd.s32 $0xFFFFFFFF  }
0xa5: {  	s26 =	simm.s32 $execute0_lowered;
	[smem:$0x3FD2] =	sst s25  }
0xa6: {  	s5 =	sshll.u32 s26, $0x1;
	_ =	strace $0x8000004C;
	[dreg:$0x1] =	wrdreg $0xFFFFFFFF  }
0xa7: {  	s28 =	simm.s32 $_size_execute0_lowered;
	s3 =	sadd.s32 s3, s5;
	[dreg:$0x0] =	wrdreg $0x0  }
0xa8: {  	s5 =	sshll.u32 s28, $0x1;
	[dreg:$0x2] =	wrdreg s3  }
0xa9: {  	[dreg:$0x3] =	wrdreg s5  }
0xaa: {  	[dreg:$0x4] =	wrdreg $0xC0  }
0xab: {  	_ =	task [dreg:s7], $0x5FFFF  }
0xac: {  	[dreg:$0x1] =	wrdreg $0xFFFFFFFF  }
0xad: {  	[dreg:$0x0] =	wrdreg $0x60  }
0xae: {  	[dreg:$0x2] =	wrdreg s2  }
0xaf: {  	[dreg:$0x3] =	wrdreg s24  }
0xb0: {  	[dreg:$0x4] =	wrdreg $0x74000  }
0xb1: {  	[dreg:$0x5] =	wrdreg $0x9  }
0xb2: {  	_ =	task.clear_ibuf [dreg:s7], $0x6FFFF;
	_ =	strace $0x9000004C  }
0xb3: {  	s29 =	simm.s32 $0x9;
	_ =	strace $0x8000004E  }
0xb4: {  	_ =	swait.ge [sflag:s29], $0x1  }
0xb5: {  	[sflag:s29] =	ssyncadd.s32 $0xFFFFFFFF  }
0xb6: {  	_ =	strace $0x9000004E  }
0xb7: {  	_ =	sfence  }
0xb8: {  	s30 =	sld [smem:$0x0];
	_ =	sdelay $0x2  }
0xb9: {  	s31 =	sshll.u32 s1, $0xD;
	s1 =	sshrl.u32 s1, $0x2  }
0xba: {  	s3 =	sand.u32 $0x4000, s31;
	s1 =	sadd.s32 s1, s30  }
0xbb: {  	s0 =	sor.u32 s3, s0;
	s1 =	sshll.u32 s1, $0x11  }
0xbc: {  	s0 =	sor.u32 s1, s0  }
0xbd: {  	s0 =	sadd.s32 $0x8F2B, s0  }
0xbe: {  	[sflag:s0] =	ssyncadd.remote.s32 $0x1  }
0xbf: {  	_ =	sfence.sel $0xFFFF  }
0xc0: {  	[dreg:$0x0] =	wrdreg $0xFFFFFFFF;
	(pc) =	sbr.abs _section_cstart, $3  }
0xc1: {  	[dreg:$0x1] =	wrdreg $0xFFFFFFFF  }
0xc2: {  	_ =	task.clear_ibuf [dreg:s7], $0x2FFFF;
	_ =	strace $0x9FFFFFFF  }
0xc3: {  	(tm) =	ssettm $0x7FFFFFFF  }
tec
execute0_lowered:
.L_overlay_start_1:
0x0: {  	(tag) =	ssettag $0x1  }
0x1: {  	s2 =	rddreg [dreg:$0x0]  }
0x2: {  	s0 =	rddreg [dreg:$0x1]  }
0x3: {  	s3 =	rddreg [dreg:$0x2];
	s1 =	srdreg.scid  }
0x4: {  	s11 =	stileid.u32;
	s4 =	simm.s32 $0x0;
	s17 =	simm.s32 $0x1  }
0x5: {  	s18 =	simm.s32 $0x64;
	s28 =	simm.s32 $0x3;
	s29 =	simm.s32 $0x4  }
0x6: {  	s30 =	simm.s32 $0x5;
	s31 =	simm.s32 $0x6;
	s6 =	smul.u32 $0x50000, s11  }
0x7: {  	s1 =	sand.u32 $0x1, s1;
	s5 =	sshll.u32 s11, $0x1;
	s12 =	smul.u32 $0x14000, s11  }
0x8: {  	[smem:$0x7FF] =	sst s4;
	s9 =	sadd.s32 $0x52A00, s0;
	s15 =	smul.u32 $0xC800, s11  }
0x9: {  	s0 =	sadd.s32 $0x2A00, s0;
	s5 =	sor.u32 s1, s5;
	s8 =	smul.u32 $0x140000, s1  }
0xa: {  	_ =	strace $0x8000004D;
	s19 =	ssub.s32 $0x2, s1;
	s1 =	smul.u32 $0x6400, s1  }
0xb: {  	s7 =	smul.u32 $0x6400, s5;
	s10 =	sshrl.u32 s19, $0x1;
	s20 =	sshrl.u32 s6, $0x2  }
0xc: {  	s24 =	sadd.s32 $0x4000, s12;
	s26 =	sadd.s32 $0x8000, s12;
	s14 =	sadd.s32 $0xC000, s12  }
0xd: {  	s16 =	sadd.s32 $0x10000, s12;
	s10 =	ssub.s32 s19, s10;
	s5 =	sadd.s32 s20, s3  }
0xe: {  	s22 =	sadd.s32 s8, s12;
	s25 =	sadd.s32 s8, s24;
	s20 =	sadd.s32 s26, s3  }
0xf: {  	s1 =	sadd.s32 s1, s15;
	s15 =	simm.s32 $0x6C00;
	s19 =	simm.s32 $0x400  }
0x10: {  	s21 =	sshrl.u32 s7, $0x3;
	s23 =	sshrl.u32 s22, $0x3;
	s10 =	smax.u32 s10, $0x1  }
0x11: {  	s22 =	sadd.s32 s8, s26;
	s1 =	sadd.s32 $0x400, s1;
	s26 =	sadd.s32 s16, s3  }
0x12: {  	s13 =	sadd.s32 s9, s21;
	s6 =	sadd.s32 s0, s23;
	[dreg:$0x7] =	wrdreg s10  }
0x13: {  	s10 =	sadd.s32 s24, s3;
	s7 =	sshrl.u32 s22, $0x3;
	s23 =	sadd.s32 s8, s14  }
0x14: {  	s24 =	sadd.s32 s8, s16;
	s1 =	sshrl.u32 s1, $0x3;
	s16 =	simm.s32 $0x7  }
0x15: {  	s21 =	simm.s32 $0x3800;
	[dreg:$0x4] =	wrdreg s13;
	s13 =	sadd.s32 $0x40, s13  }
0x16: {  	[dreg:$0x6] =	wrdreg s6;
	s6 =	sshrl.u32 s25, $0x3;
	s7 =	sadd.s32 s0, s7  }
0x17: {  	s25 =	sadd.s32 s14, s3;
	s9 =	sadd.s32 s1, s9;
	s22 =	sshrl.u32 s10, $0x3  }
0x18: {  	s1 =	simm.s32 $0x0;
	[dreg:$0x5] =	wrdreg s13;
	s6 =	sadd.s32 s0, s6  }
0x19: {  	[dreg:$0x9] =	wrdreg s7;
	s7 =	sshrl.u32 s23, $0x3;
	s23 =	sshrl.u32 s20, $0x3  }
0x1a: {  	s20 =	simm.s32 $0x2;
	[dreg:$0x8] =	wrdreg s6;
	s7 =	sadd.s32 s0, s7  }
0x1b: {  	[dreg:$0xa] =	wrdreg s7;
	s7 =	sshrl.u32 s24, $0x3;
	s24 =	sshrl.u32 s25, $0x3  }
0x1c: {  	v0 =	vimm.f32 $0.0e+00;
	s25 =	sshrl.u32 s26, $0x3;
	s26 =	simm.s32 $0x200;
	s13 =	sadd.s32 s0, s7  }
.LBB2_1:
0x1d: {  	s0 =	simm.s32 $0x0;
	s7 =	simm.s32 $0x200  }
.LBB2_2:
0x1e: {  	p0 =	sne.s32 s7, $0x1E00;
	[tilespmem:s0+$0x6C70] =	vst v0  }
0x1f: {  	[tilespmem:s0+$0x6C00] =	vst v0  }
0x20: {  	[tilespmem:s0+$0x6C10] =	vst v0  }
.Ltmp0:
0x21: {  	[tilespmem:s0+$0x6C20] =	vst v0;
	(pc) =	sbr.rel @p0 .LBB2_2-.Ltmp0, $4  }
0x22: {  	[tilespmem:s0+$0x6C30] =	vst v0  }
0x23: {  	[tilespmem:s0+$0x6C40] =	vst v0  }
0x24: {  	[tilespmem:s0+$0x6C50] =	vst v0  }
0x25: {  	[tilespmem:s0+$0x6C60] =	vst v0;
	s0 =	sshra.s32 s7, $0x2;
	s7 =	sadd.s32 $0x200, s7  }
0x26: {  	[tilespmem:s0+$0x6C70] =	vst v0  }
0x27: {  	[tilespmem:s0+$0x6C00] =	vst v0  }
0x28: {  	[tilespmem:s0+$0x6C10] =	vst v0  }
0x29: {  	[tilespmem:s0+$0x6C20] =	vst v0  }
0x2a: {  	[tilespmem:s0+$0x6C30] =	vst v0  }
0x2b: {  	[tilespmem:s0+$0x6C40] =	vst v0  }
0x2c: {  	[tilespmem:s0+$0x6C50] =	vst v0  }
0x2d: {  	[tilespmem:s0+$0x6C60] =	vst v0;
	s14 =	sadd.s32 $0x0, s5  }
0x2e: {  	[spmem:s14] =	stream.linear.scatter [tilespmem:s15], [sflag:$0x7], $0x800, $0x38;
	[tilespmem:$0x1B400] =	vst v63  }
0x2f: {  	s0 =	simm.s32 $0x2000;
	_ =	swait.ge [sflag:s16], $0x800  }
.LBB2_4:
0x30: {  	s6 =	sshra.s32 s0, $0x2;
	[sflag:s16] =	ssyncset.done $0x0;
	p0 =	sne.s32 s0, $0x4E000  }
.Ltmp1:
0x31: {  	s6 =	sadd.s32 s6, s5;
	[sflag:s16] =	ssyncadd.s32 $0xFFFFF800;
	(pc) =	sbr.rel @p0 .LBB2_4-.Ltmp1, $3  }
0x32: {  	[spmem:s6] =	stream.linear.scatter [tilespmem:s15], [sflag:$0x7], $0x800, $0x38;
	[tilespmem:$0x1B400] =	vst v63  }
0x33: {  	s0 =	sadd.s32 $0x2000, s0;
	_ =	sdelay $0x1  }
0x34: {  	_ =	swait.ge [sflag:s16], $0x800  }
0x35: {  	[sflag:s16] =	ssyncset.done $0x0  }
0x36: {  	[sflag:s16] =	ssyncadd.s32 $0xFFFFF800  }
0x37: {  	[bflag:$0x0] =	sbarrier.arrive $0xFFFF  }
0x38: {  	s0 =	simm.s32 $0x0;
	s6 =	rddreg [dreg:$0x4]  }
0x39: {  	[tilespmem:s0], [sflag:$0x1] =	stream.linear.gather [hbm4b:s6+s0], $0x200, $0x38;
	[tilespmem:$0x1B400] =	vst v63  }
0x3a: {  	_ =	swait.ge [sflag:s17], $0x200  }
0x3b: {  	[sflag:s17] =	ssyncset.done $0x0  }
0x3c: {  	[sflag:s17] =	ssyncadd.s32 $0xFFFFFE00  }
0x3d: {  	[tilespmem:s19], [sflag:$0x3] =	stream.indirect.gather [hbm4b:s2+s18], $0x80, s0, s18, $0xb8;
	[tilespmem:$0x1B400] =	vst v63  }
0x3e: {  	s8 =	simm.s32 $0x80  }
0x3f: {  	[tilespmem:s21], [sflag:$0x4] =	stream.indirect.gather [hbm4b:s2+s18], $0x80, s8, s18, $0xb8;
	[tilespmem:$0x1B400] =	vst v63  }
0x40: {  	s10 =	rddreg [dreg:$0x5]  }
0x41: {  	[tilespmem:s26], [sflag:$0x2] =	stream.linear.gather [hbm4b:s10+s0], $0x200, $0x38;
	[tilespmem:$0x1B400] =	vst v63  }
0x42: {  	_ =	swait.ge [sflag:s28], $0x3200  }
0x43: {  	[sflag:s28] =	ssyncset.done $0x0  }
0x44: {  	[sflag:s28] =	ssyncadd.s32 $0xFFFFCE00  }
0x45: {  	s11 =	sand.u32 $0x1, s0;
	_ =	swait.ge [sflag:s29], $0x3200  }
0x46: {  	s0 =	sshll.u32 s11, $0x9;
	[sflag:s29] =	ssyncset.done $0x0  }
0x47: {  	s7 =	sxor.u32 $0x1, s11;
	s8 =	sor.u32 $0x100, s0;
	[sflag:s29] =	ssyncadd.s32 $0xFFFFCE00  }
0x48: {  	[spmem:s3] =	stream.indirect.scatter.add.f32 [tilespmem:s19], [sflag:$0x5], $0x80, s8, s18, $0xb8;
	[tilespmem:$0x1B400] =	vst v63  }
0x49: {  	s14 =	sadd.s32 $0x1, s7;
	s12 =	sor.u32 $0x180, s0  }
0x4a: {  	[spmem:s3] =	stream.indirect.scatter.add.f32 [tilespmem:s21], [sflag:$0x6], $0x80, s12, s18, $0xb8;
	[tilespmem:$0x1B400] =	vst v63  }
0x4b: {  	_ =	swait.ge [sflag:s14], $0x200  }
0x4c: {  	[sflag:s14] =	ssyncset.done $0x0  }
0x4d: {  	[sflag:s14] =	ssyncadd.s32 $0xFFFFFE00  }
0x4e: {  	_ =	swait.ge [sflag:s30], $0x3200  }
0x4f: {  	[sflag:s30] =	ssyncset.done $0x0  }
0x50: {  	[sflag:s30] =	ssyncadd.s32 $0xFFFFCE00  }
0x51: {  	_ =	swait.ge [sflag:s31], $0x3200  }
0x52: {  	[sflag:s31] =	ssyncset.done $0x0  }
0x53: {  	s7 =	sshll.u32 s7, $0x9;
	[sflag:s31] =	ssyncadd.s32 $0xFFFFCE00  }
0x54: {  	[tilespmem:s19], [sflag:$0x3] =	stream.indirect.gather [hbm4b:s2+s18], $0x80, s7, s18, $0xb8;
	[tilespmem:$0x1B400] =	vst v63  }
0x55: {  	s6 =	sadd.s32 $0x1, s11;
	s7 =	sor.u32 $0x80, s7  }
0x56: {  	[tilespmem:s21], [sflag:$0x4] =	stream.indirect.gather [hbm4b:s2+s18], $0x80, s7, s18, $0xb8;
	[tilespmem:$0x1B400] =	vst v63  }
0x57: {  	s8 =	sadd.s32 $0x40, s9;
	s14 =	smov.u32 s9;
	s7 =	simm.s32 $0x1  }
.LBB2_6:
0x58: {  	[tilespmem:s0], [sflag:s6] =	stream.linear.gather [hbm4b:s14+s4], $0x200, $0x38;
	[tilespmem:$0x1B400] =	vst v63  }
0x59: {  	s0 =	smov.u32 s7;
	s14 =	smov.u32 s8  }
0x5a: {  	p0 =	sne.s32 s7, $0x2F;
	s7 =	sadd.s32 $0x1, s7;
	_ =	swait.ge [sflag:s28], $0x3200  }
0x5b: {  	[sflag:s28] =	ssyncset.done $0x0  }
0x5c: {  	[sflag:s28] =	ssyncadd.s32 $0xFFFFCE00  }
0x5d: {  	s6 =	sand.u32 $0x1, s0;
	_ =	swait.ge [sflag:s29], $0x3200  }
0x5e: {  	s0 =	sshll.u32 s6, $0x9;
	s10 =	sxor.u32 $0x1, s6;
	[sflag:s29] =	ssyncset.done $0x0  }
0x5f: {  	s11 =	sor.u32 $0x100, s0;
	[sflag:s29] =	ssyncadd.s32 $0xFFFFCE00  }
0x60: {  	[spmem:s3] =	stream.indirect.scatter.add.f32 [tilespmem:s19], [sflag:$0x5], $0x80, s11, s18, $0xb8;
	[tilespmem:$0x1B400] =	vst v63  }
0x61: {  	s12 =	sadd.s32 $0x1, s10;
	s11 =	sor.u32 $0x180, s0  }
0x62: {  	[spmem:s3] =	stream.indirect.scatter.add.f32 [tilespmem:s21], [sflag:$0x6], $0x80, s11, s18, $0xb8;
	[tilespmem:$0x1B400] =	vst v63  }
0x63: {  	_ =	swait.ge [sflag:s12], $0x200  }
0x64: {  	[sflag:s12] =	ssyncset.done $0x0  }
0x65: {  	[sflag:s12] =	ssyncadd.s32 $0xFFFFFE00  }
0x66: {  	_ =	swait.ge [sflag:s30], $0x3200  }
0x67: {  	[sflag:s30] =	ssyncset.done $0x0  }
0x68: {  	[sflag:s30] =	ssyncadd.s32 $0xFFFFCE00  }
0x69: {  	_ =	swait.ge [sflag:s31], $0x3200  }
0x6a: {  	[sflag:s31] =	ssyncset.done $0x0  }
.Ltmp2:
0x6b: {  	s10 =	sshll.u32 s10, $0x9;
	[sflag:s31] =	ssyncadd.s32 $0xFFFFCE00;
	(pc) =	sbr.rel @p0 .LBB2_6-.Ltmp2, $4  }
0x6c: {  	[tilespmem:s19], [sflag:$0x3] =	stream.indirect.gather [hbm4b:s2+s18], $0x80, s10, s18, $0xb8;
	[tilespmem:$0x1B400] =	vst v63  }
0x6d: {  	s10 =	sor.u32 $0x80, s10  }
0x6e: {  	[tilespmem:s21], [sflag:$0x4] =	stream.indirect.gather [hbm4b:s2+s18], $0x80, s10, s18, $0xb8;
	[tilespmem:$0x1B400] =	vst v63  }
0x6f: {  	s8 =	sadd.s32 $0x40, s8;
	s6 =	sadd.s32 $0x1, s6  }
0x70: {  	[tilespmem:s0], [sflag:s6] =	stream.linear.gather [hbm4b:s14+s4], $0x200, $0x38;
	[tilespmem:$0x1B400] =	vst v63  }
0x71: {  	_ =	swait.ge [sflag:s28], $0x3200  }
0x72: {  	[sflag:s28] =	ssyncset.done $0x0  }
0x73: {  	[sflag:s28] =	ssyncadd.s32 $0xFFFFCE00  }
0x74: {  	_ =	swait.ge [sflag:s29], $0x3200  }
0x75: {  	[sflag:s29] =	ssyncset.done $0x0  }
0x76: {  	s10 =	simm.s32 $0x100;
	[sflag:s29] =	ssyncadd.s32 $0xFFFFCE00  }
0x77: {  	[spmem:s3] =	stream.indirect.scatter.add.f32 [tilespmem:s19], [sflag:$0x5], $0x80, s10, s18, $0xb8;
	[tilespmem:$0x1B400] =	vst v63  }
0x78: {  	s11 =	simm.s32 $0x180  }
0x79: {  	[spmem:s3] =	stream.indirect.scatter.add.f32 [tilespmem:s21], [sflag:$0x6], $0x80, s11, s18, $0xb8;
	[tilespmem:$0x1B400] =	vst v63  }
0x7a: {  	_ =	swait.ge [sflag:s20], $0x200  }
0x7b: {  	[sflag:s20] =	ssyncset.done $0x0  }
0x7c: {  	[sflag:s20] =	ssyncadd.s32 $0xFFFFFE00  }
0x7d: {  	_ =	swait.ge [sflag:s30], $0x3200  }
0x7e: {  	[sflag:s30] =	ssyncset.done $0x0  }
0x7f: {  	[sflag:s30] =	ssyncadd.s32 $0xFFFFCE00  }
0x80: {  	_ =	swait.ge [sflag:s31], $0x3200  }
0x81: {  	[sflag:s31] =	ssyncset.done $0x0  }
0x82: {  	[sflag:s31] =	ssyncadd.s32 $0xFFFFCE00  }
0x83: {  	[tilespmem:s19], [sflag:$0x3] =	stream.indirect.gather [hbm4b:s2+s18], $0x80, s26, s18, $0xb8;
	[tilespmem:$0x1B400] =	vst v63  }
0x84: {  	s12 =	simm.s32 $0x280  }
0x85: {  	[tilespmem:s21], [sflag:$0x4] =	stream.indirect.gather [hbm4b:s2+s18], $0x80, s12, s18, $0xb8;
	[tilespmem:$0x1B400] =	vst v63  }
0x86: {  	_ =	swait.ge [sflag:s28], $0x3200  }
0x87: {  	[sflag:s28] =	ssyncset.done $0x0  }
0x88: {  	[sflag:s28] =	ssyncadd.s32 $0xFFFFCE00  }
0x89: {  	_ =	swait.ge [sflag:s29], $0x3200  }
0x8a: {  	[sflag:s29] =	ssyncset.done $0x0  }
0x8b: {  	s14 =	simm.s32 $0x300;
	[sflag:s29] =	ssyncadd.s32 $0xFFFFCE00  }
0x8c: {  	[spmem:s3] =	stream.indirect.scatter.add.f32 [tilespmem:s19], [sflag:$0x5], $0x80, s14, s18, $0xb8;
	[tilespmem:$0x1B400] =	vst v63  }
0x8d: {  	s6 =	simm.s32 $0x380  }
0x8e: {  	[spmem:s3] =	stream.indirect.scatter.add.f32 [tilespmem:s21], [sflag:$0x6], $0x80, s6, s18, $0xb8;
	[tilespmem:$0x1B400] =	vst v63  }
0x8f: {  	_ =	swait.ge [sflag:s30], $0x3200  }
0x90: {  	[sflag:s30] =	ssyncset.done $0x0  }
0x91: {  	[sflag:s30] =	ssyncadd.s32 $0xFFFFCE00  }
0x92: {  	_ =	swait.ge [sflag:s31], $0x3200  }
0x93: {  	[sflag:s31] =	ssyncset.done $0x0  }
0x94: {  	s7 =	stileid.u32;
	[sflag:s31] =	ssyncadd.s32 $0xFFFFCE00  }
0x95: {  	s0 =	sshll.u32 s7, $0x6;
	[bflag:$0x0] =	sbarrier.arrive $0xFFFF  }
0x96: {  	s8 =	sshrl.u32 s5, $0x3;
	s0 =	sor.u32 $0x1C07, s0;
	s7 =	rddreg [dreg:$0x6]  }
0x97: {  	[hbm:s7], [sflag:s0] =	dma.local [spmem:s8], $0x800  }
0x98: {  	_ =	swait.ge [sflag:s16], $0x800  }
0x99: {  	[sflag:s16] =	ssyncset.done $0x0  }
0x9a: {  	s10 =	rddreg [dreg:$0x8];
	[sflag:s16] =	ssyncadd.s32 $0xFFFFF800  }
0x9b: {  	[hbm:s10], [sflag:s0] =	dma.local [spmem:s22], $0x800  }
0x9c: {  	_ =	swait.ge [sflag:s16], $0x800  }
0x9d: {  	[sflag:s16] =	ssyncset.done $0x0  }
0x9e: {  	s11 =	rddreg [dreg:$0x9];
	[sflag:s16] =	ssyncadd.s32 $0xFFFFF800  }
0x9f: {  	[hbm:s11], [sflag:s0] =	dma.local [spmem:s23], $0x800  }
0xa0: {  	_ =	swait.ge [sflag:s16], $0x800  }
0xa1: {  	[sflag:s16] =	ssyncset.done $0x0  }
0xa2: {  	s12 =	rddreg [dreg:$0xa];
	[sflag:s16] =	ssyncadd.s32 $0xFFFFF800  }
0xa3: {  	[hbm:s12], [sflag:s0] =	dma.local [spmem:s24], $0x800  }
0xa4: {  	_ =	swait.ge [sflag:s16], $0x800  }
0xa5: {  	[sflag:s16] =	ssyncset.done $0x0  }
0xa6: {  	[sflag:s16] =	ssyncadd.s32 $0xFFFFF800  }
0xa7: {  	[hbm:s13], [sflag:s0] =	dma.local [spmem:s25], $0x800  }
0xa8: {  	_ =	swait.ge [sflag:s16], $0x800  }
0xa9: {  	s1 =	sadd.s32 $0x1, s1;
	s14 =	rddreg [dreg:$0x7]  }
0xaa: {  	p0 =	sne.s32 s1, s14  }
.Ltmp3:
0xab: {  	_ = 	snop;
	(pc) =	sbr.rel @p0 .LBB2_1-.Ltmp3, $3  }
0xac: {  	_ =	sdelay $0x1  }
0xad: {  	[sflag:s16] =	ssyncset.done $0x0  }
0xae: {  	[sflag:s16] =	ssyncadd.s32 $0xFFFFF800  }
0xaf: {  	_ =	sfence.sel $0x180000  }
0xb0: {  	[bflag:$0x0] =	sbarrier.arrive $0xFFFF  }
0xb1: {  	_ =	strace $0x9000004D  }
0xb2: {  	s0 =	stileid.u32;
	[bflag:$0x2] =	sbarrier.arrive $0xFFFF  }
0xb3: {  	p0 =	sne.s32 s0, $0x0;
	s0 =	rddreg [dreg:$0x3]  }
0xb4: {  	s0 =	sadd.s32 @!p0 $0x100000, s0  }
0xb5: {  	[sflag:s0] =	ssyncadd.tile.s32 @!p0 $0x1;
	_ =	shalt  }
.Lfunc_end2:
_tile_overlayer_lowered:
.L_overlay_start_2:
0xb6: {  	(tag) =	ssettag $0x2  }
0xb7: {  	s0 =	rddreg [dreg:$0x0];
	s2 =	stileid.u32  }
0xb8: {  	s1 =	rddreg [dreg:$0x1];
	p0 =	sne.s32 s2, $0x0  }
0xb9: {  	s3 =	rddreg [dreg:$0x2];
	[bflag:$0x3] =	sbarrier.arrive $0xFFFF;
	s2 =	simm.s32 @!p0 $0x1C07  }
0xba: {  	[timem:s3], [sflag:s2] =	dma.local @!p0 [hbm:s0], s1  }
0xbb: {  	s0 =	simm.s32 @!p0 $0x7  }
0xbc: {  	_ =	swait.ge @!p0 [sflag:s0], s1  }
0xbd: {  	s1 =	ssub.s32 @!p0 $0x0, s1;
	[sflag:s0] =	ssyncset.done @!p0 $0x0  }
0xbe: {  	[sflag:s0] =	ssyncadd.s32 @!p0 s1  }
0xbf: {  	[bflag:$0x3] =	sbarrier.arrive $0xFFFF  }
0xc0: {  	_ =	shalt  }

// kernel: kernel.8.cloned.1.call-start
scs
__scs_entry_jumppad:
0x0: {  	(pc) =	sbr.rel $0x88, $3  }
0x1: {  	(tag) =	ssettag $0x0;
	lr =	simm.s32 $0x1  }
0x2: {  	[smem:$0x3F9B] =	sst lr;
	_ =	strace $0xD0000000  }
0x3: {  	_ = 	snop  }
0x4: {  	_ = 	snop  }
0x5: {  	_ = 	snop  }
0x6: {  	_ = 	snop  }
0x7: {  	_ = 	snop  }
__scs_overlays_trampoline_lowered:
0x8: {  	[smem:$0x3FAA] =	sst s0  }
0x9: {  	[smem:$0x3FAB] =	sst s1  }
0xa: {  	[smem:$0x3FAC] =	sst s2  }
0xb: {  	[smem:$0x3FAD] =	sst s3  }
0xc: {  	[smem:$0x3FAE] =	sst s4  }
0xd: {  	[smem:$0x3FAF] =	sst s5  }
0xe: {  	[smem:$0x3FB0] =	sst s6  }
0xf: {  	[smem:$0x3FB1] =	sst s7  }
0x10: {  	[smem:$0x3FB2] =	sst s8  }
0x11: {  	[smem:$0x3FB3] =	sst s9;
	s0 =	simm.s32 @!p0 $0x0  }
0x12: {  	s1 =	sld [smem:$0x3F99];
	s0 =	simm.s32 @p0 $0x1  }
0x13: {  	[smem:$0x3FB4] =	sst s0;
	s0 =	simm.s32 @!p1 $0x0  }
0x14: {  	s2 =	sld [smem:$0x3F98];
	s0 =	simm.s32 @p1 $0x1  }
0x15: {  	[smem:$0x3FB5] =	sst s0;
	s0 =	simm.s32 @!p2 $0x0  }
0x16: {  	s3 =	sld [smem:$0x3FDB];
	s0 =	simm.s32 @p2 $0x1  }
0x17: {  	s4 =	simm.s32 $0x1BF5;
	[smem:$0x3FB7] =	sst s0  }
0x18: {  	s0 =	sld [smem:$0x3F9A];
	_ =	swait.ge [sflag:s4], $0x0  }
0x19: {  	s7 =	sld [smem:$0x3F9B]  }
0x1a: {  	s8 =	sadd.s32 $0xFFFFE003, lr  }
0x1b: {  	s9 =	sadd.s32 $0xFFFFFEF7, lr;
	s5 =	simm.s32 $0xFFFFFFFF;
	p2 =	slt.u32 s8, $0xFFFFF086  }
0x1c: {  	p1 =	slt.u32 s9, $0xF7A;
	s5 =	simm.s32 @!p2 $0x0  }
0x1d: {  	s5 =	simm.s32 @p1 $0x1;
	p0 =	seq.s32 s7, s2  }
0x1e: {  	s7 =	smul.u32 @!p0 $0xF7A, s2;
	p2 =	seq.s32 @!p0 s5, $0x0  }
0x1f: {  	s9 =	smul.u32 $0xF7A, s1;
	s8 =	simm.s32 @!p0 $0x1BF5;
	p2 =	por !p2, p0  }
0x20: {  	[sflag:s8] =	ssyncset.s32 @!p0 $0xFFFFF086;
	s6 =	sadd.s32 @!p0 s3, s7;
	s7 =	simm.s32 @!p0 $0x108  }
0x21: {  	s3 =	sadd.s32 s3, s9;
	s6 =	sadd.s32 @!p0 $0x88, s6;
	s7 =	simm.s32 @p2 $0x1082  }
0x22: {  	[simem:s7], [sflag:s8] =	dma.local @!p0 [hbm:s6], $0xF7A  }
0x23: {  	s9 =	sor.u32 $0xD0000000, s2;
	s6 =	simm.s32 $0x108;
	_ =	swait.ge @!p0 [sflag:s8], $0x0  }
0x24: {  	s3 =	sadd.s32 $0x88, s3;
	s6 =	simm.s32 @!p1 $0x1082;
	[sflag:s4] =	ssyncset.s32 $0xFFFFF086  }
0x25: {  	[simem:s6], [sflag:s4] =	dma.local [hbm:s3], $0xF7A  }
0x26: {  	[smem:$0x3F9B] =	sst s1;
	(tag) =	ssettag s2;
	_ =	strace s9  }
0x27: {  	s1 =	sld [smem:$0x3FAB]  }
0x28: {  	s2 =	sld [smem:$0x3FAC]  }
0x29: {  	s4 =	sld [smem:$0x3FAE]  }
0x2a: {  	p0 =	seq.s32 s5, $0x0;
	s5 =	sld [smem:$0x3FAF]  }
0x2b: {  	s6 =	sld [smem:$0x3FB0]  }
0x2c: {  	s7 =	sld [smem:$0x3FB1]  }
0x2d: {  	s3 =	simm.s32 $0x108;
	s8 =	sld [smem:$0x3FB2]  }
0x2e: {  	s3 =	simm.s32 @!p0 $0x1082;
	s9 =	sld [smem:$0x3FB3]  }
0x2f: {  	lr =	sadd.s32 s0, s3;
	s0 =	sld [smem:$0x3FAA]  }
0x30: {  	s3 =	sld [smem:$0x3FAD]  }
0x31: {  	[smem:$0x3FB6] =	sst s10  }
0x32: {  	s10 =	sld [smem:$0x3FB4];
	_ =	sdelay $0x3  }
0x33: {  	p0 =	seq.s32 s10, $0x1;
	s10 =	sld [smem:$0x3FB6];
	_ =	sdelay $0x3  }
0x34: {  	[smem:$0x3FB6] =	sst s10  }
0x35: {  	s10 =	sld [smem:$0x3FB5];
	_ =	sdelay $0x3  }
0x36: {  	p1 =	seq.s32 s10, $0x1;
	s10 =	sld [smem:$0x3FB6];
	_ =	sdelay $0x3  }
0x37: {  	[smem:$0x3FB6] =	sst s10  }
0x38: {  	s10 =	sld [smem:$0x3FB7]  }
0x39: {  	_ = 	snop;
	(pc) =	sbr.ind lr, $3  }
0x3a: {  	_ = 	snop  }
0x3b: {  	_ = 	snop  }
0x3c: {  	p2 =	seq.s32 s10, $0x1;
	s10 =	sld [smem:$0x3FB6]  }
0x3d: {  	_ =	shalt  }
0x3e: {  	_ =	shalt  }
0x3f: {  	_ =	shalt  }
0x40: {  	_ =	shalt  }
0x41: {  	_ =	shalt  }
0x42: {  	_ =	shalt  }
0x43: {  	_ =	shalt  }
0x44: {  	_ =	shalt  }
0x45: {  	_ =	shalt  }
0x46: {  	_ =	shalt  }
0x47: {  	_ =	shalt  }
0x48: {  	_ =	shalt  }
0x49: {  	_ =	shalt  }
0x4a: {  	_ =	shalt  }
0x4b: {  	_ =	shalt  }
0x4c: {  	_ =	shalt  }
0x4d: {  	_ =	shalt  }
0x4e: {  	_ =	shalt  }
0x4f: {  	_ =	shalt  }
0x50: {  	_ =	shalt  }
0x51: {  	_ =	shalt  }
0x52: {  	_ =	shalt  }
0x53: {  	_ =	shalt  }
0x54: {  	_ =	shalt  }
0x55: {  	_ =	shalt  }
0x56: {  	_ =	shalt  }
0x57: {  	_ =	shalt  }
0x58: {  	_ =	shalt  }
0x59: {  	_ =	shalt  }
0x5a: {  	_ =	shalt  }
0x5b: {  	_ =	shalt  }
0x5c: {  	_ =	shalt  }
0x5d: {  	_ =	shalt  }
0x5e: {  	_ =	shalt  }
0x5f: {  	_ =	shalt  }
0x60: {  	_ =	shalt  }
0x61: {  	_ =	shalt  }
0x62: {  	_ =	shalt  }
0x63: {  	_ =	shalt  }
0x64: {  	_ =	shalt  }
0x65: {  	_ =	shalt  }
0x66: {  	_ =	shalt  }
0x67: {  	_ =	shalt  }
0x68: {  	_ =	shalt  }
0x69: {  	_ =	shalt  }
0x6a: {  	_ =	shalt  }
0x6b: {  	_ =	shalt  }
0x6c: {  	_ =	shalt  }
0x6d: {  	_ =	shalt  }
0x6e: {  	_ =	shalt  }
0x6f: {  	_ =	shalt  }
0x70: {  	_ =	shalt  }
0x71: {  	_ =	shalt  }
0x72: {  	_ =	shalt  }
0x73: {  	_ =	shalt  }
0x74: {  	_ =	shalt  }
0x75: {  	_ =	shalt  }
0x76: {  	_ =	shalt  }
0x77: {  	_ =	shalt  }
0x78: {  	_ =	shalt  }
0x79: {  	_ =	shalt  }
0x7a: {  	_ =	shalt  }
0x7b: {  	_ =	shalt  }
0x7c: {  	_ =	shalt  }
0x7d: {  	_ =	shalt  }
0x7e: {  	_ =	shalt  }
0x7f: {  	_ =	shalt  }
0x80: {  	_ =	shalt  }
0x81: {  	_ =	shalt  }
0x82: {  	_ =	shalt  }
0x83: {  	_ =	shalt  }
0x84: {  	_ =	shalt  }
0x85: {  	_ =	shalt  }
0x86: {  	_ =	shalt  }
0x87: {  	_ =	shalt  }
.Lfunc_end0:
.L_simem_size_0:
called_computation_lowered:
.L_overlay_start_0:
0x88: {  	s2 =	sld [smem:$0x3FD9]  }
0x89: {  	s3 =	sld [smem:$0x3FFE];
	_ =	sdelay $0x1  }
0x8a: {  	s1 =	srdreg.scid  }
0x8b: {  	s0 =	sand.u32 $0x1, s1  }
0x8c: {  	s17 =	sshll.u32 s0, $0xA;
	s2 =	sadd.s32 s3, s2  }
0x8d: {  	s2 =	sadd.s32 s2, s17  }
0x8e: {  	[smem:$0x3FC2] =	sst s2  }
0x8f: {  	_ = 	snop  }
0x90: {  	s2 =	sld [smem:$0x3FD0];
	(tm) =	ssettm $0x1  }
0x91: {  	s18 =	sld [smem:$0x3FFB];
	_ =	sdelay $0x3  }
0x92: {  	_ =	strace s18  }
0x93: {  	s3 =	sld [smem:$0x3FFC];
	_ =	sdelay $0x3  }
0x94: {  	_ =	strace s3  }
0x95: {  	s3 =	sld [smem:$0x3FFD];
	_ =	sdelay $0x3  }
0x96: {  	_ =	strace s3  }
0x97: {  	_ =	strace $0x8FFFFFFF  }
0x98: {  	s19 =	sld [smem:$0x3FDB];
	_ =	sdelay $0x1  }
0x99: {  	s4 =	simm.s32 $_scs_section_size  }
0x9a: {  	s5 =	simm.s32 $_size__tile_overlayer_lowered;
	s6 =	simm.s32 $_tile_overlayer_lowered  }
0x9b: {  	s22 =	simm.s32 $0x1BFF;
	s21 =	sshll.u32 s6, $0x1;
	s3 =	sadd.s32 s4, s19  }
0x9c: {  	s7 =	simm.s32 $0x0;
	s20 =	sshll.u32 s5, $0x1;
	s5 =	sadd.s32 s21, s3  }
0x9d: {  	[timem:s7], [sflag:s22] =	dma.local [hbm:s5], s20  }
0x9e: {  	_ =	swait.ge [sflag:s22], s20  }
0x9f: {  	s4 =	ssub.s32 $0x0, s20;
	[sflag:s22] =	ssyncset.done $0x0  }
0xa0: {  	[sflag:s22] =	ssyncadd.s32 s4;
	_ =	sdelay $0x1  }
0xa1: {  	s23 =	simm.s32 $0x1B8B  }
0xa2: {  	_ =	swait.ge [sflag:s23], $0x1  }
0xa3: {  	[sflag:s23] =	ssyncset.done $0x0  }
0xa4: {  	s25 =	simm.s32 $0x1B8E;
	s24 =	sld [smem:$0x3FFE];
	[sflag:s23] =	ssyncadd.s32 $0xFFFFFFFF  }
0xa5: {  	s26 =	simm.s32 $execute0_lowered;
	[smem:$0x3FD2] =	sst s25  }
0xa6: {  	s5 =	sshll.u32 s26, $0x1;
	_ =	strace $0x80000046;
	[dreg:$0x1] =	wrdreg $0xFFFFFFFF  }
0xa7: {  	s28 =	simm.s32 $_size_execute0_lowered;
	s3 =	sadd.s32 s3, s5;
	[dreg:$0x0] =	wrdreg $0x0  }
0xa8: {  	s5 =	sshll.u32 s28, $0x1;
	[dreg:$0x2] =	wrdreg s3  }
0xa9: {  	[dreg:$0x3] =	wrdreg s5  }
0xaa: {  	[dreg:$0x4] =	wrdreg $0xC0  }
0xab: {  	_ =	task [dreg:s7], $0x5FFFF  }
0xac: {  	[dreg:$0x1] =	wrdreg $0xFFFFFFFF  }
0xad: {  	[dreg:$0x0] =	wrdreg $0x60  }
0xae: {  	[dreg:$0x2] =	wrdreg s2  }
0xaf: {  	[dreg:$0x3] =	wrdreg s24  }
0xb0: {  	[dreg:$0x4] =	wrdreg $0x88000  }
0xb1: {  	[dreg:$0x5] =	wrdreg $0x9  }
0xb2: {  	_ =	task.clear_ibuf [dreg:s7], $0x6FFFF;
	_ =	strace $0x90000046  }
0xb3: {  	s29 =	simm.s32 $0x9;
	_ =	strace $0x80000048  }
0xb4: {  	_ =	swait.ge [sflag:s29], $0x1  }
0xb5: {  	[sflag:s29] =	ssyncadd.s32 $0xFFFFFFFF  }
0xb6: {  	_ =	strace $0x90000048  }
0xb7: {  	_ =	sfence  }
0xb8: {  	s30 =	sld [smem:$0x0];
	_ =	sdelay $0x2  }
0xb9: {  	s31 =	sshll.u32 s1, $0xD;
	s1 =	sshrl.u32 s1, $0x2  }
0xba: {  	s3 =	sand.u32 $0x4000, s31;
	s1 =	sadd.s32 s1, s30  }
0xbb: {  	s0 =	sor.u32 s3, s0;
	s1 =	sshll.u32 s1, $0x11  }
0xbc: {  	s0 =	sor.u32 s1, s0  }
0xbd: {  	s0 =	sadd.s32 $0x8F2B, s0  }
0xbe: {  	[sflag:s0] =	ssyncadd.remote.s32 $0x1  }
0xbf: {  	_ =	sfence.sel $0xFFFF  }
0xc0: {  	[dreg:$0x0] =	wrdreg $0xFFFFFFFF;
	(pc) =	sbr.abs _section_cstart, $3  }
0xc1: {  	[dreg:$0x1] =	wrdreg $0xFFFFFFFF  }
0xc2: {  	_ =	task.clear_ibuf [dreg:s7], $0x2FFFF;
	_ =	strace $0x9FFFFFFF  }
0xc3: {  	(tm) =	ssettm $0x7FFFFFFF  }
tec
execute0_lowered:
.L_overlay_start_1:
0x0: {  	(tag) =	ssettag $0x1  }
0x1: {  	s0 =	rddreg [dreg:$0x0]  }
0x2: {  	s1 =	rddreg [dreg:$0x1];
	s3 =	srdreg.scid  }
0x3: {  	s2 =	rddreg [dreg:$0x2];
	s8 =	stileid.u32;
	s12 =	simm.s32 $0x4800  }
0x4: {  	s13 =	simm.s32 $0x1;
	s14 =	simm.s32 $0x7D;
	s15 =	simm.s32 $0x800  }
0x5: {  	s16 =	simm.s32 $0x80;
	s17 =	simm.s32 $0x100;
	s18 =	simm.s32 $0x180  }
0x6: {  	s19 =	simm.s32 $0x200;
	s20 =	simm.s32 $0x280;
	s6 =	smul.u32 $0x14000, s8  }
0x7: {  	s28 =	simm.s32 $0x600;
	s29 =	simm.s32 $0x680;
	s7 =	smul.u32 $0x50000, s8  }
0x8: {  	s30 =	simm.s32 $0x700;
	s4 =	sand.u32 $0x1, s3;
	s9 =	smul.u32 $0x5000, s8  }
0x9: {  	s31 =	simm.s32 $0x780;
	s3 =	simm.s32 $0x0;
	s5 =	smul.u32 $0x140000, s4  }
0xa: {  	[smem:$0x7FF] =	sst s3;
	s21 =	ssub.s32 $0x2, s4;
	s10 =	smul.u32 $0x2800, s4  }
0xb: {  	_ =	strace $0x80000047;
	s22 =	sshrl.u32 s21, $0x1;
	s23 =	sshrl.u32 s7, $0x2  }
0xc: {  	s5 =	sadd.s32 s6, s5;
	s4 =	sadd.s32 s23, s2;
	s26 =	sadd.s32 s10, s9  }
0xd: {  	s23 =	simm.s32 $0x400;
	s5 =	sshrl.u32 s5, $0x3;
	s25 =	sadd.s32 $0x4000, s4  }
0xe: {  	s8 =	sadd.s32 $0x8000, s4;
	s9 =	sadd.s32 $0xC000, s4;
	s10 =	sadd.s32 $0x10000, s4  }
0xf: {  	s1 =	sadd.s32 s5, s1;
	s5 =	ssub.s32 s21, s22;
	[dreg:$0x6] =	wrdreg s25  }
0x10: {  	s21 =	simm.s32 $0x300;
	s22 =	simm.s32 $0x380;
	s1 =	sadd.s32 $0x2A00, s1  }
0x11: {  	s25 =	simm.s32 $0x500;
	s24 =	smax.u32 s5, $0x1;
	[dreg:$0x4] =	wrdreg s1  }
0x12: {  	[dreg:$0x5] =	wrdreg s24;
	s1 =	sshrl.u32 s26, $0x3;
	s24 =	simm.s32 $0x480  }
0x13: {  	v0 =	vimm.f32 $1.000000000e+00;
	v1 =	vimm.f32 $0.0e+00;
	s26 =	simm.s32 $0x580;
	s11 =	sadd.s32 s1, s0;
	s0 =	simm.s32 $0x0  }
.LBB2_1:
0x14: {  	s1 =	simm.s32 $0x0  }
.LBB2_2:
0x15: {  	p0 =	sne.s32 s1, $0xF800  }
.Ltmp0:
0x16: {  	_ = 	snop;
	(pc) =	sbr.rel @p0 .LBB2_2-.Ltmp0, $3  }
0x17: {  	_ =	sdelay $0x1  }
0x18: {  	s5 =	sshra.s32 s1, $0x2  }
0x19: {  	s1 =	sadd.s32 $0x200, s1;
	[tilespmem:s5+$0x800] =	vst v0  }
0x1a: {  	s1 =	simm.s32 $0x200;
	s5 =	simm.s32 $0x0  }
.LBB2_4:
0x1b: {  	p0 =	sne.s32 s1, $0xFE00;
	[tilespmem:s5+$0x4800] =	vst v1;
	s5 =	smov.u32 s1;
	s1 =	sadd.s32 $0x200, s1  }
.Ltmp1:
0x1c: {  	(pc) =	sbr.rel @p0 .LBB2_4-.Ltmp1, $2  }
0x1d: {  	_ =	sdelay $0x2  }
0x1e: {  	s5 =	sshra.s32 s5, $0x2  }
0x1f: {  	[tilespmem:s5+$0x4800] =	vst v1  }
0x20: {  	[spmem:s4] =	stream.linear.scatter [tilespmem:s12], [sflag:$0x1], $0x4000, $0x38;
	[tilespmem:$0xB000] =	vst v63  }
0x21: {  	_ =	swait.ge [sflag:s13], $0x4000  }
0x22: {  	[sflag:s13] =	ssyncset.done $0x0  }
0x23: {  	s1 =	rddreg [dreg:$0x6];
	[sflag:s13] =	ssyncadd.s32 $0xFFFFC000  }
0x24: {  	[spmem:s1] =	stream.linear.scatter [tilespmem:s12], [sflag:$0x1], $0x4000, $0x38;
	[tilespmem:$0xB000] =	vst v63  }
0x25: {  	_ =	swait.ge [sflag:s13], $0x4000  }
0x26: {  	[sflag:s13] =	ssyncset.done $0x0  }
0x27: {  	[sflag:s13] =	ssyncadd.s32 $0xFFFFC000  }
0x28: {  	[spmem:s8] =	stream.linear.scatter [tilespmem:s12], [sflag:$0x1], $0x4000, $0x38;
	[tilespmem:$0xB000] =	vst v63  }
0x29: {  	_ =	swait.ge [sflag:s13], $0x4000  }
0x2a: {  	[sflag:s13] =	ssyncset.done $0x0  }
0x2b: {  	[sflag:s13] =	ssyncadd.s32 $0xFFFFC000  }
0x2c: {  	[spmem:s9] =	stream.linear.scatter [tilespmem:s12], [sflag:$0x1], $0x4000, $0x38;
	[tilespmem:$0xB000] =	vst v63  }
0x2d: {  	_ =	swait.ge [sflag:s13], $0x4000  }
0x2e: {  	[sflag:s13] =	ssyncset.done $0x0  }
0x2f: {  	[sflag:s13] =	ssyncadd.s32 $0xFFFFC000  }
0x30: {  	[spmem:s10] =	stream.linear.scatter [tilespmem:s12], [sflag:$0x1], $0x4000, $0x38;
	[tilespmem:$0xB000] =	vst v63  }
0x31: {  	_ =	swait.ge [sflag:s13], $0x4000  }
0x32: {  	[sflag:s13] =	ssyncset.done $0x0  }
0x33: {  	[sflag:s13] =	ssyncadd.s32 $0xFFFFC000  }
0x34: {  	s7 =	sadd.s32 $0x0, s11;
	[bflag:$0x0] =	sbarrier.arrive $0xFFFF  }
0x35: {  	[tilespmem:s3], [sflag:$0x1] =	stream.linear.gather [hbm4b:s7+s3], $0x800, $0x38;
	[tilespmem:$0xB000] =	vst v63  }
0x36: {  	_ =	swait.ge [sflag:s13], $0x800  }
0x37: {  	[sflag:s13] =	ssyncset.done $0x0  }
0x38: {  	[sflag:s13] =	ssyncadd.s32 $0xFFFFF800  }
0x39: {  	[spmem:s2] =	stream.indirect.scatter.add.f32 [tilespmem:s15], [sflag:$0x1], $0x10, s3, s14, $0xb8;
	[tilespmem:$0xB000] =	vst v63  }
0x3a: {  	_ =	swait.ge [sflag:s13], $0x7D0  }
0x3b: {  	[sflag:s13] =	ssyncset.done $0x0  }
0x3c: {  	[sflag:s13] =	ssyncadd.s32 $0xFFFFF830  }
0x3d: {  	[spmem:s2] =	stream.indirect.scatter.add.f32 [tilespmem:s15], [sflag:$0x1], $0x10, s16, s14, $0xb8;
	[tilespmem:$0xB000] =	vst v63  }
0x3e: {  	_ =	swait.ge [sflag:s13], $0x7D0  }
0x3f: {  	[sflag:s13] =	ssyncset.done $0x0  }
0x40: {  	[sflag:s13] =	ssyncadd.s32 $0xFFFFF830  }
0x41: {  	[spmem:s2] =	stream.indirect.scatter.add.f32 [tilespmem:s15], [sflag:$0x1], $0x10, s17, s14, $0xb8;
	[tilespmem:$0xB000] =	vst v63  }
0x42: {  	_ =	swait.ge [sflag:s13], $0x7D0  }
0x43: {  	[sflag:s13] =	ssyncset.done $0x0  }
0x44: {  	[sflag:s13] =	ssyncadd.s32 $0xFFFFF830  }
0x45: {  	[spmem:s2] =	stream.indirect.scatter.add.f32 [tilespmem:s15], [sflag:$0x1], $0x10, s18, s14, $0xb8;
	[tilespmem:$0xB000] =	vst v63  }
0x46: {  	_ =	swait.ge [sflag:s13], $0x7D0  }
0x47: {  	[sflag:s13] =	ssyncset.done $0x0  }
0x48: {  	[sflag:s13] =	ssyncadd.s32 $0xFFFFF830  }
0x49: {  	[spmem:s2] =	stream.indirect.scatter.add.f32 [tilespmem:s15], [sflag:$0x1], $0x10, s19, s14, $0xb8;
	[tilespmem:$0xB000] =	vst v63  }
0x4a: {  	_ =	swait.ge [sflag:s13], $0x7D0  }
0x4b: {  	[sflag:s13] =	ssyncset.done $0x0  }
0x4c: {  	[sflag:s13] =	ssyncadd.s32 $0xFFFFF830  }
0x4d: {  	[spmem:s2] =	stream.indirect.scatter.add.f32 [tilespmem:s15], [sflag:$0x1], $0x10, s20, s14, $0xb8;
	[tilespmem:$0xB000] =	vst v63  }
0x4e: {  	_ =	swait.ge [sflag:s13], $0x7D0  }
0x4f: {  	[sflag:s13] =	ssyncset.done $0x0  }
0x50: {  	[sflag:s13] =	ssyncadd.s32 $0xFFFFF830  }
0x51: {  	[spmem:s2] =	stream.indirect.scatter.add.f32 [tilespmem:s15], [sflag:$0x1], $0x10, s21, s14, $0xb8;
	[tilespmem:$0xB000] =	vst v63  }
0x52: {  	_ =	swait.ge [sflag:s13], $0x7D0  }
0x53: {  	[sflag:s13] =	ssyncset.done $0x0  }
0x54: {  	[sflag:s13] =	ssyncadd.s32 $0xFFFFF830  }
0x55: {  	[spmem:s2] =	stream.indirect.scatter.add.f32 [tilespmem:s15], [sflag:$0x1], $0x10, s22, s14, $0xb8;
	[tilespmem:$0xB000] =	vst v63  }
0x56: {  	_ =	swait.ge [sflag:s13], $0x7D0  }
0x57: {  	[sflag:s13] =	ssyncset.done $0x0  }
0x58: {  	[sflag:s13] =	ssyncadd.s32 $0xFFFFF830  }
0x59: {  	[spmem:s2] =	stream.indirect.scatter.add.f32 [tilespmem:s15], [sflag:$0x1], $0x10, s23, s14, $0xb8;
	[tilespmem:$0xB000] =	vst v63  }
0x5a: {  	_ =	swait.ge [sflag:s13], $0x7D0  }
0x5b: {  	[sflag:s13] =	ssyncset.done $0x0  }
0x5c: {  	[sflag:s13] =	ssyncadd.s32 $0xFFFFF830  }
0x5d: {  	[spmem:s2] =	stream.indirect.scatter.add.f32 [tilespmem:s15], [sflag:$0x1], $0x10, s24, s14, $0xb8;
	[tilespmem:$0xB000] =	vst v63  }
0x5e: {  	_ =	swait.ge [sflag:s13], $0x7D0  }
0x5f: {  	[sflag:s13] =	ssyncset.done $0x0  }
0x60: {  	[sflag:s13] =	ssyncadd.s32 $0xFFFFF830  }
0x61: {  	[spmem:s2] =	stream.indirect.scatter.add.f32 [tilespmem:s15], [sflag:$0x1], $0x10, s25, s14, $0xb8;
	[tilespmem:$0xB000] =	vst v63  }
0x62: {  	_ =	swait.ge [sflag:s13], $0x7D0  }
0x63: {  	[sflag:s13] =	ssyncset.done $0x0  }
0x64: {  	[sflag:s13] =	ssyncadd.s32 $0xFFFFF830  }
0x65: {  	[spmem:s2] =	stream.indirect.scatter.add.f32 [tilespmem:s15], [sflag:$0x1], $0x10, s26, s14, $0xb8;
	[tilespmem:$0xB000] =	vst v63  }
0x66: {  	_ =	swait.ge [sflag:s13], $0x7D0  }
0x67: {  	[sflag:s13] =	ssyncset.done $0x0  }
0x68: {  	[sflag:s13] =	ssyncadd.s32 $0xFFFFF830  }
0x69: {  	[spmem:s2] =	stream.indirect.scatter.add.f32 [tilespmem:s15], [sflag:$0x1], $0x10, s28, s14, $0xb8;
	[tilespmem:$0xB000] =	vst v63  }
0x6a: {  	_ =	swait.ge [sflag:s13], $0x7D0  }
0x6b: {  	[sflag:s13] =	ssyncset.done $0x0  }
0x6c: {  	[sflag:s13] =	ssyncadd.s32 $0xFFFFF830  }
0x6d: {  	[spmem:s2] =	stream.indirect.scatter.add.f32 [tilespmem:s15], [sflag:$0x1], $0x10, s29, s14, $0xb8;
	[tilespmem:$0xB000] =	vst v63  }
0x6e: {  	_ =	swait.ge [sflag:s13], $0x7D0  }
0x6f: {  	[sflag:s13] =	ssyncset.done $0x0  }
0x70: {  	[sflag:s13] =	ssyncadd.s32 $0xFFFFF830  }
0x71: {  	[spmem:s2] =	stream.indirect.scatter.add.f32 [tilespmem:s15], [sflag:$0x1], $0x10, s30, s14, $0xb8;
	[tilespmem:$0xB000] =	vst v63  }
0x72: {  	_ =	swait.ge [sflag:s13], $0x7D0  }
0x73: {  	[sflag:s13] =	ssyncset.done $0x0  }
0x74: {  	[sflag:s13] =	ssyncadd.s32 $0xFFFFF830  }
0x75: {  	[spmem:s2] =	stream.indirect.scatter.add.f32 [tilespmem:s15], [sflag:$0x1], $0x10, s31, s14, $0xb8;
	[tilespmem:$0xB000] =	vst v63  }
0x76: {  	_ =	swait.ge [sflag:s13], $0x7D0  }
0x77: {  	s5 =	simm.s32 $0x200;
	s1 =	simm.s32 $0x100;
	[sflag:s13] =	ssyncset.done $0x0  }
.LBB2_6:
0x78: {  	s7 =	sadd.s32 s1, s11  }
0x79: {  	[sflag:s13] =	ssyncadd.s32 $0xFFFFF830;
	s1 =	smov.u32 s5;
	s6 =	sadd.s32 $0x100, s5  }
0x7a: {  	[tilespmem:s3], [sflag:$0x1] =	stream.linear.gather [hbm4b:s7+s3], $0x800, $0x38;
	[tilespmem:$0xB000] =	vst v63  }
0x7b: {  	p0 =	sne.s32 s5, $0x400;
	_ =	swait.ge [sflag:s13], $0x800  }
0x7c: {  	[sflag:s13] =	ssyncset.done $0x0  }
0x7d: {  	[sflag:s13] =	ssyncadd.s32 $0xFFFFF800  }
0x7e: {  	[spmem:s2] =	stream.indirect.scatter.add.f32 [tilespmem:s15], [sflag:$0x1], $0x10, s3, s14, $0xb8;
	[tilespmem:$0xB000] =	vst v63  }
0x7f: {  	_ =	swait.ge [sflag:s13], $0x7D0  }
0x80: {  	[sflag:s13] =	ssyncset.done $0x0  }
0x81: {  	[sflag:s13] =	ssyncadd.s32 $0xFFFFF830  }
0x82: {  	[spmem:s2] =	stream.indirect.scatter.add.f32 [tilespmem:s15], [sflag:$0x1], $0x10, s16, s14, $0xb8;
	[tilespmem:$0xB000] =	vst v63  }
0x83: {  	_ =	swait.ge [sflag:s13], $0x7D0  }
0x84: {  	[sflag:s13] =	ssyncset.done $0x0  }
0x85: {  	[sflag:s13] =	ssyncadd.s32 $0xFFFFF830  }
0x86: {  	[spmem:s2] =	stream.indirect.scatter.add.f32 [tilespmem:s15], [sflag:$0x1], $0x10, s17, s14, $0xb8;
	[tilespmem:$0xB000] =	vst v63  }
0x87: {  	_ =	swait.ge [sflag:s13], $0x7D0  }
0x88: {  	[sflag:s13] =	ssyncset.done $0x0  }
0x89: {  	[sflag:s13] =	ssyncadd.s32 $0xFFFFF830  }
0x8a: {  	[spmem:s2] =	stream.indirect.scatter.add.f32 [tilespmem:s15], [sflag:$0x1], $0x10, s18, s14, $0xb8;
	[tilespmem:$0xB000] =	vst v63  }
0x8b: {  	_ =	swait.ge [sflag:s13], $0x7D0  }
0x8c: {  	[sflag:s13] =	ssyncset.done $0x0  }
0x8d: {  	[sflag:s13] =	ssyncadd.s32 $0xFFFFF830  }
0x8e: {  	[spmem:s2] =	stream.indirect.scatter.add.f32 [tilespmem:s15], [sflag:$0x1], $0x10, s19, s14, $0xb8;
	[tilespmem:$0xB000] =	vst v63  }
0x8f: {  	_ =	swait.ge [sflag:s13], $0x7D0  }
0x90: {  	[sflag:s13] =	ssyncset.done $0x0  }
0x91: {  	[sflag:s13] =	ssyncadd.s32 $0xFFFFF830  }
0x92: {  	[spmem:s2] =	stream.indirect.scatter.add.f32 [tilespmem:s15], [sflag:$0x1], $0x10, s20, s14, $0xb8;
	[tilespmem:$0xB000] =	vst v63  }
0x93: {  	_ =	swait.ge [sflag:s13], $0x7D0  }
0x94: {  	[sflag:s13] =	ssyncset.done $0x0  }
0x95: {  	[sflag:s13] =	ssyncadd.s32 $0xFFFFF830  }
0x96: {  	[spmem:s2] =	stream.indirect.scatter.add.f32 [tilespmem:s15], [sflag:$0x1], $0x10, s21, s14, $0xb8;
	[tilespmem:$0xB000] =	vst v63  }
0x97: {  	_ =	swait.ge [sflag:s13], $0x7D0  }
0x98: {  	[sflag:s13] =	ssyncset.done $0x0  }
0x99: {  	[sflag:s13] =	ssyncadd.s32 $0xFFFFF830  }
0x9a: {  	[spmem:s2] =	stream.indirect.scatter.add.f32 [tilespmem:s15], [sflag:$0x1], $0x10, s22, s14, $0xb8;
	[tilespmem:$0xB000] =	vst v63  }
0x9b: {  	_ =	swait.ge [sflag:s13], $0x7D0  }
0x9c: {  	[sflag:s13] =	ssyncset.done $0x0  }
0x9d: {  	[sflag:s13] =	ssyncadd.s32 $0xFFFFF830  }
0x9e: {  	[spmem:s2] =	stream.indirect.scatter.add.f32 [tilespmem:s15], [sflag:$0x1], $0x10, s23, s14, $0xb8;
	[tilespmem:$0xB000] =	vst v63  }
0x9f: {  	_ =	swait.ge [sflag:s13], $0x7D0  }
0xa0: {  	[sflag:s13] =	ssyncset.done $0x0  }
0xa1: {  	[sflag:s13] =	ssyncadd.s32 $0xFFFFF830  }
0xa2: {  	[spmem:s2] =	stream.indirect.scatter.add.f32 [tilespmem:s15], [sflag:$0x1], $0x10, s24, s14, $0xb8;
	[tilespmem:$0xB000] =	vst v63  }
0xa3: {  	_ =	swait.ge [sflag:s13], $0x7D0  }
0xa4: {  	[sflag:s13] =	ssyncset.done $0x0  }
0xa5: {  	[sflag:s13] =	ssyncadd.s32 $0xFFFFF830  }
0xa6: {  	[spmem:s2] =	stream.indirect.scatter.add.f32 [tilespmem:s15], [sflag:$0x1], $0x10, s25, s14, $0xb8;
	[tilespmem:$0xB000] =	vst v63  }
0xa7: {  	_ =	swait.ge [sflag:s13], $0x7D0  }
0xa8: {  	[sflag:s13] =	ssyncset.done $0x0  }
0xa9: {  	[sflag:s13] =	ssyncadd.s32 $0xFFFFF830  }
0xaa: {  	[spmem:s2] =	stream.indirect.scatter.add.f32 [tilespmem:s15], [sflag:$0x1], $0x10, s26, s14, $0xb8;
	[tilespmem:$0xB000] =	vst v63  }
0xab: {  	_ =	swait.ge [sflag:s13], $0x7D0  }
0xac: {  	[sflag:s13] =	ssyncset.done $0x0  }
0xad: {  	[sflag:s13] =	ssyncadd.s32 $0xFFFFF830  }
0xae: {  	[spmem:s2] =	stream.indirect.scatter.add.f32 [tilespmem:s15], [sflag:$0x1], $0x10, s28, s14, $0xb8;
	[tilespmem:$0xB000] =	vst v63  }
0xaf: {  	_ =	swait.ge [sflag:s13], $0x7D0  }
0xb0: {  	[sflag:s13] =	ssyncset.done $0x0  }
0xb1: {  	[sflag:s13] =	ssyncadd.s32 $0xFFFFF830  }
0xb2: {  	[spmem:s2] =	stream.indirect.scatter.add.f32 [tilespmem:s15], [sflag:$0x1], $0x10, s29, s14, $0xb8;
	[tilespmem:$0xB000] =	vst v63  }
0xb3: {  	_ =	swait.ge [sflag:s13], $0x7D0  }
0xb4: {  	[sflag:s13] =	ssyncset.done $0x0  }
0xb5: {  	[sflag:s13] =	ssyncadd.s32 $0xFFFFF830  }
0xb6: {  	[spmem:s2] =	stream.indirect.scatter.add.f32 [tilespmem:s15], [sflag:$0x1], $0x10, s30, s14, $0xb8;
	[tilespmem:$0xB000] =	vst v63  }
0xb7: {  	_ =	swait.ge [sflag:s13], $0x7D0  }
.Ltmp2:
0xb8: {  	[sflag:s13] =	ssyncset.done $0x0;
	(pc) =	sbr.rel @p0 .LBB2_6-.Ltmp2, $4  }
0xb9: {  	[sflag:s13] =	ssyncadd.s32 $0xFFFFF830  }
0xba: {  	[spmem:s2] =	stream.indirect.scatter.add.f32 [tilespmem:s15], [sflag:$0x1], $0x10, s31, s14, $0xb8;
	[tilespmem:$0xB000] =	vst v63  }
0xbb: {  	_ =	swait.ge [sflag:s13], $0x7D0  }
0xbc: {  	s5 =	smov.u32 s6;
	[sflag:s13] =	ssyncset.done $0x0  }
0xbd: {  	s1 =	sadd.s32 s1, s11;
	[sflag:s13] =	ssyncadd.s32 $0xFFFFF830  }
0xbe: {  	[tilespmem:s3], [sflag:$0x1] =	stream.linear.gather [hbm4b:s1+s3], $0x800, $0x38;
	[tilespmem:$0xB000] =	vst v63  }
0xbf: {  	_ =	swait.ge [sflag:s13], $0x800  }
0xc0: {  	[sflag:s13] =	ssyncset.done $0x0  }
0xc1: {  	[sflag:s13] =	ssyncadd.s32 $0xFFFFF800  }
0xc2: {  	[spmem:s2] =	stream.indirect.scatter.add.f32 [tilespmem:s15], [sflag:$0x1], $0x10, s3, s14, $0xb8;
	[tilespmem:$0xB000] =	vst v63  }
0xc3: {  	_ =	swait.ge [sflag:s13], $0x7D0  }
0xc4: {  	[sflag:s13] =	ssyncset.done $0x0  }
0xc5: {  	[sflag:s13] =	ssyncadd.s32 $0xFFFFF830  }
0xc6: {  	[spmem:s2] =	stream.indirect.scatter.add.f32 [tilespmem:s15], [sflag:$0x1], $0x10, s16, s14, $0xb8;
	[tilespmem:$0xB000] =	vst v63  }
0xc7: {  	_ =	swait.ge [sflag:s13], $0x7D0  }
0xc8: {  	[sflag:s13] =	ssyncset.done $0x0  }
0xc9: {  	[sflag:s13] =	ssyncadd.s32 $0xFFFFF830  }
0xca: {  	[spmem:s2] =	stream.indirect.scatter.add.f32 [tilespmem:s15], [sflag:$0x1], $0x10, s17, s14, $0xb8;
	[tilespmem:$0xB000] =	vst v63  }
0xcb: {  	_ =	swait.ge [sflag:s13], $0x7D0  }
0xcc: {  	[sflag:s13] =	ssyncset.done $0x0  }
0xcd: {  	[sflag:s13] =	ssyncadd.s32 $0xFFFFF830  }
0xce: {  	[spmem:s2] =	stream.indirect.scatter.add.f32 [tilespmem:s15], [sflag:$0x1], $0x10, s18, s14, $0xb8;
	[tilespmem:$0xB000] =	vst v63  }
0xcf: {  	_ =	swait.ge [sflag:s13], $0x7D0  }
0xd0: {  	[sflag:s13] =	ssyncset.done $0x0  }
0xd1: {  	[sflag:s13] =	ssyncadd.s32 $0xFFFFF830  }
0xd2: {  	[spmem:s2] =	stream.indirect.scatter.add.f32 [tilespmem:s15], [sflag:$0x1], $0x10, s19, s14, $0xb8;
	[tilespmem:$0xB000] =	vst v63  }
0xd3: {  	_ =	swait.ge [sflag:s13], $0x7D0  }
0xd4: {  	[sflag:s13] =	ssyncset.done $0x0  }
0xd5: {  	[sflag:s13] =	ssyncadd.s32 $0xFFFFF830  }
0xd6: {  	[spmem:s2] =	stream.indirect.scatter.add.f32 [tilespmem:s15], [sflag:$0x1], $0x10, s20, s14, $0xb8;
	[tilespmem:$0xB000] =	vst v63  }
0xd7: {  	_ =	swait.ge [sflag:s13], $0x7D0  }
0xd8: {  	[sflag:s13] =	ssyncset.done $0x0  }
0xd9: {  	[sflag:s13] =	ssyncadd.s32 $0xFFFFF830  }
0xda: {  	[spmem:s2] =	stream.indirect.scatter.add.f32 [tilespmem:s15], [sflag:$0x1], $0x10, s21, s14, $0xb8;
	[tilespmem:$0xB000] =	vst v63  }
0xdb: {  	_ =	swait.ge [sflag:s13], $0x7D0  }
0xdc: {  	[sflag:s13] =	ssyncset.done $0x0  }
0xdd: {  	[sflag:s13] =	ssyncadd.s32 $0xFFFFF830  }
0xde: {  	[spmem:s2] =	stream.indirect.scatter.add.f32 [tilespmem:s15], [sflag:$0x1], $0x10, s22, s14, $0xb8;
	[tilespmem:$0xB000] =	vst v63  }
0xdf: {  	_ =	swait.ge [sflag:s13], $0x7D0  }
0xe0: {  	[sflag:s13] =	ssyncset.done $0x0  }
0xe1: {  	[sflag:s13] =	ssyncadd.s32 $0xFFFFF830  }
0xe2: {  	[spmem:s2] =	stream.indirect.scatter.add.f32 [tilespmem:s15], [sflag:$0x1], $0x10, s23, s14, $0xb8;
	[tilespmem:$0xB000] =	vst v63  }
0xe3: {  	_ =	swait.ge [sflag:s13], $0x7D0  }
0xe4: {  	[sflag:s13] =	ssyncset.done $0x0  }
0xe5: {  	[sflag:s13] =	ssyncadd.s32 $0xFFFFF830  }
0xe6: {  	[spmem:s2] =	stream.indirect.scatter.add.f32 [tilespmem:s15], [sflag:$0x1], $0x10, s24, s14, $0xb8;
	[tilespmem:$0xB000] =	vst v63  }
0xe7: {  	_ =	swait.ge [sflag:s13], $0x7D0  }
0xe8: {  	[sflag:s13] =	ssyncset.done $0x0  }
0xe9: {  	[sflag:s13] =	ssyncadd.s32 $0xFFFFF830  }
0xea: {  	[spmem:s2] =	stream.indirect.scatter.add.f32 [tilespmem:s15], [sflag:$0x1], $0x10, s25, s14, $0xb8;
	[tilespmem:$0xB000] =	vst v63  }
0xeb: {  	_ =	swait.ge [sflag:s13], $0x7D0  }
0xec: {  	[sflag:s13] =	ssyncset.done $0x0  }
0xed: {  	[sflag:s13] =	ssyncadd.s32 $0xFFFFF830  }
0xee: {  	[spmem:s2] =	stream.indirect.scatter.add.f32 [tilespmem:s15], [sflag:$0x1], $0x10, s26, s14, $0xb8;
	[tilespmem:$0xB000] =	vst v63  }
0xef: {  	_ =	swait.ge [sflag:s13], $0x7D0  }
0xf0: {  	[sflag:s13] =	ssyncset.done $0x0  }
0xf1: {  	[sflag:s13] =	ssyncadd.s32 $0xFFFFF830  }
0xf2: {  	[spmem:s2] =	stream.indirect.scatter.add.f32 [tilespmem:s15], [sflag:$0x1], $0x10, s28, s14, $0xb8;
	[tilespmem:$0xB000] =	vst v63  }
0xf3: {  	_ =	swait.ge [sflag:s13], $0x7D0  }
0xf4: {  	[sflag:s13] =	ssyncset.done $0x0  }
0xf5: {  	[sflag:s13] =	ssyncadd.s32 $0xFFFFF830  }
0xf6: {  	[spmem:s2] =	stream.indirect.scatter.add.f32 [tilespmem:s15], [sflag:$0x1], $0x10, s29, s14, $0xb8;
	[tilespmem:$0xB000] =	vst v63  }
0xf7: {  	_ =	swait.ge [sflag:s13], $0x7D0  }
0xf8: {  	[sflag:s13] =	ssyncset.done $0x0  }
0xf9: {  	[sflag:s13] =	ssyncadd.s32 $0xFFFFF830  }
0xfa: {  	[spmem:s2] =	stream.indirect.scatter.add.f32 [tilespmem:s15], [sflag:$0x1], $0x10, s30, s14, $0xb8;
	[tilespmem:$0xB000] =	vst v63  }
0xfb: {  	_ =	swait.ge [sflag:s13], $0x7D0  }
0xfc: {  	[sflag:s13] =	ssyncset.done $0x0  }
0xfd: {  	[sflag:s13] =	ssyncadd.s32 $0xFFFFF830  }
0xfe: {  	[spmem:s2] =	stream.indirect.scatter.add.f32 [tilespmem:s15], [sflag:$0x1], $0x10, s31, s14, $0xb8;
	[tilespmem:$0xB000] =	vst v63  }
0xff: {  	_ =	swait.ge [sflag:s13], $0x7D0  }
0x100: {  	[sflag:s13] =	ssyncset.done $0x0  }
0x101: {  	s6 =	stileid.u32;
	[sflag:s13] =	ssyncadd.s32 $0xFFFFF830  }
0x102: {  	s1 =	sshll.u32 s6, $0x6;
	[bflag:$0x0] =	sbarrier.arrive $0xFFFF  }
0x103: {  	s5 =	sshrl.u32 s4, $0x3;
	s1 =	sor.u32 $0x1C01, s1;
	s6 =	rddreg [dreg:$0x4]  }
0x104: {  	[hbm:s6], [sflag:s1] =	dma.local [spmem:s5], $0x2800  }
0x105: {  	_ =	swait.ge [sflag:s13], $0x2800  }
0x106: {  	s0 =	sadd.s32 $0x1, s0;
	s7 =	rddreg [dreg:$0x5]  }
0x107: {  	p0 =	sne.s32 s0, s7  }
.Ltmp3:
0x108: {  	_ = 	snop;
	(pc) =	sbr.rel @p0 .LBB2_1-.Ltmp3, $3  }
0x109: {  	_ =	sdelay $0x1  }
0x10a: {  	[sflag:s13] =	ssyncset.done $0x0  }
0x10b: {  	[sflag:s13] =	ssyncadd.s32 $0xFFFFD800  }
0x10c: {  	_ =	sfence.sel $0x180000  }
0x10d: {  	[bflag:$0x0] =	sbarrier.arrive $0xFFFF  }
0x10e: {  	_ =	strace $0x90000047  }
0x10f: {  	s0 =	stileid.u32;
	[bflag:$0x2] =	sbarrier.arrive $0xFFFF  }
0x110: {  	p0 =	sne.s32 s0, $0x0;
	s0 =	rddreg [dreg:$0x3]  }
0x111: {  	s0 =	sadd.s32 @!p0 $0x100000, s0  }
0x112: {  	[sflag:s0] =	ssyncadd.tile.s32 @!p0 $0x1;
	_ =	shalt  }
.Lfunc_end2:
_tile_overlayer_lowered:
.L_overlay_start_2:
0x113: {  	(tag) =	ssettag $0x2  }
0x114: {  	s0 =	rddreg [dreg:$0x0];
	s2 =	stileid.u32  }
0x115: {  	s1 =	rddreg [dreg:$0x1];
	p0 =	sne.s32 s2, $0x0  }
0x116: {  	s3 =	rddreg [dreg:$0x2];
	[bflag:$0x3] =	sbarrier.arrive $0xFFFF;
	s2 =	simm.s32 @!p0 $0x1C01  }
0x117: {  	[timem:s3], [sflag:s2] =	dma.local @!p0 [hbm:s0], s1  }
0x118: {  	s0 =	simm.s32 @!p0 $0x1  }
0x119: {  	_ =	swait.ge @!p0 [sflag:s0], s1  }
0x11a: {  	s1 =	ssub.s32 @!p0 $0x0, s1;
	[sflag:s0] =	ssyncset.done @!p0 $0x0  }
0x11b: {  	[sflag:s0] =	ssyncadd.s32 @!p0 s1  }
0x11c: {  	[bflag:$0x3] =	sbarrier.arrive $0xFFFF  }
0x11d: {  	_ =	shalt  }

</sc_bundles>
